<compile_context>
chip_gen: v7x
topology: tpu7x:2x2x1
jax: 0.10.2.dev20260603
libtpu: 0.0.44.dev20260713+nightly
codegen_flags: <defaults>
</compile_context>

<pallas_src>
import functools

import jax
import jax.numpy as jnp
from jax import lax
from jax.experimental import pallas as pl
from jax.experimental.pallas import tpu as pltpu
from jax.experimental.pallas import tpu_sc as plsc

N = 10000
E = 320000
H = 128
NPAD = 10240
ROWS = NPAD // 128
P = 4096
NC = 2
NS = 16
NW = NC * NS
EPT = E // NW
EG = EPT // 16
DUMMY = N

_mesh = plsc.VectorSubcoreMesh(core_axis_name="c", subcore_axis_name="s")


def _wid():
    return lax.axis_index("s") * NC + lax.axis_index("c")


def _iota16():
    return lax.iota(jnp.int32, 16)


@functools.partial(
    pl.kernel,
    out_type=(
        jax.ShapeDtypeStruct((NC, ROWS, 128), jnp.float32),
        jax.ShapeDtypeStruct((NC, ROWS, 128), jnp.float32),
        jax.ShapeDtypeStruct((NW, ROWS, 128), jnp.int32),
        jax.ShapeDtypeStruct((NW, ROWS, 128), jnp.int32),
        jax.ShapeDtypeStruct((NW, 16), jnp.int32),
    ),
    mesh=_mesh,
    compiler_params=pltpu.CompilerParams(needs_layout_passes=False),
    scratch_types=[
        pltpu.VMEM((N,), jnp.int32),
        pltpu.VMEM((N,), jnp.int32),
        pltpu.VMEM((N,), jnp.int32),
        pltpu.VMEM((EPT,), jnp.int32),
        pltpu.VMEM((EPT,), jnp.int32),
        pltpu.VMEM((ROWS, 128), jnp.float32),
        pltpu.VMEM((ROWS, 128), jnp.float32),
        pltpu.VMEM((ROWS, 128), jnp.int32),
        pltpu.VMEM((ROWS, 128), jnp.int32),
        pltpu.VMEM((ROWS, 128), jnp.float32),
        pltpu.VMEM((ROWS,), jnp.int32),
        pltpu.VMEM((16,), jnp.int32),
        pltpu.VMEM_SHARED((ROWS, 128), jnp.float32),
        pltpu.VMEM_SHARED((ROWS, 128), jnp.float32),
    ],
)
def _sc_edges(lv_hbm, gt_hbm, src_hbm, dst_hbm,
              dego_hbm, degi_hbm, csrc_hbm, cdst_hbm, counts_hbm,
              lv_v, gt_v, key_v, es_v, ed_v, dego_v, degi_v, csrc_v, cdst_v,
              zbuf, idxv, stage16, dego_sh, degi_sh):
    c = lax.axis_index("c")
    s = lax.axis_index("s")
    wid = _wid()

    pltpu.sync_copy(lv_hbm, lv_v)
    pltpu.sync_copy(gt_hbm, gt_v)
    pltpu.sync_copy(src_hbm.at[pl.ds(wid * EPT, EPT)], es_v)
    pltpu.sync_copy(dst_hbm.at[pl.ds(wid * EPT, EPT)], ed_v)

    def key_body(i, _):
        lv16 = lv_v[pl.ds(i * 16, 16)]
        gt16 = gt_v[pl.ds(i * 16, 16)]
        valid = ((lv16 >= 1) & (lv16 <= 7)) & ((gt16 == 1) | (gt16 == 2))
        key_v[pl.ds(i * 16, 16)] = jnp.where(valid, lv16 * 4 + gt16,
                                             jnp.full((16,), -1, jnp.int32))
        return 0
    lax.fori_loop(0, N // 16, key_body, 0)

    zf = jnp.zeros((16,), jnp.float32)
    zi = jnp.zeros((16,), jnp.int32)
    dumv = jnp.full((16,), DUMMY, jnp.int32)

    def zero_body(j, _):
        r = j >> 3
        k = j & 7
        dego_v[r, pl.ds(k * 16, 16)] = zf
        degi_v[r, pl.ds(k * 16, 16)] = zf
        zbuf[r, pl.ds(k * 16, 16)] = zf
        csrc_v[r, pl.ds(k * 16, 16)] = zi
        cdst_v[r, pl.ds(k * 16, 16)] = dumv
        return 0
    lax.fori_loop(0, ROWS * 8, zero_body, 0)

    ones_f = jnp.ones((16,), jnp.float32)

    def edge_body(i, cnt):
        s16 = es_v[pl.ds(i * 16, 16)]
        d16 = ed_v[pl.ds(i * 16, 16)]
        ks = plsc.load_gather(key_v, [s16])
        kd = plsc.load_gather(key_v, [d16])
        m = (ks == kd) & (ks >= 0)
        plsc.addupdate_scatter(dego_v, [s16 >> 7, s16 & 127], ones_f, mask=m)
        plsc.addupdate_scatter(degi_v, [d16 >> 7, d16 & 127], ones_f, mask=m)
        mi = m.astype(jnp.int32)
        pos = cnt + jnp.cumsum(mi) - 1
        plsc.store_scatter(csrc_v, [pos >> 7, pos & 127], s16, mask=m)
        plsc.store_scatter(cdst_v, [pos >> 7, pos & 127], d16, mask=m)
        return cnt + jnp.sum(mi)
    cnt = lax.fori_loop(0, EG, edge_body, jnp.int32(0))

    pltpu.sync_copy(csrc_v, csrc_hbm.at[wid])
    pltpu.sync_copy(cdst_v, cdst_hbm.at[wid])
    stage16[...] = jnp.full((16,), cnt, jnp.int32)
    pltpu.sync_copy(stage16, counts_hbm.at[wid])

    def idx_body(k, _):
        idxv[pl.ds(k * 16, 16)] = k * 16 + _iota16()
        return 0
    lax.fori_loop(0, ROWS // 16, idx_body, 0)

    @pl.when(s == 0)
    def _():
        pltpu.sync_copy(zbuf, dego_sh)
        pltpu.sync_copy(zbuf, degi_sh)
    plsc.subcore_barrier()
    pltpu.sync_copy(dego_v, dego_sh.at[idxv], add=True)
    pltpu.sync_copy(degi_v, degi_sh.at[idxv], add=True)
    plsc.subcore_barrier()

    @pl.when(s == 0)
    def _():
        pltpu.sync_copy(dego_sh, dego_hbm.at[c])
        pltpu.sync_copy(degi_sh, degi_hbm.at[c])


def _nrsqrt(x):
    i = plsc.bitcast(x, jnp.int32)
    y = plsc.bitcast(jnp.int32(0x5F3759DF) - (i >> 1), jnp.float32)
    for _ in range(3):
        y = y * (1.5 - 0.5 * x * y * y)
    return y


CH = 64


@functools.partial(
    pl.kernel,
    out_type=(
        jax.ShapeDtypeStruct((NC, NPAD, 128), jnp.float32),
        jax.ShapeDtypeStruct((NC, ROWS, 128), jnp.float32),
    ),
    mesh=_mesh,
    compiler_params=pltpu.CompilerParams(needs_layout_passes=False),
    scratch_types=[
        pltpu.VMEM((NPAD,), jnp.float32),
        pltpu.VMEM((NPAD,), jnp.float32),
        pltpu.VMEM((CH,), jnp.int32),
        pltpu.VMEM((CH,), jnp.int32),
        pltpu.VMEM((CH, 128), jnp.float32),
        pltpu.VMEM((ROWS, 128), jnp.float32),
        pltpu.VMEM((CH,), jnp.float32),
        pltpu.VMEM((ROWS,), jnp.int32),
        pltpu.VMEM((16,), jnp.int32),
        pltpu.SemaphoreType.DMA,
        pltpu.VMEM_SHARED((NPAD, 128), jnp.float32),
        pltpu.VMEM_SHARED((ROWS, 128), jnp.float32),
    ],
)
def _sc_gather(x_hbm, dego_p_hbm, csrc_hbm, cdst_hbm, counts_hbm,
               a_hbm, s_hbm,
               dego_v, tmp_v, csrcbuf, cdstbuf, rows_v, S2d, ns_chunk, idxv,
               cnt16, sem, A_sh, S_sh):
    c = lax.axis_index("c")
    s = lax.axis_index("s")
    wid = _wid()

    zf = jnp.zeros((16,), jnp.float32)

    def zero_body(j, _):
        r = j >> 3
        k = j & 7
        rows_v[r, pl.ds(k * 16, 16)] = zf
        return 0
    lax.fori_loop(0, CH * 8, zero_body, 0)

    def zero_s_body(j, _):
        r = j >> 3
        k = j & 7
        S2d[r, pl.ds(k * 16, 16)] = zf
        return 0
    lax.fori_loop(0, ROWS * 8, zero_s_body, 0)

    for q in range(NPAD // CH // NS):
        pltpu.sync_copy(rows_v, A_sh.at[pl.ds((s * 10 + q) * CH, CH)])

    @pl.when(s == 0)
    def _():
        pltpu.sync_copy(S2d, S_sh)

    pltpu.sync_copy(dego_p_hbm.at[0], dego_v)
    pltpu.sync_copy(dego_p_hbm.at[1], tmp_v)

    def merge_body(j, _):
        sl = pl.ds(j * 16, 16)
        dego_v[sl] = dego_v[sl] + tmp_v[sl]
        return 0
    lax.fori_loop(0, NPAD // 16, merge_body, 0)

    pltpu.sync_copy(counts_hbm.at[wid], cnt16)
    cnt = cnt16[pl.ds(0, 16)][0]
    nchunks = (cnt + CH - 1) >> 6

    plsc.subcore_barrier()

    def chunk_body(j, _):
        pltpu.sync_copy(csrc_hbm.at[wid, pl.ds(j * CH, CH)], csrcbuf)
        pltpu.sync_copy(cdst_hbm.at[wid, pl.ds(j * CH, CH)], cdstbuf)
        pltpu.async_copy(x_hbm.at[csrcbuf], rows_v, sem).wait()
        for k in range(CH // 16):
            s16 = csrcbuf[pl.ds(k * 16, 16)]
            d16 = cdstbuf[pl.ds(k * 16, 16)]
            dg = plsc.load_gather(dego_v, [s16])
            ns16 = _nrsqrt(jnp.maximum(dg, 1.0))
            plsc.addupdate_scatter(S2d, [d16 >> 7, d16 & 127], ns16)
            ns_chunk[pl.ds(k * 16, 16)] = ns16

        def rbody(r, _):
            cf = plsc.load_gather(ns_chunk, [jnp.full((16,), r, jnp.int32)])
            for h2 in range(8):
                sl = pl.ds(h2 * 16, 16)
                rows_v[r, sl] = rows_v[r, sl] * cf
            return 0
        lax.fori_loop(0, CH, rbody, 0)
        pltpu.sync_copy(rows_v, A_sh.at[cdstbuf], add=True)
        return 0
    lax.fori_loop(0, nchunks, chunk_body, 0)

    def idx_body(k, _):
        idxv[pl.ds(k * 16, 16)] = k * 16 + _iota16()
        return 0
    lax.fori_loop(0, ROWS // 16, idx_body, 0)
    pltpu.sync_copy(S2d, S_sh.at[idxv], add=True)
    plsc.subcore_barrier()

    @pl.when(s == 0)
    def _():
        pltpu.sync_copy(A_sh, a_hbm.at[c])
        pltpu.sync_copy(S_sh, s_hbm.at[c])


BR = 1024


def _tc_body(a0, a1, s0, s1, di0, di1, gt, lv,
             wcs_a, wcf_a, wih_sa, whh_sa, wih_fa, whh_fa,
             wcs_o, wcf_o, wih_so, whh_so, wih_fo, whh_fo,
             bcs_a, bcf_a, bih_sa, bhh_sa, bih_fa, bhh_fa,
             bcs_o, bcf_o, bih_so, bhh_so, bih_fo, bhh_fo,
             wprob, wrc, bprob, brc,
             hs_o, hf_o, prob_o, q1_o, q2_o):
    f32 = jnp.float32
    A = a0[...] + a1[...]
    di = di0[...] + di1[...]
    ni = lax.rsqrt(jnp.maximum(di, 1.0))
    Ai = A * ni
    S = (s0[...] + s1[...]) * ni

    def gru1(msg, Wih, Whh, bih, bhh):
        gi = lax.dot_general(msg, Wih[...], (((1,), (1,)), ((), ())),
                             preferred_element_type=f32)
        gh = jnp.sum(Whh[...], axis=1) + bhh[...]
        r = jax.nn.sigmoid(gi[:, :H] + gh[None, :H])
        z = jax.nn.sigmoid(gi[:, H:2 * H] + gh[None, H:2 * H])
        n_ = jnp.tanh(gi[:, 2 * H:] + r * gh[None, 2 * H:])
        return (1.0 - z) * n_ + z

    outs = {}
    for nm, (wcs, wcf, wih_s, whh_s, wih_f, whh_f,
             bcs, bcf, bih_s, bhh_s, bih_f, bhh_f) in {
            'and': (wcs_a, wcf_a, wih_sa, whh_sa, wih_fa, whh_fa,
                    bcs_a, bcf_a, bih_sa, bhh_sa, bih_fa, bhh_fa),
            'or': (wcs_o, wcf_o, wih_so, whh_so, wih_fo, whh_fo,
                   bcs_o, bcf_o, bih_so, bhh_so, bih_fo, bhh_fo)}.items():
        msg_s = jnp.maximum(
            lax.dot_general(Ai, wcs[...], (((1,), (0,)), ((), ())),
                            preferred_element_type=f32) + bcs[...][None, :],
            0.0)
        wf = wcf[...]
        wfb = jnp.sum(wf[H:, :], axis=0)
        msg_f = jnp.maximum(
            lax.dot_general(Ai, wf[:H, :], (((1,), (0,)), ((), ())),
                            preferred_element_type=f32)
            + S * wfb[None, :] + bcf[...][None, :], 0.0)
        outs['hs_' + nm] = gru1(msg_s, wih_s, whh_s, bih_s[...], bhh_s[...])
        outs['hf_' + nm] = gru1(msg_f, wih_f, whh_f, bih_f[...], bhh_f[...])

    gti = gt[...]
    lvi = lv[...]
    valid = ((lvi >= 1) & (lvi <= 7)) & ((gti == 1) | (gti == 2))
    is_and = gti == 1
    hs = jnp.where(valid, jnp.where(is_and, outs['hs_and'], outs['hs_or']), 1.0)
    hf = jnp.where(valid, jnp.where(is_and, outs['hf_and'], outs['hf_or']), 1.0)
    hs_o[...] = hs
    hf_o[...] = hf
    ph = lax.dot_general(hf, wprob[...], (((1,), (0,)), ((), ())),
                         preferred_element_type=f32)
    prob_o[...] = jax.nn.sigmoid(ph[:, 0:1] + bprob[0, 0])
    qh = lax.dot_general(hs, wrc[...], (((1,), (0,)), ((), ())),
                         preferred_element_type=f32)
    q1_o[...] = qh[:, 0:1] + brc[0, 0]
    q2_o[...] = qh[:, 1:2]


def _tc_dense(a0, a1, s0, s1, di0, di1, gt2, lv2, weights):
    nblk = NPAD // BR
    row_spec = pl.BlockSpec((BR, 128), lambda i: (i, 0))
    col_spec = pl.BlockSpec((BR, 1), lambda i: (i, 0))

    def full(arr):
        return pl.BlockSpec(arr.shape, lambda i: tuple(0 for _ in arr.shape))

    in_specs = ([row_spec, row_spec, col_spec, col_spec, col_spec, col_spec,
                 col_spec, col_spec] + [full(w) for w in weights])
    out_specs = (row_spec, row_spec, col_spec, col_spec, col_spec)
    out_shape = (
        jax.ShapeDtypeStruct((NPAD, 128), jnp.float32),
        jax.ShapeDtypeStruct((NPAD, 128), jnp.float32),
        jax.ShapeDtypeStruct((NPAD, 1), jnp.float32),
        jax.ShapeDtypeStruct((NPAD, 1), jnp.float32),
        jax.ShapeDtypeStruct((NPAD, 1), jnp.float32),
    )
    return pl.pallas_call(
        _tc_body,
        grid=(nblk,),
        in_specs=in_specs,
        out_specs=out_specs,
        out_shape=out_shape,
        compiler_params=pltpu.CompilerParams(
            dimension_semantics=("arbitrary",)),
    )(a0, a1, s0, s1, di0, di1, gt2, lv2, *weights)


@functools.partial(
    pl.kernel,
    out_type=jax.ShapeDtypeStruct((NW, 128), jnp.float32),
    mesh=_mesh,
    compiler_params=pltpu.CompilerParams(needs_layout_passes=False),
    scratch_types=[
        pltpu.VMEM((NPAD,), jnp.float32),
        pltpu.VMEM((NPAD,), jnp.float32),
        pltpu.VMEM((128,), jnp.int32),
        pltpu.VMEM((128,), jnp.int32),
        pltpu.VMEM((128,), jnp.float32),
    ],
)
def _sc_rc(q1_hbm, q2_hbm, rc0_hbm, rc1_hbm, out_hbm, q1_v, q2_v, r0, r1, o):
    wid = _wid()
    pltpu.sync_copy(q1_hbm, q1_v)
    pltpu.sync_copy(q2_hbm, q2_v)
    pltpu.sync_copy(rc0_hbm.at[pl.ds(wid * 128, 128)], r0)
    pltpu.sync_copy(rc1_hbm.at[pl.ds(wid * 128, 128)], r1)
    for k in range(8):
        sl = pl.ds(k * 16, 16)
        g = (plsc.load_gather(q1_v, [r0[sl]])
             + plsc.load_gather(q2_v, [r1[sl]]))
        o[sl] = 1.0 / (1.0 + jnp.exp(-g))
    pltpu.sync_copy(o, out_hbm.at[wid])


def kernel(x, edge_index, forward_level, gate, rc_pair_index,
           Wc_and_strc, bc_and_strc, Wih_and_strc, Whh_and_strc,
           bih_and_strc, bhh_and_strc,
           Wc_and_func, bc_and_func, Wih_and_func, Whh_and_func,
           bih_and_func, bhh_and_func,
           Wc_or_strc, bc_or_strc, Wih_or_strc, Whh_or_strc,
           bih_or_strc, bhh_or_strc,
           Wc_or_func, bc_or_func, Wih_or_func, Whh_or_func,
           bih_or_func, bhh_or_func,
           W_prob, b_prob, W_rc, b_rc):
    src = edge_index[0]
    dst = edge_index[1]

    dego_p, degi_p, csrc, cdst, counts = _sc_edges(
        forward_level, gate, src, dst)

    a_p, s_p = _sc_gather(
        x, dego_p.reshape(NC, NPAD), csrc.reshape(NW, NPAD),
        cdst.reshape(NW, NPAD), counts)

    a0 = a_p[0]
    a1 = a_p[1]
    s0 = s_p[0].reshape(NPAD, 1)
    s1 = s_p[1].reshape(NPAD, 1)
    di0 = degi_p[0].reshape(NPAD, 1)
    di1 = degi_p[1].reshape(NPAD, 1)
    gt2 = jnp.pad(gate, (0, NPAD - N)).reshape(NPAD, 1)
    lv2 = jnp.pad(forward_level, (0, NPAD - N)).reshape(NPAD, 1)

    weights = [
        Wc_and_strc, Wc_and_func, Wih_and_strc, Whh_and_strc,
        Wih_and_func, Whh_and_func,
        Wc_or_strc, Wc_or_func, Wih_or_strc, Whh_or_strc,
        Wih_or_func, Whh_or_func,
        bc_and_strc, bc_and_func, bih_and_strc, bhh_and_strc,
        bih_and_func, bhh_and_func,
        bc_or_strc, bc_or_func, bih_or_strc, bhh_or_strc,
        bih_or_func, bhh_or_func,
        jnp.pad(W_prob.T, ((0, 0), (0, 127))),
        jnp.pad(W_rc.reshape(2, H).T, ((0, 0), (0, 126))),
        b_prob.reshape(1, 1), b_rc.reshape(1, 1),
    ]
    hs_pad, hf_pad, prob_pad, q1, q2 = _tc_dense(
        a0, a1, s0, s1, di0, di1, gt2, lv2, weights)

    isrc = _sc_rc(q1.reshape(NPAD), q2.reshape(NPAD),
                  rc_pair_index[0], rc_pair_index[1])

    return (hs_pad[:N], hf_pad[:N], prob_pad[:N], isrc.reshape(P, 1))

# --- scband reference (transcript-rebuilt; emitter-appended) ---
"""Pipeline reference for scband-mlpgate-dgl-bad-18004502904919 (READ-ONLY COPY).

The authoritative reference and input builder live on the scoring server;
editing this copy changes nothing except your own understanding.
"""

import jax, jax.numpy as jnp
import numpy as np

N = 10000
E = 320000
H = 128
NUM_LEVELS = 8
NUM_ROUNDS = 1
P = 4096


def setup_inputs(seed: int = 0) -> dict:
    key = jax.random.key(seed)
    ks = jax.random.split(key, 40)
    def p(i, shape):
        return jax.random.normal(ks[i], shape, jnp.float32) * 0.05
    inp = {}
    inp['x'] = jax.random.normal(ks[0], (N, H), jnp.float32)
    inp['edge_index'] = jax.random.randint(ks[1], (2, E), 0, N)
    inp['forward_level'] = jax.random.randint(ks[2], (N,), 0, NUM_LEVELS)
    inp['gate'] = jax.random.randint(ks[3], (N,), 0, 3)
    inp['rc_pair_index'] = jax.random.randint(ks[4], (2, P), 0, N)
    i = 5
    for name, din in [('and_strc', H), ('and_func', 2 * H), ('or_strc', H), ('or_func', 2 * H)]:
        inp['Wc_' + name] = p(i, (din, H)); i += 1
        inp['bc_' + name] = jnp.zeros((H,), jnp.float32)
        inp['Wih_' + name] = p(i, (3 * H, H)); i += 1
        inp['Whh_' + name] = p(i, (3 * H, H)); i += 1
        inp['bih_' + name] = jnp.zeros((3 * H,), jnp.float32)
        inp['bhh_' + name] = jnp.zeros((3 * H,), jnp.float32)
    inp['W_prob'] = p(i, (1, H)); i += 1
    inp['b_prob'] = jnp.zeros((1,), jnp.float32)
    inp['W_rc'] = p(i, (1, 2 * H)); i += 1
    inp['b_rc'] = jnp.zeros((1,), jnp.float32)
    return inp


def _graph_conv(feat, W, b, src, dst, m):
    # DGL GraphConv(norm='both') restricted to the node-induced subgraph given by mask m
    w = (m[src] & m[dst]).astype(feat.dtype)
    deg_o = jax.ops.segment_sum(w, src, num_segments=N)
    deg_i = jax.ops.segment_sum(w, dst, num_segments=N)
    ns = 1.0 / jnp.sqrt(jnp.clip(deg_o, 1.0))
    ni = 1.0 / jnp.sqrt(jnp.clip(deg_i, 1.0))
    h = feat * ns[:, None]
    agg = jax.ops.segment_sum(h[src] * w[:, None], dst, num_segments=N)
    agg = agg * ni[:, None]
    return jax.nn.relu(agg @ W + b)


def _gru(xin, h, Wih, Whh, bih, bhh):
    gi = xin @ Wih.T + bih
    gh = h @ Whh.T + bhh
    ir, iz, inn = jnp.split(gi, 3, axis=1)
    hr, hz, hn = jnp.split(gh, 3, axis=1)
    r = jax.nn.sigmoid(ir + hr)
    z = jax.nn.sigmoid(iz + hz)
    nn_ = jnp.tanh(inn + r * hn)
    return (1.0 - z) * nn_ + z * h


def _forward(x, edge_index, forward_level, gate, rc_pair_index, prm):
    src, dst = edge_index[0], edge_index[1]
    hs = jnp.ones((N, H), x.dtype)
    hf = jnp.ones((N, H), x.dtype)
    for _ in range(NUM_ROUNDS):
        for level in range(1, NUM_LEVELS):
            lmask = forward_level == level
            for gval, name in [(1, 'and'), (2, 'or')]:
                m = lmask & (gate == gval)
                mf = m[:, None]
                s = name + '_strc'
                f = name + '_func'
                msg = jax.nn.relu(_graph_conv(x, prm['Wc_' + s], prm['bc_' + s], src, dst, m))
                hs_old = hs
                hs_new = _gru(msg, hs, prm['Wih_' + s], prm['Whh_' + s], prm['bih_' + s], prm['bhh_' + s])
                hs = jnp.where(mf, hs_new, hs)
                cat = jnp.concatenate([x, hs_old], axis=1)
                msg_f = jax.nn.relu(_graph_conv(cat, prm['Wc_' + f], prm['bc_' + f], src, dst, m))
                hf_new = _gru(msg_f, hf, prm['Wih_' + f], prm['Whh_' + f], prm['bih_' + f], prm['bhh_' + f])
                hf = jnp.where(mf, hf_new, hf)
    prob = jax.nn.sigmoid(hf @ prm['W_prob'].T + prm['b_prob'])
    rc_emb = jnp.concatenate([hs[rc_pair_index[0]], hs[rc_pair_index[1]]], axis=1)
    is_rc = jax.nn.sigmoid(rc_emb @ prm['W_rc'].T + prm['b_rc'])
    return hs, hf, prob, is_rc


def reference(x, edge_index, forward_level, gate, rc_pair_index,
              Wc_and_strc, bc_and_strc, Wih_and_strc, Whh_and_strc, bih_and_strc, bhh_and_strc,
              Wc_and_func, bc_and_func, Wih_and_func, Whh_and_func, bih_and_func, bhh_and_func,
              Wc_or_strc, bc_or_strc, Wih_or_strc, Whh_or_strc, bih_or_strc, bhh_or_strc,
              Wc_or_func, bc_or_func, Wih_or_func, Whh_or_func, bih_or_func, bhh_or_func,
              W_prob, b_prob, W_rc, b_rc):
    prm = {
        'Wc_and_strc': Wc_and_strc, 'bc_and_strc': bc_and_strc,
        'Wih_and_strc': Wih_and_strc, 'Whh_and_strc': Whh_and_strc,
        'bih_and_strc': bih_and_strc, 'bhh_and_strc': bhh_and_strc,
        'Wc_and_func': Wc_and_func, 'bc_and_func': bc_and_func,
        'Wih_and_func': Wih_and_func, 'Whh_and_func': Whh_and_func,
        'bih_and_func': bih_and_func, 'bhh_and_func': bhh_and_func,
        'Wc_or_strc': Wc_or_strc, 'bc_or_strc': bc_or_strc,
        'Wih_or_strc': Wih_or_strc, 'Whh_or_strc': Whh_or_strc,
        'bih_or_strc': bih_or_strc, 'bhh_or_strc': bhh_or_strc,
        'Wc_or_func': Wc_or_func, 'bc_or_func': bc_or_func,
        'Wih_or_func': Wih_or_func, 'Whh_or_func': Whh_or_func,
        'bih_or_func': bih_or_func, 'bhh_or_func': bhh_or_func,
        'W_prob': W_prob, 'b_prob': b_prob,
        'W_rc': W_rc, 'b_rc': b_rc,
    }
    return _forward(x, edge_index, forward_level, gate, rc_pair_index, prm)

if __name__ == "__main__":
    import jax
    _d = setup_inputs()
    print(jax.jit(kernel)(*tuple(_d.values())))

</pallas_src>

<mosaic_0001>
#map = affine_map<(d0, d1) -> (0)>
#map1 = affine_map<(d0, d1) -> (0, 0)>
module attributes {stable_mosaic.version = 14 : i64} {
  func.func @_sc_rc(%arg0: i32, %arg1: i32, %arg2: memref<10240xf32, #tpu.memory_space<hbm>>, %arg3: memref<10240xf32, #tpu.memory_space<hbm>>, %arg4: memref<4096xi32, #tpu.memory_space<hbm>>, %arg5: memref<4096xi32, #tpu.memory_space<hbm>>, %arg6: memref<32x128xf32, #tpu.memory_space<hbm>>, %arg7: memref<10240xf32, #tpu.memory_space<vmem>>, %arg8: memref<10240xf32, #tpu.memory_space<vmem>>, %arg9: memref<128xi32, #tpu.memory_space<vmem>>, %arg10: memref<128xi32, #tpu.memory_space<vmem>>, %arg11: memref<128xf32, #tpu.memory_space<vmem>>) attributes {dimension_semantics = [#tpu.dimension_semantics<core_parallel>, #tpu.dimension_semantics<subcore_parallel>], iteration_bounds = array<i64: 2, 16>, scalar_prefetch = 0 : i64, scratch_operands = 5 : i64, tpu.core_type = #tpu.core_type<sc_vector_subcore>, window_params = [{transform_indices = #map}, {transform_indices = #map}, {transform_indices = #map}, {transform_indices = #map}, {transform_indices = #map1}]} {
    %mul3A = arith.constant 2 : i32
    %mul3A_0 = arith.muli %arg1, %mul3A : i32
    %add3A = arith.addi %mul3A_0, %arg0 : i32
    "tpu.region"() ({
      %run_scoped3A = tpu.sem_alloc : memref<!tpu.dma_semaphore, #tpu.memory_space<semaphore_mem>>
      tpu.enqueue_dma source(%arg2 : memref<10240xf32, #tpu.memory_space<hbm>>) target(%arg7 : memref<10240xf32, #tpu.memory_space<vmem>>) target_semaphore(%run_scoped3A : memref<!tpu.dma_semaphore, #tpu.memory_space<semaphore_mem>>)
      tpu.wait_dma2 semaphore(%run_scoped3A : memref<!tpu.dma_semaphore, #tpu.memory_space<semaphore_mem>>) src(%arg2 : memref<10240xf32, #tpu.memory_space<hbm>>) dst(%arg7 : memref<10240xf32, #tpu.memory_space<vmem>>)
      tpu.yield
    }) : () -> ()
    "tpu.region"() ({
      %run_scoped3A = tpu.sem_alloc : memref<!tpu.dma_semaphore, #tpu.memory_space<semaphore_mem>>
      tpu.enqueue_dma source(%arg3 : memref<10240xf32, #tpu.memory_space<hbm>>) target(%arg8 : memref<10240xf32, #tpu.memory_space<vmem>>) target_semaphore(%run_scoped3A : memref<!tpu.dma_semaphore, #tpu.memory_space<semaphore_mem>>)
      tpu.wait_dma2 semaphore(%run_scoped3A : memref<!tpu.dma_semaphore, #tpu.memory_space<semaphore_mem>>) src(%arg3 : memref<10240xf32, #tpu.memory_space<hbm>>) dst(%arg8 : memref<10240xf32, #tpu.memory_space<vmem>>)
      tpu.yield
    }) : () -> ()
    %mul3A_1 = arith.constant 128 : i32
    %mul3A_2 = arith.muli %add3A, %mul3A_1 : i32
    "tpu.region"() ({
      %run_scoped3A = tpu.sem_alloc : memref<!tpu.dma_semaphore, #tpu.memory_space<semaphore_mem>>
      %dma_start3A = tpu.memref_slice %arg4[%mul3A_2] : memref<4096xi32, #tpu.memory_space<hbm>> -> memref<128xi32, #tpu.memory_space<hbm>>
      %dma_start3A_151 = tpu.memref_slice %arg4[%mul3A_2] : memref<4096xi32, #tpu.memory_space<hbm>> -> memref<128xi32, #tpu.memory_space<hbm>>
      tpu.enqueue_dma source(%dma_start3A_151 : memref<128xi32, #tpu.memory_space<hbm>>) target(%arg9 : memref<128xi32, #tpu.memory_space<vmem>>) target_semaphore(%run_scoped3A : memref<!tpu.dma_semaphore, #tpu.memory_space<semaphore_mem>>)
      %dma_wait3A = tpu.memref_slice %arg4[%mul3A_2] : memref<4096xi32, #tpu.memory_space<hbm>> -> memref<128xi32, #tpu.memory_space<hbm>>
      %dma_wait3A_152 = tpu.memref_slice %arg4[%mul3A_2] : memref<4096xi32, #tpu.memory_space<hbm>> -> memref<128xi32, #tpu.memory_space<hbm>>
      tpu.wait_dma2 semaphore(%run_scoped3A : memref<!tpu.dma_semaphore, #tpu.memory_space<semaphore_mem>>) src(%dma_wait3A_152 : memref<128xi32, #tpu.memory_space<hbm>>) dst(%arg9 : memref<128xi32, #tpu.memory_space<vmem>>)
      tpu.yield
    }) : () -> ()
    %mul3A_3 = arith.constant 128 : i32
    %mul3A_4 = arith.muli %add3A, %mul3A_3 : i32
    "tpu.region"() ({
      %run_scoped3A = tpu.sem_alloc : memref<!tpu.dma_semaphore, #tpu.memory_space<semaphore_mem>>
      %dma_start3A = tpu.memref_slice %arg5[%mul3A_4] : memref<4096xi32, #tpu.memory_space<hbm>> -> memref<128xi32, #tpu.memory_space<hbm>>
      %dma_start3A_151 = tpu.memref_slice %arg5[%mul3A_4] : memref<4096xi32, #tpu.memory_space<hbm>> -> memref<128xi32, #tpu.memory_space<hbm>>
      tpu.enqueue_dma source(%dma_start3A_151 : memref<128xi32, #tpu.memory_space<hbm>>) target(%arg10 : memref<128xi32, #tpu.memory_space<vmem>>) target_semaphore(%run_scoped3A : memref<!tpu.dma_semaphore, #tpu.memory_space<semaphore_mem>>)
      %dma_wait3A = tpu.memref_slice %arg5[%mul3A_4] : memref<4096xi32, #tpu.memory_space<hbm>> -> memref<128xi32, #tpu.memory_space<hbm>>
      %dma_wait3A_152 = tpu.memref_slice %arg5[%mul3A_4] : memref<4096xi32, #tpu.memory_space<hbm>> -> memref<128xi32, #tpu.memory_space<hbm>>
      tpu.wait_dma2 semaphore(%run_scoped3A : memref<!tpu.dma_semaphore, #tpu.memory_space<semaphore_mem>>) src(%dma_wait3A_152 : memref<128xi32, #tpu.memory_space<hbm>>) dst(%arg10 : memref<128xi32, #tpu.memory_space<vmem>>)
      tpu.yield
    }) : () -> ()
    %get3A = arith.constant 0 : index
    %get3A_5 = tpu.vector_load %arg9[%get3A] {strides = array<i32>} : memref<128xi32, #tpu.memory_space<vmem>>, vector<16xi32>,
    %gather3A = tpu.vector_load_idx %arg7[%get3A_5] : memref<10240xf32, #tpu.memory_space<vmem>>[vector<16xi32>], vector<16xf32>,
    %get3A_6 = arith.constant 0 : index
    %get3A_7 = tpu.vector_load %arg10[%get3A_6] {strides = array<i32>} : memref<128xi32, #tpu.memory_space<vmem>>, vector<16xi32>,
    %gather3A_8 = tpu.vector_load_idx %arg8[%get3A_7] : memref<10240xf32, #tpu.memory_space<vmem>>[vector<16xi32>], vector<16xf32>,
    %add3A_9 = arith.addf %gather3A, %gather3A_8 : vector<16xf32>
    %neg3A = arith.constant 0.000000e+00 : f32
    %neg3A_10 = vector.broadcast %neg3A : f32 to vector<16xf32>
    %neg3A_11 = arith.subf %neg3A_10, %add3A_9 : vector<16xf32>
    %exp3A = math.exp %neg3A_11 : vector<16xf32>
    %add3A_12 = arith.constant 1.000000e+00 : f32
    %add3A_13 = vector.broadcast %add3A_12 : f32 to vector<16xf32>
    %add3A_14 = arith.addf %add3A_13, %exp3A : vector<16xf32>
    %div3A = arith.constant 1.000000e+00 : f32
    %div3A_15 = vector.broadcast %div3A : f32 to vector<16xf32>
    %div3A_16 = arith.divf %div3A_15, %add3A_14 : vector<16xf32>
    %swap3A = arith.constant 0 : index
    %swap3A_17 = tpu.vector_load %arg11[%swap3A] {strides = array<i32>} : memref<128xf32, #tpu.memory_space<vmem>>, vector<16xf32>,
    tpu.vector_store %arg11[%swap3A], %div3A_16 {strides = array<i32>} : memref<128xf32, #tpu.memory_space<vmem>>, vector<16xf32>,
    %get3A_18 = arith.constant 16 : index
    %get3A_19 = tpu.vector_load %arg9[%get3A_18] {strides = array<i32>} : memref<128xi32, #tpu.memory_space<vmem>>, vector<16xi32>,
    %gather3A_20 = tpu.vector_load_idx %arg7[%get3A_19] : memref<10240xf32, #tpu.memory_space<vmem>>[vector<16xi32>], vector<16xf32>,
    %get3A_21 = arith.constant 16 : index
    %get3A_22 = tpu.vector_load %arg10[%get3A_21] {strides = array<i32>} : memref<128xi32, #tpu.memory_space<vmem>>, vector<16xi32>,
    %gather3A_23 = tpu.vector_load_idx %arg8[%get3A_22] : memref<10240xf32, #tpu.memory_space<vmem>>[vector<16xi32>], vector<16xf32>,
    %add3A_24 = arith.addf %gather3A_20, %gather3A_23 : vector<16xf32>
    %neg3A_25 = arith.constant 0.000000e+00 : f32
    %neg3A_26 = vector.broadcast %neg3A_25 : f32 to vector<16xf32>
    %neg3A_27 = arith.subf %neg3A_26, %add3A_24 : vector<16xf32>
    %exp3A_28 = math.exp %neg3A_27 : vector<16xf32>
    %add3A_29 = arith.constant 1.000000e+00 : f32
    %add3A_30 = vector.broadcast %add3A_29 : f32 to vector<16xf32>
    %add3A_31 = arith.addf %add3A_30, %exp3A_28 : vector<16xf32>
    %div3A_32 = arith.constant 1.000000e+00 : f32
    %div3A_33 = vector.broadcast %div3A_32 : f32 to vector<16xf32>
    %div3A_34 = arith.divf %div3A_33, %add3A_31 : vector<16xf32>
    %swap3A_35 = arith.constant 16 : index
    %swap3A_36 = tpu.vector_load %arg11[%swap3A_35] {strides = array<i32>} : memref<128xf32, #tpu.memory_space<vmem>>, vector<16xf32>,
    tpu.vector_store %arg11[%swap3A_35], %div3A_34 {strides = array<i32>} : memref<128xf32, #tpu.memory_space<vmem>>, vector<16xf32>,
    %get3A_37 = arith.constant 32 : index
    %get3A_38 = tpu.vector_load %arg9[%get3A_37] {strides = array<i32>} : memref<128xi32, #tpu.memory_space<vmem>>, vector<16xi32>,
    %gather3A_39 = tpu.vector_load_idx %arg7[%get3A_38] : memref<10240xf32, #tpu.memory_space<vmem>>[vector<16xi32>], vector<16xf32>,
    %get3A_40 = arith.constant 32 : index
    %get3A_41 = tpu.vector_load %arg10[%get3A_40] {strides = array<i32>} : memref<128xi32, #tpu.memory_space<vmem>>, vector<16xi32>,
    %gather3A_42 = tpu.vector_load_idx %arg8[%get3A_41] : memref<10240xf32, #tpu.memory_space<vmem>>[vector<16xi32>], vector<16xf32>,
    %add3A_43 = arith.addf %gather3A_39, %gather3A_42 : vector<16xf32>
    %neg3A_44 = arith.constant 0.000000e+00 : f32
    %neg3A_45 = vector.broadcast %neg3A_44 : f32 to vector<16xf32>
    %neg3A_46 = arith.subf %neg3A_45, %add3A_43 : vector<16xf32>
    %exp3A_47 = math.exp %neg3A_46 : vector<16xf32>
    %add3A_48 = arith.constant 1.000000e+00 : f32
    %add3A_49 = vector.broadcast %add3A_48 : f32 to vector<16xf32>
    %add3A_50 = arith.addf %add3A_49, %exp3A_47 : vector<16xf32>
    %div3A_51 = arith.constant 1.000000e+00 : f32
    %div3A_52 = vector.broadcast %div3A_51 : f32 to vector<16xf32>
    %div3A_53 = arith.divf %div3A_52, %add3A_50 : vector<16xf32>
    %swap3A_54 = arith.constant 32 : index
    %swap3A_55 = tpu.vector_load %arg11[%swap3A_54] {strides = array<i32>} : memref<128xf32, #tpu.memory_space<vmem>>, vector<16xf32>,
    tpu.vector_store %arg11[%swap3A_54], %div3A_53 {strides = array<i32>} : memref<128xf32, #tpu.memory_space<vmem>>, vector<16xf32>,
    %get3A_56 = arith.constant 48 : index
    %get3A_57 = tpu.vector_load %arg9[%get3A_56] {strides = array<i32>} : memref<128xi32, #tpu.memory_space<vmem>>, vector<16xi32>,
    %gather3A_58 = tpu.vector_load_idx %arg7[%get3A_57] : memref<10240xf32, #tpu.memory_space<vmem>>[vector<16xi32>], vector<16xf32>,
    %get3A_59 = arith.constant 48 : index
    %get3A_60 = tpu.vector_load %arg10[%get3A_59] {strides = array<i32>} : memref<128xi32, #tpu.memory_space<vmem>>, vector<16xi32>,
    %gather3A_61 = tpu.vector_load_idx %arg8[%get3A_60] : memref<10240xf32, #tpu.memory_space<vmem>>[vector<16xi32>], vector<16xf32>,
    %add3A_62 = arith.addf %gather3A_58, %gather3A_61 : vector<16xf32>
    %neg3A_63 = arith.constant 0.000000e+00 : f32
    %neg3A_64 = vector.broadcast %neg3A_63 : f32 to vector<16xf32>
    %neg3A_65 = arith.subf %neg3A_64, %add3A_62 : vector<16xf32>
    %exp3A_66 = math.exp %neg3A_65 : vector<16xf32>
    %add3A_67 = arith.constant 1.000000e+00 : f32
    %add3A_68 = vector.broadcast %add3A_67 : f32 to vector<16xf32>
    %add3A_69 = arith.addf %add3A_68, %exp3A_66 : vector<16xf32>
    %div3A_70 = arith.constant 1.000000e+00 : f32
    %div3A_71 = vector.broadcast %div3A_70 : f32 to vector<16xf32>
    %div3A_72 = arith.divf %div3A_71, %add3A_69 : vector<16xf32>
    %swap3A_73 = arith.constant 48 : index
    %swap3A_74 = tpu.vector_load %arg11[%swap3A_73] {strides = array<i32>} : memref<128xf32, #tpu.memory_space<vmem>>, vector<16xf32>,
    tpu.vector_store %arg11[%swap3A_73], %div3A_72 {strides = array<i32>} : memref<128xf32, #tpu.memory_space<vmem>>, vector<16xf32>,
    %get3A_75 = arith.constant 64 : index
    %get3A_76 = tpu.vector_load %arg9[%get3A_75] {strides = array<i32>} : memref<128xi32, #tpu.memory_space<vmem>>, vector<16xi32>,
    %gather3A_77 = tpu.vector_load_idx %arg7[%get3A_76] : memref<10240xf32, #tpu.memory_space<vmem>>[vector<16xi32>], vector<16xf32>,
    %get3A_78 = arith.constant 64 : index
    %get3A_79 = tpu.vector_load %arg10[%get3A_78] {strides = array<i32>} : memref<128xi32, #tpu.memory_space<vmem>>, vector<16xi32>,
    %gather3A_80 = tpu.vector_load_idx %arg8[%get3A_79] : memref<10240xf32, #tpu.memory_space<vmem>>[vector<16xi32>], vector<16xf32>,
    %add3A_81 = arith.addf %gather3A_77, %gather3A_80 : vector<16xf32>
    %neg3A_82 = arith.constant 0.000000e+00 : f32
    %neg3A_83 = vector.broadcast %neg3A_82 : f32 to vector<16xf32>
    %neg3A_84 = arith.subf %neg3A_83, %add3A_81 : vector<16xf32>
    %exp3A_85 = math.exp %neg3A_84 : vector<16xf32>
    %add3A_86 = arith.constant 1.000000e+00 : f32
    %add3A_87 = vector.broadcast %add3A_86 : f32 to vector<16xf32>
    %add3A_88 = arith.addf %add3A_87, %exp3A_85 : vector<16xf32>
    %div3A_89 = arith.constant 1.000000e+00 : f32
    %div3A_90 = vector.broadcast %div3A_89 : f32 to vector<16xf32>
    %div3A_91 = arith.divf %div3A_90, %add3A_88 : vector<16xf32>
    %swap3A_92 = arith.constant 64 : index
    %swap3A_93 = tpu.vector_load %arg11[%swap3A_92] {strides = array<i32>} : memref<128xf32, #tpu.memory_space<vmem>>, vector<16xf32>,
    tpu.vector_store %arg11[%swap3A_92], %div3A_91 {strides = array<i32>} : memref<128xf32, #tpu.memory_space<vmem>>, vector<16xf32>,
    %get3A_94 = arith.constant 80 : index
    %get3A_95 = tpu.vector_load %arg9[%get3A_94] {strides = array<i32>} : memref<128xi32, #tpu.memory_space<vmem>>, vector<16xi32>,
    %gather3A_96 = tpu.vector_load_idx %arg7[%get3A_95] : memref<10240xf32, #tpu.memory_space<vmem>>[vector<16xi32>], vector<16xf32>,
    %get3A_97 = arith.constant 80 : index
    %get3A_98 = tpu.vector_load %arg10[%get3A_97] {strides = array<i32>} : memref<128xi32, #tpu.memory_space<vmem>>, vector<16xi32>,
    %gather3A_99 = tpu.vector_load_idx %arg8[%get3A_98] : memref<10240xf32, #tpu.memory_space<vmem>>[vector<16xi32>], vector<16xf32>,
    %add3A_100 = arith.addf %gather3A_96, %gather3A_99 : vector<16xf32>
    %neg3A_101 = arith.constant 0.000000e+00 : f32
    %neg3A_102 = vector.broadcast %neg3A_101 : f32 to vector<16xf32>
    %neg3A_103 = arith.subf %neg3A_102, %add3A_100 : vector<16xf32>
    %exp3A_104 = math.exp %neg3A_103 : vector<16xf32>
    %add3A_105 = arith.constant 1.000000e+00 : f32
    %add3A_106 = vector.broadcast %add3A_105 : f32 to vector<16xf32>
    %add3A_107 = arith.addf %add3A_106, %exp3A_104 : vector<16xf32>
    %div3A_108 = arith.constant 1.000000e+00 : f32
    %div3A_109 = vector.broadcast %div3A_108 : f32 to vector<16xf32>
    %div3A_110 = arith.divf %div3A_109, %add3A_107 : vector<16xf32>
    %swap3A_111 = arith.constant 80 : index
    %swap3A_112 = tpu.vector_load %arg11[%swap3A_111] {strides = array<i32>} : memref<128xf32, #tpu.memory_space<vmem>>, vector<16xf32>,
    tpu.vector_store %arg11[%swap3A_111], %div3A_110 {strides = array<i32>} : memref<128xf32, #tpu.memory_space<vmem>>, vector<16xf32>,
    %get3A_113 = arith.constant 96 : index
    %get3A_114 = tpu.vector_load %arg9[%get3A_113] {strides = array<i32>} : memref<128xi32, #tpu.memory_space<vmem>>, vector<16xi32>,
    %gather3A_115 = tpu.vector_load_idx %arg7[%get3A_114] : memref<10240xf32, #tpu.memory_space<vmem>>[vector<16xi32>], vector<16xf32>,
    %get3A_116 = arith.constant 96 : index
    %get3A_117 = tpu.vector_load %arg10[%get3A_116] {strides = array<i32>} : memref<128xi32, #tpu.memory_space<vmem>>, vector<16xi32>,
    %gather3A_118 = tpu.vector_load_idx %arg8[%get3A_117] : memref<10240xf32, #tpu.memory_space<vmem>>[vector<16xi32>], vector<16xf32>,
    %add3A_119 = arith.addf %gather3A_115, %gather3A_118 : vector<16xf32>
    %neg3A_120 = arith.constant 0.000000e+00 : f32
    %neg3A_121 = vector.broadcast %neg3A_120 : f32 to vector<16xf32>
    %neg3A_122 = arith.subf %neg3A_121, %add3A_119 : vector<16xf32>
    %exp3A_123 = math.exp %neg3A_122 : vector<16xf32>
    %add3A_124 = arith.constant 1.000000e+00 : f32
    %add3A_125 = vector.broadcast %add3A_124 : f32 to vector<16xf32>
    %add3A_126 = arith.addf %add3A_125, %exp3A_123 : vector<16xf32>
    %div3A_127 = arith.constant 1.000000e+00 : f32
    %div3A_128 = vector.broadcast %div3A_127 : f32 to vector<16xf32>
    %div3A_129 = arith.divf %div3A_128, %add3A_126 : vector<16xf32>
    %swap3A_130 = arith.constant 96 : index
    %swap3A_131 = tpu.vector_load %arg11[%swap3A_130] {strides = array<i32>} : memref<128xf32, #tpu.memory_space<vmem>>, vector<16xf32>,
    tpu.vector_store %arg11[%swap3A_130], %div3A_129 {strides = array<i32>} : memref<128xf32, #tpu.memory_space<vmem>>, vector<16xf32>,
    %get3A_132 = arith.constant 112 : index
    %get3A_133 = tpu.vector_load %arg9[%get3A_132] {strides = array<i32>} : memref<128xi32, #tpu.memory_space<vmem>>, vector<16xi32>,
    %gather3A_134 = tpu.vector_load_idx %arg7[%get3A_133] : memref<10240xf32, #tpu.memory_space<vmem>>[vector<16xi32>], vector<16xf32>,
    %get3A_135 = arith.constant 112 : index
    %get3A_136 = tpu.vector_load %arg10[%get3A_135] {strides = array<i32>} : memref<128xi32, #tpu.memory_space<vmem>>, vector<16xi32>,
    %gather3A_137 = tpu.vector_load_idx %arg8[%get3A_136] : memref<10240xf32, #tpu.memory_space<vmem>>[vector<16xi32>], vector<16xf32>,
    %add3A_138 = arith.addf %gather3A_134, %gather3A_137 : vector<16xf32>
    %neg3A_139 = arith.constant 0.000000e+00 : f32
    %neg3A_140 = vector.broadcast %neg3A_139 : f32 to vector<16xf32>
    %neg3A_141 = arith.subf %neg3A_140, %add3A_138 : vector<16xf32>
    %exp3A_142 = math.exp %neg3A_141 : vector<16xf32>
    %add3A_143 = arith.constant 1.000000e+00 : f32
    %add3A_144 = vector.broadcast %add3A_143 : f32 to vector<16xf32>
    %add3A_145 = arith.addf %add3A_144, %exp3A_142 : vector<16xf32>
    %div3A_146 = arith.constant 1.000000e+00 : f32
    %div3A_147 = vector.broadcast %div3A_146 : f32 to vector<16xf32>
    %div3A_148 = arith.divf %div3A_147, %add3A_145 : vector<16xf32>
    %swap3A_149 = arith.constant 112 : index
    %swap3A_150 = tpu.vector_load %arg11[%swap3A_149] {strides = array<i32>} : memref<128xf32, #tpu.memory_space<vmem>>, vector<16xf32>,
    tpu.vector_store %arg11[%swap3A_149], %div3A_148 {strides = array<i32>} : memref<128xf32, #tpu.memory_space<vmem>>, vector<16xf32>,
    "tpu.region"() ({
      %run_scoped3A = tpu.sem_alloc : memref<!tpu.dma_semaphore, #tpu.memory_space<semaphore_mem>>
      %dma_start3A = arith.constant 0 : i32
      %dma_start3A_151 = tpu.memref_slice %arg6[%add3A, %dma_start3A] : memref<32x128xf32, #tpu.memory_space<hbm>> -> memref<1x128xf32, #tpu.memory_space<hbm>>
      %dma_start3A_152 = tpu.memref_squeeze %dma_start3A_151 : memref<1x128xf32, #tpu.memory_space<hbm>> -> memref<128xf32, #tpu.memory_space<hbm>>
      %dma_start3A_153 = arith.constant 0 : i32
      %dma_start3A_154 = tpu.memref_slice %arg6[%add3A, %dma_start3A_153] : memref<32x128xf32, #tpu.memory_space<hbm>> -> memref<1x128xf32, #tpu.memory_space<hbm>>
      %dma_start3A_155 = tpu.memref_squeeze %dma_start3A_154 : memref<1x128xf32, #tpu.memory_space<hbm>> -> memref<128xf32, #tpu.memory_space<hbm>>
      tpu.enqueue_dma source(%arg11 : memref<128xf32, #tpu.memory_space<vmem>>) target(%dma_start3A_155 : memref<128xf32, #tpu.memory_space<hbm>>) target_semaphore(%run_scoped3A : memref<!tpu.dma_semaphore, #tpu.memory_space<semaphore_mem>>)
      %dma_wait3A = arith.constant 0 : i32
      %dma_wait3A_156 = tpu.memref_slice %arg6[%add3A, %dma_wait3A] : memref<32x128xf32, #tpu.memory_space<hbm>> -> memref<1x128xf32, #tpu.memory_space<hbm>>
      %dma_wait3A_157 = tpu.memref_squeeze %dma_wait3A_156 : memref<1x128xf32, #tpu.memory_space<hbm>> -> memref<128xf32, #tpu.memory_space<hbm>>
      %dma_wait3A_158 = arith.constant 0 : i32
      %dma_wait3A_159 = tpu.memref_slice %arg6[%add3A, %dma_wait3A_158] : memref<32x128xf32, #tpu.memory_space<hbm>> -> memref<1x128xf32, #tpu.memory_space<hbm>>
      %dma_wait3A_160 = tpu.memref_squeeze %dma_wait3A_159 : memref<1x128xf32, #tpu.memory_space<hbm>> -> memref<128xf32, #tpu.memory_space<hbm>>
      tpu.wait_dma2 semaphore(%run_scoped3A : memref<!tpu.dma_semaphore, #tpu.memory_space<semaphore_mem>>) src(%arg11 : memref<128xf32, #tpu.memory_space<vmem>>) dst(%dma_wait3A_160 : memref<128xf32, #tpu.memory_space<hbm>>)
      tpu.yield
    }) : () -> ()
    return
  }
}

#map = affine_map<(d0, d1) -> (0, 0)>
#map1 = affine_map<(d0, d1) -> (0, 0, 0)>
module attributes {stable_mosaic.version = 14 : i64} {
  func.func @_sc_gather(%arg0: i32, %arg1: i32, %arg2: memref<10000x128xf32, #tpu.memory_space<hbm>>, %arg3: memref<2x10240xf32, #tpu.memory_space<hbm>>, %arg4: memref<32x10240xi32, #tpu.memory_space<hbm>>, %arg5: memref<32x10240xi32, #tpu.memory_space<hbm>>, %arg6: memref<32x16xi32, #tpu.memory_space<hbm>>, %arg7: memref<2x10240x128xf32, #tpu.memory_space<hbm>>, %arg8: memref<2x80x128xf32, #tpu.memory_space<hbm>>, %arg9: memref<10240xf32, #tpu.memory_space<vmem>>, %arg10: memref<10240xf32, #tpu.memory_space<vmem>>, %arg11: memref<64xi32, #tpu.memory_space<vmem>>, %arg12: memref<64xi32, #tpu.memory_space<vmem>>, %arg13: memref<64x128xf32, #tpu.memory_space<vmem>>, %arg14: memref<80x128xf32, #tpu.memory_space<vmem>>, %arg15: memref<64xf32, #tpu.memory_space<vmem>>, %arg16: memref<80xi32, #tpu.memory_space<vmem>>, %arg17: memref<16xi32, #tpu.memory_space<vmem>>, %arg18: memref<!tpu.dma_semaphore, #tpu.memory_space<semaphore_mem>>, %arg19: memref<10240x128xf32, #tpu.memory_space<vmem_shared>>, %arg20: memref<80x128xf32, #tpu.memory_space<vmem_shared>>) attributes {dimension_semantics = [#tpu.dimension_semantics<core_parallel>, #tpu.dimension_semantics<subcore_parallel>], iteration_bounds = array<i64: 2, 16>, scalar_prefetch = 0 : i64, scratch_operands = 12 : i64, tpu.core_type = #tpu.core_type<sc_vector_subcore>, window_params = [{transform_indices = #map}, {transform_indices = #map}, {transform_indices = #map}, {transform_indices = #map}, {transform_indices = #map}, {transform_indices = #map1}, {transform_indices = #map1}]} {
    %mul3A = arith.constant 2 : i32
    %mul3A_0 = arith.muli %arg1, %mul3A : i32
    %add3A = arith.addi %mul3A_0, %arg0 : i32
    %broadcast_in_dim3A = arith.constant 0.000000e+00 : f32
    %broadcast_in_dim3A_1 = vector.broadcast %broadcast_in_dim3A : f32 to vector<16xf32>
    %scan3A = arith.constant 0 : i32
    %scan3A_2 = arith.constant 0 : i32
    %scan3A_3 = arith.constant 512 : i32
    %scan3A_4 = arith.addi %scan3A_2, %scan3A_3 : i32
    %scan3A_5 = arith.constant 1 : i32
    %scan3A_6 = scf.for %scan3A_114 = %scan3A_2 to %scan3A_4 step %scan3A_5 iter_args(%scan3A_115 = %scan3A) -> (i32)  : i32 {
      %shift_right_arithmetic3A_116 = arith.constant 3 : i32
      %shift_right_arithmetic3A_117 = arith.shrsi %scan3A_114, %shift_right_arithmetic3A_116 : i32
      %and3A = arith.constant 7 : i32
      %and3A_118 = arith.andi %scan3A_114, %and3A : i32
      %mul3A_119 = arith.constant 16 : i32
      %mul3A_120 = arith.muli %and3A_118, %mul3A_119 : i32
      %swap3A = arith.index_cast %shift_right_arithmetic3A_117 : i32 to index
      %swap3A_121 = arith.index_cast %mul3A_120 : i32 to index
      %swap3A_122 = tpu.vector_load %arg13[%swap3A, %swap3A_121] {strides = array<i32>} : memref<64x128xf32, #tpu.memory_space<vmem>>, vector<16xf32>,
      tpu.vector_store %arg13[%swap3A, %swap3A_121], %broadcast_in_dim3A_1 {strides = array<i32>} : memref<64x128xf32, #tpu.memory_space<vmem>>, vector<16xf32>,
      %scan3A_123 = arith.constant 0 : i32
      scf.yield %scan3A_123 : i32
    }
    %scan3A_7 = arith.constant 512 : i32
    %scan3A_8 = arith.constant 0 : i32
    %scan3A_9 = arith.constant 0 : i32
    %scan3A_10 = arith.constant 640 : i32
    %scan3A_11 = arith.addi %scan3A_9, %scan3A_10 : i32
    %scan3A_12 = arith.constant 1 : i32
    %scan3A_13 = scf.for %scan3A_114 = %scan3A_9 to %scan3A_11 step %scan3A_12 iter_args(%scan3A_115 = %scan3A_8) -> (i32)  : i32 {
      %shift_right_arithmetic3A_116 = arith.constant 3 : i32
      %shift_right_arithmetic3A_117 = arith.shrsi %scan3A_114, %shift_right_arithmetic3A_116 : i32
      %and3A = arith.constant 7 : i32
      %and3A_118 = arith.andi %scan3A_114, %and3A : i32
      %mul3A_119 = arith.constant 16 : i32
      %mul3A_120 = arith.muli %and3A_118, %mul3A_119 : i32
      %swap3A = arith.index_cast %shift_right_arithmetic3A_117 : i32 to index
      %swap3A_121 = arith.index_cast %mul3A_120 : i32 to index
      %swap3A_122 = tpu.vector_load %arg14[%swap3A, %swap3A_121] {strides = array<i32>} : memref<80x128xf32, #tpu.memory_space<vmem>>, vector<16xf32>,
      tpu.vector_store %arg14[%swap3A, %swap3A_121], %broadcast_in_dim3A_1 {strides = array<i32>} : memref<80x128xf32, #tpu.memory_space<vmem>>, vector<16xf32>,
      %scan3A_123 = arith.constant 0 : i32
      scf.yield %scan3A_123 : i32
    }
    %scan3A_14 = arith.constant 640 : i32
    %mul3A_15 = arith.constant 10 : i32
    %mul3A_16 = arith.muli %arg1, %mul3A_15 : i32
    %add3A_17 = arith.constant 0 : i32
    %add3A_18 = arith.addi %mul3A_16, %add3A_17 : i32
    %mul3A_19 = arith.constant 64 : i32
    %mul3A_20 = arith.muli %add3A_18, %mul3A_19 : i32
    "tpu.region"() ({
      %run_scoped3A_114 = tpu.sem_alloc : memref<!tpu.dma_semaphore, #tpu.memory_space<semaphore_mem>>
      %dma_start3A = arith.constant 0 : i32
      %dma_start3A_115 = tpu.memref_slice %arg19[%mul3A_20, %dma_start3A] : memref<10240x128xf32, #tpu.memory_space<vmem_shared>> -> memref<64x128xf32, #tpu.memory_space<vmem_shared>>
      %dma_start3A_116 = arith.constant 0 : i32
      %dma_start3A_117 = tpu.memref_slice %arg19[%mul3A_20, %dma_start3A_116] : memref<10240x128xf32, #tpu.memory_space<vmem_shared>> -> memref<64x128xf32, #tpu.memory_space<vmem_shared>>
      tpu.enqueue_dma source(%arg13 : memref<64x128xf32, #tpu.memory_space<vmem>>) target(%dma_start3A_117 : memref<64x128xf32, #tpu.memory_space<vmem_shared>>) target_semaphore(%run_scoped3A_114 : memref<!tpu.dma_semaphore, #tpu.memory_space<semaphore_mem>>)
      %dma_wait3A = arith.constant 0 : i32
      %dma_wait3A_118 = tpu.memref_slice %arg19[%mul3A_20, %dma_wait3A] : memref<10240x128xf32, #tpu.memory_space<vmem_shared>> -> memref<64x128xf32, #tpu.memory_space<vmem_shared>>
      %dma_wait3A_119 = arith.constant 0 : i32
      %dma_wait3A_120 = tpu.memref_slice %arg19[%mul3A_20, %dma_wait3A_119] : memref<10240x128xf32, #tpu.memory_space<vmem_shared>> -> memref<64x128xf32, #tpu.memory_space<vmem_shared>>
      tpu.wait_dma2 semaphore(%run_scoped3A_114 : memref<!tpu.dma_semaphore, #tpu.memory_space<semaphore_mem>>) src(%arg13 : memref<64x128xf32, #tpu.memory_space<vmem>>) dst(%dma_wait3A_120 : memref<64x128xf32, #tpu.memory_space<vmem_shared>>)
      tpu.yield
    }) : () -> ()
    %mul3A_21 = arith.constant 10 : i32
    %mul3A_22 = arith.muli %arg1, %mul3A_21 : i32
    %add3A_23 = arith.constant 1 : i32
    %add3A_24 = arith.addi %mul3A_22, %add3A_23 : i32
    %mul3A_25 = arith.constant 64 : i32
    %mul3A_26 = arith.muli %add3A_24, %mul3A_25 : i32
    "tpu.region"() ({
      %run_scoped3A_114 = tpu.sem_alloc : memref<!tpu.dma_semaphore, #tpu.memory_space<semaphore_mem>>
      %dma_start3A = arith.constant 0 : i32
      %dma_start3A_115 = tpu.memref_slice %arg19[%mul3A_26, %dma_start3A] : memref<10240x128xf32, #tpu.memory_space<vmem_shared>> -> memref<64x128xf32, #tpu.memory_space<vmem_shared>>
      %dma_start3A_116 = arith.constant 0 : i32
      %dma_start3A_117 = tpu.memref_slice %arg19[%mul3A_26, %dma_start3A_116] : memref<10240x128xf32, #tpu.memory_space<vmem_shared>> -> memref<64x128xf32, #tpu.memory_space<vmem_shared>>
      tpu.enqueue_dma source(%arg13 : memref<64x128xf32, #tpu.memory_space<vmem>>) target(%dma_start3A_117 : memref<64x128xf32, #tpu.memory_space<vmem_shared>>) target_semaphore(%run_scoped3A_114 : memref<!tpu.dma_semaphore, #tpu.memory_space<semaphore_mem>>)
      %dma_wait3A = arith.constant 0 : i32
      %dma_wait3A_118 = tpu.memref_slice %arg19[%mul3A_26, %dma_wait3A] : memref<10240x128xf32, #tpu.memory_space<vmem_shared>> -> memref<64x128xf32, #tpu.memory_space<vmem_shared>>
      %dma_wait3A_119 = arith.constant 0 : i32
      %dma_wait3A_120 = tpu.memref_slice %arg19[%mul3A_26, %dma_wait3A_119] : memref<10240x128xf32, #tpu.memory_space<vmem_shared>> -> memref<64x128xf32, #tpu.memory_space<vmem_shared>>
      tpu.wait_dma2 semaphore(%run_scoped3A_114 : memref<!tpu.dma_semaphore, #tpu.memory_space<semaphore_mem>>) src(%arg13 : memref<64x128xf32, #tpu.memory_space<vmem>>) dst(%dma_wait3A_120 : memref<64x128xf32, #tpu.memory_space<vmem_shared>>)
      tpu.yield
    }) : () -> ()
    %mul3A_27 = arith.constant 10 : i32
    %mul3A_28 = arith.muli %arg1, %mul3A_27 : i32
    %add3A_29 = arith.constant 2 : i32
    %add3A_30 = arith.addi %mul3A_28, %add3A_29 : i32
    %mul3A_31 = arith.constant 64 : i32
    %mul3A_32 = arith.muli %add3A_30, %mul3A_31 : i32
    "tpu.region"() ({
      %run_scoped3A_114 = tpu.sem_alloc : memref<!tpu.dma_semaphore, #tpu.memory_space<semaphore_mem>>
      %dma_start3A = arith.constant 0 : i32
      %dma_start3A_115 = tpu.memref_slice %arg19[%mul3A_32, %dma_start3A] : memref<10240x128xf32, #tpu.memory_space<vmem_shared>> -> memref<64x128xf32, #tpu.memory_space<vmem_shared>>
      %dma_start3A_116 = arith.constant 0 : i32
      %dma_start3A_117 = tpu.memref_slice %arg19[%mul3A_32, %dma_start3A_116] : memref<10240x128xf32, #tpu.memory_space<vmem_shared>> -> memref<64x128xf32, #tpu.memory_space<vmem_shared>>
      tpu.enqueue_dma source(%arg13 : memref<64x128xf32, #tpu.memory_space<vmem>>) target(%dma_start3A_117 : memref<64x128xf32, #tpu.memory_space<vmem_shared>>) target_semaphore(%run_scoped3A_114 : memref<!tpu.dma_semaphore, #tpu.memory_space<semaphore_mem>>)
      %dma_wait3A = arith.constant 0 : i32
      %dma_wait3A_118 = tpu.memref_slice %arg19[%mul3A_32, %dma_wait3A] : memref<10240x128xf32, #tpu.memory_space<vmem_shared>> -> memref<64x128xf32, #tpu.memory_space<vmem_shared>>
      %dma_wait3A_119 = arith.constant 0 : i32
      %dma_wait3A_120 = tpu.memref_slice %arg19[%mul3A_32, %dma_wait3A_119] : memref<10240x128xf32, #tpu.memory_space<vmem_shared>> -> memref<64x128xf32, #tpu.memory_space<vmem_shared>>
      tpu.wait_dma2 semaphore(%run_scoped3A_114 : memref<!tpu.dma_semaphore, #tpu.memory_space<semaphore_mem>>) src(%arg13 : memref<64x128xf32, #tpu.memory_space<vmem>>) dst(%dma_wait3A_120 : memref<64x128xf32, #tpu.memory_space<vmem_shared>>)
      tpu.yield
    }) : () -> ()
    %mul3A_33 = arith.constant 10 : i32
    %mul3A_34 = arith.muli %arg1, %mul3A_33 : i32
    %add3A_35 = arith.constant 3 : i32
    %add3A_36 = arith.addi %mul3A_34, %add3A_35 : i32
    %mul3A_37 = arith.constant 64 : i32
    %mul3A_38 = arith.muli %add3A_36, %mul3A_37 : i32
    "tpu.region"() ({
      %run_scoped3A_114 = tpu.sem_alloc : memref<!tpu.dma_semaphore, #tpu.memory_space<semaphore_mem>>
      %dma_start3A = arith.constant 0 : i32
      %dma_start3A_115 = tpu.memref_slice %arg19[%mul3A_38, %dma_start3A] : memref<10240x128xf32, #tpu.memory_space<vmem_shared>> -> memref<64x128xf32, #tpu.memory_space<vmem_shared>>
      %dma_start3A_116 = arith.constant 0 : i32
      %dma_start3A_117 = tpu.memref_slice %arg19[%mul3A_38, %dma_start3A_116] : memref<10240x128xf32, #tpu.memory_space<vmem_shared>> -> memref<64x128xf32, #tpu.memory_space<vmem_shared>>
      tpu.enqueue_dma source(%arg13 : memref<64x128xf32, #tpu.memory_space<vmem>>) target(%dma_start3A_117 : memref<64x128xf32, #tpu.memory_space<vmem_shared>>) target_semaphore(%run_scoped3A_114 : memref<!tpu.dma_semaphore, #tpu.memory_space<semaphore_mem>>)
      %dma_wait3A = arith.constant 0 : i32
      %dma_wait3A_118 = tpu.memref_slice %arg19[%mul3A_38, %dma_wait3A] : memref<10240x128xf32, #tpu.memory_space<vmem_shared>> -> memref<64x128xf32, #tpu.memory_space<vmem_shared>>
      %dma_wait3A_119 = arith.constant 0 : i32
      %dma_wait3A_120 = tpu.memref_slice %arg19[%mul3A_38, %dma_wait3A_119] : memref<10240x128xf32, #tpu.memory_space<vmem_shared>> -> memref<64x128xf32, #tpu.memory_space<vmem_shared>>
      tpu.wait_dma2 semaphore(%run_scoped3A_114 : memref<!tpu.dma_semaphore, #tpu.memory_space<semaphore_mem>>) src(%arg13 : memref<64x128xf32, #tpu.memory_space<vmem>>) dst(%dma_wait3A_120 : memref<64x128xf32, #tpu.memory_space<vmem_shared>>)
      tpu.yield
    }) : () -> ()
    %mul3A_39 = arith.constant 10 : i32
    %mul3A_40 = arith.muli %arg1, %mul3A_39 : i32
    %add3A_41 = arith.constant 4 : i32
    %add3A_42 = arith.addi %mul3A_40, %add3A_41 : i32
    %mul3A_43 = arith.constant 64 : i32
    %mul3A_44 = arith.muli %add3A_42, %mul3A_43 : i32
    "tpu.region"() ({
      %run_scoped3A_114 = tpu.sem_alloc : memref<!tpu.dma_semaphore, #tpu.memory_space<semaphore_mem>>
      %dma_start3A = arith.constant 0 : i32
      %dma_start3A_115 = tpu.memref_slice %arg19[%mul3A_44, %dma_start3A] : memref<10240x128xf32, #tpu.memory_space<vmem_shared>> -> memref<64x128xf32, #tpu.memory_space<vmem_shared>>
      %dma_start3A_116 = arith.constant 0 : i32
      %dma_start3A_117 = tpu.memref_slice %arg19[%mul3A_44, %dma_start3A_116] : memref<10240x128xf32, #tpu.memory_space<vmem_shared>> -> memref<64x128xf32, #tpu.memory_space<vmem_shared>>
      tpu.enqueue_dma source(%arg13 : memref<64x128xf32, #tpu.memory_space<vmem>>) target(%dma_start3A_117 : memref<64x128xf32, #tpu.memory_space<vmem_shared>>) target_semaphore(%run_scoped3A_114 : memref<!tpu.dma_semaphore, #tpu.memory_space<semaphore_mem>>)
      %dma_wait3A = arith.constant 0 : i32
      %dma_wait3A_118 = tpu.memref_slice %arg19[%mul3A_44, %dma_wait3A] : memref<10240x128xf32, #tpu.memory_space<vmem_shared>> -> memref<64x128xf32, #tpu.memory_space<vmem_shared>>
      %dma_wait3A_119 = arith.constant 0 : i32
      %dma_wait3A_120 = tpu.memref_slice %arg19[%mul3A_44, %dma_wait3A_119] : memref<10240x128xf32, #tpu.memory_space<vmem_shared>> -> memref<64x128xf32, #tpu.memory_space<vmem_shared>>
      tpu.wait_dma2 semaphore(%run_scoped3A_114 : memref<!tpu.dma_semaphore, #tpu.memory_space<semaphore_mem>>) src(%arg13 : memref<64x128xf32, #tpu.memory_space<vmem>>) dst(%dma_wait3A_120 : memref<64x128xf32, #tpu.memory_space<vmem_shared>>)
      tpu.yield
    }) : () -> ()
    %mul3A_45 = arith.constant 10 : i32
    %mul3A_46 = arith.muli %arg1, %mul3A_45 : i32
    %add3A_47 = arith.constant 5 : i32
    %add3A_48 = arith.addi %mul3A_46, %add3A_47 : i32
    %mul3A_49 = arith.constant 64 : i32
    %mul3A_50 = arith.muli %add3A_48, %mul3A_49 : i32
    "tpu.region"() ({
      %run_scoped3A_114 = tpu.sem_alloc : memref<!tpu.dma_semaphore, #tpu.memory_space<semaphore_mem>>
      %dma_start3A = arith.constant 0 : i32
      %dma_start3A_115 = tpu.memref_slice %arg19[%mul3A_50, %dma_start3A] : memref<10240x128xf32, #tpu.memory_space<vmem_shared>> -> memref<64x128xf32, #tpu.memory_space<vmem_shared>>
      %dma_start3A_116 = arith.constant 0 : i32
      %dma_start3A_117 = tpu.memref_slice %arg19[%mul3A_50, %dma_start3A_116] : memref<10240x128xf32, #tpu.memory_space<vmem_shared>> -> memref<64x128xf32, #tpu.memory_space<vmem_shared>>
      tpu.enqueue_dma source(%arg13 : memref<64x128xf32, #tpu.memory_space<vmem>>) target(%dma_start3A_117 : memref<64x128xf32, #tpu.memory_space<vmem_shared>>) target_semaphore(%run_scoped3A_114 : memref<!tpu.dma_semaphore, #tpu.memory_space<semaphore_mem>>)
      %dma_wait3A = arith.constant 0 : i32
      %dma_wait3A_118 = tpu.memref_slice %arg19[%mul3A_50, %dma_wait3A] : memref<10240x128xf32, #tpu.memory_space<vmem_shared>> -> memref<64x128xf32, #tpu.memory_space<vmem_shared>>
      %dma_wait3A_119 = arith.constant 0 : i32
      %dma_wait3A_120 = tpu.memref_slice %arg19[%mul3A_50, %dma_wait3A_119] : memref<10240x128xf32, #tpu.memory_space<vmem_shared>> -> memref<64x128xf32, #tpu.memory_space<vmem_shared>>
      tpu.wait_dma2 semaphore(%run_scoped3A_114 : memref<!tpu.dma_semaphore, #tpu.memory_space<semaphore_mem>>) src(%arg13 : memref<64x128xf32, #tpu.memory_space<vmem>>) dst(%dma_wait3A_120 : memref<64x128xf32, #tpu.memory_space<vmem_shared>>)
      tpu.yield
    }) : () -> ()
    %mul3A_51 = arith.constant 10 : i32
    %mul3A_52 = arith.muli %arg1, %mul3A_51 : i32
    %add3A_53 = arith.constant 6 : i32
    %add3A_54 = arith.addi %mul3A_52, %add3A_53 : i32
    %mul3A_55 = arith.constant 64 : i32
    %mul3A_56 = arith.muli %add3A_54, %mul3A_55 : i32
    "tpu.region"() ({
      %run_scoped3A_114 = tpu.sem_alloc : memref<!tpu.dma_semaphore, #tpu.memory_space<semaphore_mem>>
      %dma_start3A = arith.constant 0 : i32
      %dma_start3A_115 = tpu.memref_slice %arg19[%mul3A_56, %dma_start3A] : memref<10240x128xf32, #tpu.memory_space<vmem_shared>> -> memref<64x128xf32, #tpu.memory_space<vmem_shared>>
      %dma_start3A_116 = arith.constant 0 : i32
      %dma_start3A_117 = tpu.memref_slice %arg19[%mul3A_56, %dma_start3A_116] : memref<10240x128xf32, #tpu.memory_space<vmem_shared>> -> memref<64x128xf32, #tpu.memory_space<vmem_shared>>
      tpu.enqueue_dma source(%arg13 : memref<64x128xf32, #tpu.memory_space<vmem>>) target(%dma_start3A_117 : memref<64x128xf32, #tpu.memory_space<vmem_shared>>) target_semaphore(%run_scoped3A_114 : memref<!tpu.dma_semaphore, #tpu.memory_space<semaphore_mem>>)
      %dma_wait3A = arith.constant 0 : i32
      %dma_wait3A_118 = tpu.memref_slice %arg19[%mul3A_56, %dma_wait3A] : memref<10240x128xf32, #tpu.memory_space<vmem_shared>> -> memref<64x128xf32, #tpu.memory_space<vmem_shared>>
      %dma_wait3A_119 = arith.constant 0 : i32
      %dma_wait3A_120 = tpu.memref_slice %arg19[%mul3A_56, %dma_wait3A_119] : memref<10240x128xf32, #tpu.memory_space<vmem_shared>> -> memref<64x128xf32, #tpu.memory_space<vmem_shared>>
      tpu.wait_dma2 semaphore(%run_scoped3A_114 : memref<!tpu.dma_semaphore, #tpu.memory_space<semaphore_mem>>) src(%arg13 : memref<64x128xf32, #tpu.memory_space<vmem>>) dst(%dma_wait3A_120 : memref<64x128xf32, #tpu.memory_space<vmem_shared>>)
      tpu.yield
    }) : () -> ()
    %mul3A_57 = arith.constant 10 : i32
    %mul3A_58 = arith.muli %arg1, %mul3A_57 : i32
    %add3A_59 = arith.constant 7 : i32
    %add3A_60 = arith.addi %mul3A_58, %add3A_59 : i32
    %mul3A_61 = arith.constant 64 : i32
    %mul3A_62 = arith.muli %add3A_60, %mul3A_61 : i32
    "tpu.region"() ({
      %run_scoped3A_114 = tpu.sem_alloc : memref<!tpu.dma_semaphore, #tpu.memory_space<semaphore_mem>>
      %dma_start3A = arith.constant 0 : i32
      %dma_start3A_115 = tpu.memref_slice %arg19[%mul3A_62, %dma_start3A] : memref<10240x128xf32, #tpu.memory_space<vmem_shared>> -> memref<64x128xf32, #tpu.memory_space<vmem_shared>>
      %dma_start3A_116 = arith.constant 0 : i32
      %dma_start3A_117 = tpu.memref_slice %arg19[%mul3A_62, %dma_start3A_116] : memref<10240x128xf32, #tpu.memory_space<vmem_shared>> -> memref<64x128xf32, #tpu.memory_space<vmem_shared>>
      tpu.enqueue_dma source(%arg13 : memref<64x128xf32, #tpu.memory_space<vmem>>) target(%dma_start3A_117 : memref<64x128xf32, #tpu.memory_space<vmem_shared>>) target_semaphore(%run_scoped3A_114 : memref<!tpu.dma_semaphore, #tpu.memory_space<semaphore_mem>>)
      %dma_wait3A = arith.constant 0 : i32
      %dma_wait3A_118 = tpu.memref_slice %arg19[%mul3A_62, %dma_wait3A] : memref<10240x128xf32, #tpu.memory_space<vmem_shared>> -> memref<64x128xf32, #tpu.memory_space<vmem_shared>>
      %dma_wait3A_119 = arith.constant 0 : i32
      %dma_wait3A_120 = tpu.memref_slice %arg19[%mul3A_62, %dma_wait3A_119] : memref<10240x128xf32, #tpu.memory_space<vmem_shared>> -> memref<64x128xf32, #tpu.memory_space<vmem_shared>>
      tpu.wait_dma2 semaphore(%run_scoped3A_114 : memref<!tpu.dma_semaphore, #tpu.memory_space<semaphore_mem>>) src(%arg13 : memref<64x128xf32, #tpu.memory_space<vmem>>) dst(%dma_wait3A_120 : memref<64x128xf32, #tpu.memory_space<vmem_shared>>)
      tpu.yield
    }) : () -> ()
    %mul3A_63 = arith.constant 10 : i32
    %mul3A_64 = arith.muli %arg1, %mul3A_63 : i32
    %add3A_65 = arith.constant 8 : i32
    %add3A_66 = arith.addi %mul3A_64, %add3A_65 : i32
    %mul3A_67 = arith.constant 64 : i32
    %mul3A_68 = arith.muli %add3A_66, %mul3A_67 : i32
    "tpu.region"() ({
      %run_scoped3A_114 = tpu.sem_alloc : memref<!tpu.dma_semaphore, #tpu.memory_space<semaphore_mem>>
      %dma_start3A = arith.constant 0 : i32
      %dma_start3A_115 = tpu.memref_slice %arg19[%mul3A_68, %dma_start3A] : memref<10240x128xf32, #tpu.memory_space<vmem_shared>> -> memref<64x128xf32, #tpu.memory_space<vmem_shared>>
      %dma_start3A_116 = arith.constant 0 : i32
      %dma_start3A_117 = tpu.memref_slice %arg19[%mul3A_68, %dma_start3A_116] : memref<10240x128xf32, #tpu.memory_space<vmem_shared>> -> memref<64x128xf32, #tpu.memory_space<vmem_shared>>
      tpu.enqueue_dma source(%arg13 : memref<64x128xf32, #tpu.memory_space<vmem>>) target(%dma_start3A_117 : memref<64x128xf32, #tpu.memory_space<vmem_shared>>) target_semaphore(%run_scoped3A_114 : memref<!tpu.dma_semaphore, #tpu.memory_space<semaphore_mem>>)
      %dma_wait3A = arith.constant 0 : i32
      %dma_wait3A_118 = tpu.memref_slice %arg19[%mul3A_68, %dma_wait3A] : memref<10240x128xf32, #tpu.memory_space<vmem_shared>> -> memref<64x128xf32, #tpu.memory_space<vmem_shared>>
      %dma_wait3A_119 = arith.constant 0 : i32
      %dma_wait3A_120 = tpu.memref_slice %arg19[%mul3A_68, %dma_wait3A_119] : memref<10240x128xf32, #tpu.memory_space<vmem_shared>> -> memref<64x128xf32, #tpu.memory_space<vmem_shared>>
      tpu.wait_dma2 semaphore(%run_scoped3A_114 : memref<!tpu.dma_semaphore, #tpu.memory_space<semaphore_mem>>) src(%arg13 : memref<64x128xf32, #tpu.memory_space<vmem>>) dst(%dma_wait3A_120 : memref<64x128xf32, #tpu.memory_space<vmem_shared>>)
      tpu.yield
    }) : () -> ()
    %mul3A_69 = arith.constant 10 : i32
    %mul3A_70 = arith.muli %arg1, %mul3A_69 : i32
    %add3A_71 = arith.constant 9 : i32
    %add3A_72 = arith.addi %mul3A_70, %add3A_71 : i32
    %mul3A_73 = arith.constant 64 : i32
    %mul3A_74 = arith.muli %add3A_72, %mul3A_73 : i32
    "tpu.region"() ({
      %run_scoped3A_114 = tpu.sem_alloc : memref<!tpu.dma_semaphore, #tpu.memory_space<semaphore_mem>>
      %dma_start3A = arith.constant 0 : i32
      %dma_start3A_115 = tpu.memref_slice %arg19[%mul3A_74, %dma_start3A] : memref<10240x128xf32, #tpu.memory_space<vmem_shared>> -> memref<64x128xf32, #tpu.memory_space<vmem_shared>>
      %dma_start3A_116 = arith.constant 0 : i32
      %dma_start3A_117 = tpu.memref_slice %arg19[%mul3A_74, %dma_start3A_116] : memref<10240x128xf32, #tpu.memory_space<vmem_shared>> -> memref<64x128xf32, #tpu.memory_space<vmem_shared>>
      tpu.enqueue_dma source(%arg13 : memref<64x128xf32, #tpu.memory_space<vmem>>) target(%dma_start3A_117 : memref<64x128xf32, #tpu.memory_space<vmem_shared>>) target_semaphore(%run_scoped3A_114 : memref<!tpu.dma_semaphore, #tpu.memory_space<semaphore_mem>>)
      %dma_wait3A = arith.constant 0 : i32
      %dma_wait3A_118 = tpu.memref_slice %arg19[%mul3A_74, %dma_wait3A] : memref<10240x128xf32, #tpu.memory_space<vmem_shared>> -> memref<64x128xf32, #tpu.memory_space<vmem_shared>>
      %dma_wait3A_119 = arith.constant 0 : i32
      %dma_wait3A_120 = tpu.memref_slice %arg19[%mul3A_74, %dma_wait3A_119] : memref<10240x128xf32, #tpu.memory_space<vmem_shared>> -> memref<64x128xf32, #tpu.memory_space<vmem_shared>>
      tpu.wait_dma2 semaphore(%run_scoped3A_114 : memref<!tpu.dma_semaphore, #tpu.memory_space<semaphore_mem>>) src(%arg13 : memref<64x128xf32, #tpu.memory_space<vmem>>) dst(%dma_wait3A_120 : memref<64x128xf32, #tpu.memory_space<vmem_shared>>)
      tpu.yield
    }) : () -> ()
    %eq3A = arith.constant 0 : i32
    %eq3A_75 = arith.cmpi eq, %arg1, %eq3A : i32
    %convert_element_type3A = arith.extui %eq3A_75 : i1 to i32
    %cond3A = arith.constant 0 : i32
    %cond3A_76 = arith.cmpi ne, %convert_element_type3A, %cond3A : i32
    scf.if %cond3A_76 {
      "tpu.region"() ({
        %run_scoped3A_114 = tpu.sem_alloc : memref<!tpu.dma_semaphore, #tpu.memory_space<semaphore_mem>>
        tpu.enqueue_dma source(%arg14 : memref<80x128xf32, #tpu.memory_space<vmem>>) target(%arg20 : memref<80x128xf32, #tpu.memory_space<vmem_shared>>) target_semaphore(%run_scoped3A_114 : memref<!tpu.dma_semaphore, #tpu.memory_space<semaphore_mem>>)
        tpu.wait_dma2 semaphore(%run_scoped3A_114 : memref<!tpu.dma_semaphore, #tpu.memory_space<semaphore_mem>>) src(%arg14 : memref<80x128xf32, #tpu.memory_space<vmem>>) dst(%arg20 : memref<80x128xf32, #tpu.memory_space<vmem_shared>>)
        tpu.yield
      }) : () -> ()
    } else {
    }
    %run_scoped3A = arith.constant 0 : i32
    "tpu.region"() ({
      %run_scoped3A_114 = tpu.sem_alloc : memref<!tpu.dma_semaphore, #tpu.memory_space<semaphore_mem>>
      %dma_start3A = arith.constant 0 : i32
      %dma_start3A_115 = tpu.memref_slice %arg3[%run_scoped3A, %dma_start3A] : memref<2x10240xf32, #tpu.memory_space<hbm>> -> memref<1x10240xf32, #tpu.memory_space<hbm>>
      %dma_start3A_116 = tpu.memref_squeeze %dma_start3A_115 : memref<1x10240xf32, #tpu.memory_space<hbm>> -> memref<10240xf32, #tpu.memory_space<hbm>>
      %dma_start3A_117 = arith.constant 0 : i32
      %dma_start3A_118 = tpu.memref_slice %arg3[%run_scoped3A, %dma_start3A_117] : memref<2x10240xf32, #tpu.memory_space<hbm>> -> memref<1x10240xf32, #tpu.memory_space<hbm>>
      %dma_start3A_119 = tpu.memref_squeeze %dma_start3A_118 : memref<1x10240xf32, #tpu.memory_space<hbm>> -> memref<10240xf32, #tpu.memory_space<hbm>>
      tpu.enqueue_dma source(%dma_start3A_119 : memref<10240xf32, #tpu.memory_space<hbm>>) target(%arg9 : memref<10240xf32, #tpu.memory_space<vmem>>) target_semaphore(%run_scoped3A_114 : memref<!tpu.dma_semaphore, #tpu.memory_space<semaphore_mem>>)
      %dma_wait3A = arith.constant 0 : i32
      %dma_wait3A_120 = tpu.memref_slice %arg3[%run_scoped3A, %dma_wait3A] : memref<2x10240xf32, #tpu.memory_space<hbm>> -> memref<1x10240xf32, #tpu.memory_space<hbm>>
      %dma_wait3A_121 = tpu.memref_squeeze %dma_wait3A_120 : memref<1x10240xf32, #tpu.memory_space<hbm>> -> memref<10240xf32, #tpu.memory_space<hbm>>
      %dma_wait3A_122 = arith.constant 0 : i32
      %dma_wait3A_123 = tpu.memref_slice %arg3[%run_scoped3A, %dma_wait3A_122] : memref<2x10240xf32, #tpu.memory_space<hbm>> -> memref<1x10240xf32, #tpu.memory_space<hbm>>
      %dma_wait3A_124 = tpu.memref_squeeze %dma_wait3A_123 : memref<1x10240xf32, #tpu.memory_space<hbm>> -> memref<10240xf32, #tpu.memory_space<hbm>>
      tpu.wait_dma2 semaphore(%run_scoped3A_114 : memref<!tpu.dma_semaphore, #tpu.memory_space<semaphore_mem>>) src(%dma_wait3A_124 : memref<10240xf32, #tpu.memory_space<hbm>>) dst(%arg9 : memref<10240xf32, #tpu.memory_space<vmem>>)
      tpu.yield
    }) : () -> ()
    %run_scoped3A_77 = arith.constant 1 : i32
    "tpu.region"() ({
      %run_scoped3A_114 = tpu.sem_alloc : memref<!tpu.dma_semaphore, #tpu.memory_space<semaphore_mem>>
      %dma_start3A = arith.constant 0 : i32
      %dma_start3A_115 = tpu.memref_slice %arg3[%run_scoped3A_77, %dma_start3A] : memref<2x10240xf32, #tpu.memory_space<hbm>> -> memref<1x10240xf32, #tpu.memory_space<hbm>>
      %dma_start3A_116 = tpu.memref_squeeze %dma_start3A_115 : memref<1x10240xf32, #tpu.memory_space<hbm>> -> memref<10240xf32, #tpu.memory_space<hbm>>
      %dma_start3A_117 = arith.constant 0 : i32
      %dma_start3A_118 = tpu.memref_slice %arg3[%run_scoped3A_77, %dma_start3A_117] : memref<2x10240xf32, #tpu.memory_space<hbm>> -> memref<1x10240xf32, #tpu.memory_space<hbm>>
      %dma_start3A_119 = tpu.memref_squeeze %dma_start3A_118 : memref<1x10240xf32, #tpu.memory_space<hbm>> -> memref<10240xf32, #tpu.memory_space<hbm>>
      tpu.enqueue_dma source(%dma_start3A_119 : memref<10240xf32, #tpu.memory_space<hbm>>) target(%arg10 : memref<10240xf32, #tpu.memory_space<vmem>>) target_semaphore(%run_scoped3A_114 : memref<!tpu.dma_semaphore, #tpu.memory_space<semaphore_mem>>)
      %dma_wait3A = arith.constant 0 : i32
      %dma_wait3A_120 = tpu.memref_slice %arg3[%run_scoped3A_77, %dma_wait3A] : memref<2x10240xf32, #tpu.memory_space<hbm>> -> memref<1x10240xf32, #tpu.memory_space<hbm>>
      %dma_wait3A_121 = tpu.memref_squeeze %dma_wait3A_120 : memref<1x10240xf32, #tpu.memory_space<hbm>> -> memref<10240xf32, #tpu.memory_space<hbm>>
      %dma_wait3A_122 = arith.constant 0 : i32
      %dma_wait3A_123 = tpu.memref_slice %arg3[%run_scoped3A_77, %dma_wait3A_122] : memref<2x10240xf32, #tpu.memory_space<hbm>> -> memref<1x10240xf32, #tpu.memory_space<hbm>>
      %dma_wait3A_124 = tpu.memref_squeeze %dma_wait3A_123 : memref<1x10240xf32, #tpu.memory_space<hbm>> -> memref<10240xf32, #tpu.memory_space<hbm>>
      tpu.wait_dma2 semaphore(%run_scoped3A_114 : memref<!tpu.dma_semaphore, #tpu.memory_space<semaphore_mem>>) src(%dma_wait3A_124 : memref<10240xf32, #tpu.memory_space<hbm>>) dst(%arg10 : memref<10240xf32, #tpu.memory_space<vmem>>)
      tpu.yield
    }) : () -> ()
    %scan3A_78 = arith.constant 0 : i32
    %scan3A_79 = arith.constant 0 : i32
    %scan3A_80 = arith.constant 640 : i32
    %scan3A_81 = arith.addi %scan3A_79, %scan3A_80 : i32
    %scan3A_82 = arith.constant 1 : i32
    %scan3A_83 = scf.for %scan3A_114 = %scan3A_79 to %scan3A_81 step %scan3A_82 iter_args(%scan3A_115 = %scan3A_78) -> (i32)  : i32 {
      %mul3A_116 = arith.constant 16 : i32
      %mul3A_117 = arith.muli %scan3A_114, %mul3A_116 : i32
      %get3A_118 = arith.index_cast %mul3A_117 : i32 to index
      %get3A_119 = tpu.vector_load %arg9[%get3A_118] {strides = array<i32>} : memref<10240xf32, #tpu.memory_space<vmem>>, vector<16xf32>,
      %get3A_120 = arith.index_cast %mul3A_117 : i32 to index
      %get3A_121 = tpu.vector_load %arg10[%get3A_120] {strides = array<i32>} : memref<10240xf32, #tpu.memory_space<vmem>>, vector<16xf32>,
      %add3A_122 = arith.addf %get3A_119, %get3A_121 : vector<16xf32>
      %swap3A = arith.index_cast %mul3A_117 : i32 to index
      %swap3A_123 = tpu.vector_load %arg9[%swap3A] {strides = array<i32>} : memref<10240xf32, #tpu.memory_space<vmem>>, vector<16xf32>,
      tpu.vector_store %arg9[%swap3A], %add3A_122 {strides = array<i32>} : memref<10240xf32, #tpu.memory_space<vmem>>, vector<16xf32>,
      %scan3A_124 = arith.constant 0 : i32
      scf.yield %scan3A_124 : i32
    }
    %scan3A_84 = arith.constant 640 : i32
    "tpu.region"() ({
      %run_scoped3A_114 = tpu.sem_alloc : memref<!tpu.dma_semaphore, #tpu.memory_space<semaphore_mem>>
      %dma_start3A = arith.constant 0 : i32
      %dma_start3A_115 = tpu.memref_slice %arg6[%add3A, %dma_start3A] : memref<32x16xi32, #tpu.memory_space<hbm>> -> memref<1x16xi32, #tpu.memory_space<hbm>>
      %dma_start3A_116 = tpu.memref_squeeze %dma_start3A_115 : memref<1x16xi32, #tpu.memory_space<hbm>> -> memref<16xi32, #tpu.memory_space<hbm>>
      %dma_start3A_117 = arith.constant 0 : i32
      %dma_start3A_118 = tpu.memref_slice %arg6[%add3A, %dma_start3A_117] : memref<32x16xi32, #tpu.memory_space<hbm>> -> memref<1x16xi32, #tpu.memory_space<hbm>>
      %dma_start3A_119 = tpu.memref_squeeze %dma_start3A_118 : memref<1x16xi32, #tpu.memory_space<hbm>> -> memref<16xi32, #tpu.memory_space<hbm>>
      tpu.enqueue_dma source(%dma_start3A_119 : memref<16xi32, #tpu.memory_space<hbm>>) target(%arg17 : memref<16xi32, #tpu.memory_space<vmem>>) target_semaphore(%run_scoped3A_114 : memref<!tpu.dma_semaphore, #tpu.memory_space<semaphore_mem>>)
      %dma_wait3A = arith.constant 0 : i32
      %dma_wait3A_120 = tpu.memref_slice %arg6[%add3A, %dma_wait3A] : memref<32x16xi32, #tpu.memory_space<hbm>> -> memref<1x16xi32, #tpu.memory_space<hbm>>
      %dma_wait3A_121 = tpu.memref_squeeze %dma_wait3A_120 : memref<1x16xi32, #tpu.memory_space<hbm>> -> memref<16xi32, #tpu.memory_space<hbm>>
      %dma_wait3A_122 = arith.constant 0 : i32
      %dma_wait3A_123 = tpu.memref_slice %arg6[%add3A, %dma_wait3A_122] : memref<32x16xi32, #tpu.memory_space<hbm>> -> memref<1x16xi32, #tpu.memory_space<hbm>>
      %dma_wait3A_124 = tpu.memref_squeeze %dma_wait3A_123 : memref<1x16xi32, #tpu.memory_space<hbm>> -> memref<16xi32, #tpu.memory_space<hbm>>
      tpu.wait_dma2 semaphore(%run_scoped3A_114 : memref<!tpu.dma_semaphore, #tpu.memory_space<semaphore_mem>>) src(%dma_wait3A_124 : memref<16xi32, #tpu.memory_space<hbm>>) dst(%arg17 : memref<16xi32, #tpu.memory_space<vmem>>)
      tpu.yield
    }) : () -> ()
    %get3A = arith.constant 0 : index
    %get3A_85 = tpu.vector_load %arg17[%get3A] {strides = array<i32>} : memref<16xi32, #tpu.memory_space<vmem>>, vector<16xi32>,
    %slice3A = vector.extract_strided_slice %get3A_85 {offsets = [0], sizes = [1], strides = [1]} : vector<16xi32> to vector<1xi32>
    %squeeze3A = vector.extract %slice3A[0] : i32 from vector<1xi32>
    %add3A_86 = arith.constant 64 : i32
    %add3A_87 = arith.addi %squeeze3A, %add3A_86 : i32
    %sub3A = arith.constant 1 : i32
    %sub3A_88 = arith.subi %add3A_87, %sub3A : i32
    %shift_right_arithmetic3A = arith.constant 6 : i32
    %shift_right_arithmetic3A_89 = arith.shrsi %sub3A_88, %shift_right_arithmetic3A : i32
    %barrier3A = arith.constant 0 : index
    tpu.barrier barrier_id(%barrier3A)
    %while3A = arith.constant 0 : i32
    %while3A_90 = arith.constant 0 : i32
    %while3A_91 = arith.subi %shift_right_arithmetic3A_89, %while3A : i32
    %while3A_92 = arith.addi %while3A, %while3A_91 : i32
    %while3A_93 = arith.constant 1 : i32
    %while3A_94 = arith.divsi %while3A_91, %while3A_93 : i32
    %while3A_95 = arith.muli %while3A_94, %while3A_93 : i32
    %while3A_96 = arith.addi %while3A, %while3A_95 : i32
    %while3A_97 = arith.constant 1 : i32
    %while3A_98 = scf.for %while3A_114 = %while3A to %while3A_96 step %while3A_97 iter_args(%while3A_115 = %while3A_90) -> (i32)  : i32 {
      %mul3A_116 = arith.constant 64 : i32
      %mul3A_117 = arith.muli %while3A_114, %mul3A_116 : i32
      "tpu.region"() ({
        %run_scoped3A_331 = tpu.sem_alloc : memref<!tpu.dma_semaphore, #tpu.memory_space<semaphore_mem>>
        %dma_start3A_332 = tpu.memref_slice %arg4[%add3A, %mul3A_117] : memref<32x10240xi32, #tpu.memory_space<hbm>> -> memref<1x64xi32, #tpu.memory_space<hbm>>
        %dma_start3A_333 = tpu.memref_squeeze %dma_start3A_332 : memref<1x64xi32, #tpu.memory_space<hbm>> -> memref<64xi32, #tpu.memory_space<hbm>>
        %dma_start3A_334 = tpu.memref_slice %arg4[%add3A, %mul3A_117] : memref<32x10240xi32, #tpu.memory_space<hbm>> -> memref<1x64xi32, #tpu.memory_space<hbm>>
        %dma_start3A_335 = tpu.memref_squeeze %dma_start3A_334 : memref<1x64xi32, #tpu.memory_space<hbm>> -> memref<64xi32, #tpu.memory_space<hbm>>
        tpu.enqueue_dma source(%dma_start3A_335 : memref<64xi32, #tpu.memory_space<hbm>>) target(%arg11 : memref<64xi32, #tpu.memory_space<vmem>>) target_semaphore(%run_scoped3A_331 : memref<!tpu.dma_semaphore, #tpu.memory_space<semaphore_mem>>)
        %dma_wait3A_336 = tpu.memref_slice %arg4[%add3A, %mul3A_117] : memref<32x10240xi32, #tpu.memory_space<hbm>> -> memref<1x64xi32, #tpu.memory_space<hbm>>
        %dma_wait3A_337 = tpu.memref_squeeze %dma_wait3A_336 : memref<1x64xi32, #tpu.memory_space<hbm>> -> memref<64xi32, #tpu.memory_space<hbm>>
        %dma_wait3A_338 = tpu.memref_slice %arg4[%add3A, %mul3A_117] : memref<32x10240xi32, #tpu.memory_space<hbm>> -> memref<1x64xi32, #tpu.memory_space<hbm>>
        %dma_wait3A_339 = tpu.memref_squeeze %dma_wait3A_338 : memref<1x64xi32, #tpu.memory_space<hbm>> -> memref<64xi32, #tpu.memory_space<hbm>>
        tpu.wait_dma2 semaphore(%run_scoped3A_331 : memref<!tpu.dma_semaphore, #tpu.memory_space<semaphore_mem>>) src(%dma_wait3A_339 : memref<64xi32, #tpu.memory_space<hbm>>) dst(%arg11 : memref<64xi32, #tpu.memory_space<vmem>>)
        tpu.yield
      }) : () -> ()
      %mul3A_118 = arith.constant 64 : i32
      %mul3A_119 = arith.muli %while3A_114, %mul3A_118 : i32
      "tpu.region"() ({
        %run_scoped3A_331 = tpu.sem_alloc : memref<!tpu.dma_semaphore, #tpu.memory_space<semaphore_mem>>
        %dma_start3A_332 = tpu.memref_slice %arg5[%add3A, %mul3A_119] : memref<32x10240xi32, #tpu.memory_space<hbm>> -> memref<1x64xi32, #tpu.memory_space<hbm>>
        %dma_start3A_333 = tpu.memref_squeeze %dma_start3A_332 : memref<1x64xi32, #tpu.memory_space<hbm>> -> memref<64xi32, #tpu.memory_space<hbm>>
        %dma_start3A_334 = tpu.memref_slice %arg5[%add3A, %mul3A_119] : memref<32x10240xi32, #tpu.memory_space<hbm>> -> memref<1x64xi32, #tpu.memory_space<hbm>>
        %dma_start3A_335 = tpu.memref_squeeze %dma_start3A_334 : memref<1x64xi32, #tpu.memory_space<hbm>> -> memref<64xi32, #tpu.memory_space<hbm>>
        tpu.enqueue_dma source(%dma_start3A_335 : memref<64xi32, #tpu.memory_space<hbm>>) target(%arg12 : memref<64xi32, #tpu.memory_space<vmem>>) target_semaphore(%run_scoped3A_331 : memref<!tpu.dma_semaphore, #tpu.memory_space<semaphore_mem>>)
        %dma_wait3A_336 = tpu.memref_slice %arg5[%add3A, %mul3A_119] : memref<32x10240xi32, #tpu.memory_space<hbm>> -> memref<1x64xi32, #tpu.memory_space<hbm>>
        %dma_wait3A_337 = tpu.memref_squeeze %dma_wait3A_336 : memref<1x64xi32, #tpu.memory_space<hbm>> -> memref<64xi32, #tpu.memory_space<hbm>>
        %dma_wait3A_338 = tpu.memref_slice %arg5[%add3A, %mul3A_119] : memref<32x10240xi32, #tpu.memory_space<hbm>> -> memref<1x64xi32, #tpu.memory_space<hbm>>
        %dma_wait3A_339 = tpu.memref_squeeze %dma_wait3A_338 : memref<1x64xi32, #tpu.memory_space<hbm>> -> memref<64xi32, #tpu.memory_space<hbm>>
        tpu.wait_dma2 semaphore(%run_scoped3A_331 : memref<!tpu.dma_semaphore, #tpu.memory_space<semaphore_mem>>) src(%dma_wait3A_339 : memref<64xi32, #tpu.memory_space<hbm>>) dst(%arg12 : memref<64xi32, #tpu.memory_space<vmem>>)
        tpu.yield
      }) : () -> ()
      %dma_start3A = arith.constant 0 : i32
      %dma_start3A_120 = arith.constant 0 : i32
      %dma_start3A_121 = tpu.memref_slice %arg2[%dma_start3A, %dma_start3A_120] : memref<10000x128xf32, #tpu.memory_space<hbm>> -> memref<10000x128xf32, #tpu.memory_space<hbm>>
      tpu.enqueue_indirect_dma source(%dma_start3A_121 : memref<10000x128xf32, #tpu.memory_space<hbm>>) target(%arg13 : memref<64x128xf32, #tpu.memory_space<vmem>>) offsets(%arg11 : memref<64xi32, #tpu.memory_space<vmem>>) semaphore(%arg18 : memref<!tpu.dma_semaphore, #tpu.memory_space<semaphore_mem>>)
      %dma_wait3A = arith.constant 0 : i32
      %dma_wait3A_122 = arith.constant 0 : i32
      %dma_wait3A_123 = tpu.memref_slice %arg2[%dma_wait3A, %dma_wait3A_122] : memref<10000x128xf32, #tpu.memory_space<hbm>> -> memref<10000x128xf32, #tpu.memory_space<hbm>>
      tpu.wait_indirect_dma semaphore(%arg18 : memref<!tpu.dma_semaphore, #tpu.memory_space<semaphore_mem>>) src(%dma_wait3A_123 : memref<10000x128xf32, #tpu.memory_space<hbm>>) dst(%arg13 : memref<64x128xf32, #tpu.memory_space<vmem>>)
      %get3A_124 = arith.constant 0 : index
      %get3A_125 = tpu.vector_load %arg11[%get3A_124] {strides = array<i32>} : memref<64xi32, #tpu.memory_space<vmem>>, vector<16xi32>,
      %get3A_126 = arith.constant 0 : index
      %get3A_127 = tpu.vector_load %arg12[%get3A_126] {strides = array<i32>} : memref<64xi32, #tpu.memory_space<vmem>>, vector<16xi32>,
      %gather3A = tpu.vector_load_idx %arg9[%get3A_125] : memref<10240xf32, #tpu.memory_space<vmem>>[vector<16xi32>], vector<16xf32>,
      %max3A = arith.constant 1.000000e+00 : f32
      %max3A_128 = vector.broadcast %max3A : f32 to vector<16xf32>
      %max3A_129 = arith.maximumf %gather3A, %max3A_128 : vector<16xf32>
      %bitcast3A = vector.bitcast %max3A_129 : vector<16xf32> to vector<16xi32>
      %shift_right_arithmetic3A_130 = arith.constant 1 : i32
      %shift_right_arithmetic3A_131 = vector.broadcast %shift_right_arithmetic3A_130 : i32 to vector<16xi32>
      %shift_right_arithmetic3A_132 = arith.shrsi %bitcast3A, %shift_right_arithmetic3A_131 : vector<16xi32>
      %sub3A_133 = arith.constant 1597463007 : i32
      %sub3A_134 = vector.broadcast %sub3A_133 : i32 to vector<16xi32>
      %sub3A_135 = arith.subi %sub3A_134, %shift_right_arithmetic3A_132 : vector<16xi32>
      %bitcast3A_136 = vector.bitcast %sub3A_135 : vector<16xi32> to vector<16xf32>
      %mul3A_137 = arith.constant 5.000000e-01 : f32
      %mul3A_138 = vector.broadcast %mul3A_137 : f32 to vector<16xf32>
      %mul3A_139 = arith.mulf %mul3A_138, %max3A_129 : vector<16xf32>
      %mul3A_140 = arith.mulf %mul3A_139, %bitcast3A_136 : vector<16xf32>
      %mul3A_141 = arith.mulf %mul3A_140, %bitcast3A_136 : vector<16xf32>
      %sub3A_142 = arith.constant 1.500000e+00 : f32
      %sub3A_143 = vector.broadcast %sub3A_142 : f32 to vector<16xf32>
      %sub3A_144 = arith.subf %sub3A_143, %mul3A_141 : vector<16xf32>
      %mul3A_145 = arith.mulf %bitcast3A_136, %sub3A_144 : vector<16xf32>
      %mul3A_146 = arith.constant 5.000000e-01 : f32
      %mul3A_147 = vector.broadcast %mul3A_146 : f32 to vector<16xf32>
      %mul3A_148 = arith.mulf %mul3A_147, %max3A_129 : vector<16xf32>
      %mul3A_149 = arith.mulf %mul3A_148, %mul3A_145 : vector<16xf32>
      %mul3A_150 = arith.mulf %mul3A_149, %mul3A_145 : vector<16xf32>
      %sub3A_151 = arith.constant 1.500000e+00 : f32
      %sub3A_152 = vector.broadcast %sub3A_151 : f32 to vector<16xf32>
      %sub3A_153 = arith.subf %sub3A_152, %mul3A_150 : vector<16xf32>
      %mul3A_154 = arith.mulf %mul3A_145, %sub3A_153 : vector<16xf32>
      %mul3A_155 = arith.constant 5.000000e-01 : f32
      %mul3A_156 = vector.broadcast %mul3A_155 : f32 to vector<16xf32>
      %mul3A_157 = arith.mulf %mul3A_156, %max3A_129 : vector<16xf32>
      %mul3A_158 = arith.mulf %mul3A_157, %mul3A_154 : vector<16xf32>
      %mul3A_159 = arith.mulf %mul3A_158, %mul3A_154 : vector<16xf32>
      %sub3A_160 = arith.constant 1.500000e+00 : f32
      %sub3A_161 = vector.broadcast %sub3A_160 : f32 to vector<16xf32>
      %sub3A_162 = arith.subf %sub3A_161, %mul3A_159 : vector<16xf32>
      %mul3A_163 = arith.mulf %mul3A_154, %sub3A_162 : vector<16xf32>
      %shift_right_arithmetic3A_164 = arith.constant 7 : i32
      %shift_right_arithmetic3A_165 = vector.broadcast %shift_right_arithmetic3A_164 : i32 to vector<16xi32>
      %shift_right_arithmetic3A_166 = arith.shrsi %get3A_127, %shift_right_arithmetic3A_165 : vector<16xi32>
      %and3A = arith.constant 127 : i32
      %and3A_167 = vector.broadcast %and3A : i32 to vector<16xi32>
      %and3A_168 = arith.andi %get3A_127, %and3A_167 : vector<16xi32>
      tpu.vector_store_idx %arg14[%shift_right_arithmetic3A_166, %and3A_168], %mul3A_163 {add = true} : memref<80x128xf32, #tpu.memory_space<vmem>>[vector<16xi32>, vector<16xi32>], vector<16xf32>,
      %swap3A = arith.constant 0 : index
      %swap3A_169 = tpu.vector_load %arg15[%swap3A] {strides = array<i32>} : memref<64xf32, #tpu.memory_space<vmem>>, vector<16xf32>,
      tpu.vector_store %arg15[%swap3A], %mul3A_163 {strides = array<i32>} : memref<64xf32, #tpu.memory_space<vmem>>, vector<16xf32>,
      %get3A_170 = arith.constant 16 : index
      %get3A_171 = tpu.vector_load %arg11[%get3A_170] {strides = array<i32>} : memref<64xi32, #tpu.memory_space<vmem>>, vector<16xi32>,
      %get3A_172 = arith.constant 16 : index
      %get3A_173 = tpu.vector_load %arg12[%get3A_172] {strides = array<i32>} : memref<64xi32, #tpu.memory_space<vmem>>, vector<16xi32>,
      %gather3A_174 = tpu.vector_load_idx %arg9[%get3A_171] : memref<10240xf32, #tpu.memory_space<vmem>>[vector<16xi32>], vector<16xf32>,
      %max3A_175 = arith.constant 1.000000e+00 : f32
      %max3A_176 = vector.broadcast %max3A_175 : f32 to vector<16xf32>
      %max3A_177 = arith.maximumf %gather3A_174, %max3A_176 : vector<16xf32>
      %bitcast3A_178 = vector.bitcast %max3A_177 : vector<16xf32> to vector<16xi32>
      %shift_right_arithmetic3A_179 = arith.constant 1 : i32
      %shift_right_arithmetic3A_180 = vector.broadcast %shift_right_arithmetic3A_179 : i32 to vector<16xi32>
      %shift_right_arithmetic3A_181 = arith.shrsi %bitcast3A_178, %shift_right_arithmetic3A_180 : vector<16xi32>
      %sub3A_182 = arith.constant 1597463007 : i32
      %sub3A_183 = vector.broadcast %sub3A_182 : i32 to vector<16xi32>
      %sub3A_184 = arith.subi %sub3A_183, %shift_right_arithmetic3A_181 : vector<16xi32>
      %bitcast3A_185 = vector.bitcast %sub3A_184 : vector<16xi32> to vector<16xf32>
      %mul3A_186 = arith.constant 5.000000e-01 : f32
      %mul3A_187 = vector.broadcast %mul3A_186 : f32 to vector<16xf32>
      %mul3A_188 = arith.mulf %mul3A_187, %max3A_177 : vector<16xf32>
      %mul3A_189 = arith.mulf %mul3A_188, %bitcast3A_185 : vector<16xf32>
      %mul3A_190 = arith.mulf %mul3A_189, %bitcast3A_185 : vector<16xf32>
      %sub3A_191 = arith.constant 1.500000e+00 : f32
      %sub3A_192 = vector.broadcast %sub3A_191 : f32 to vector<16xf32>
      %sub3A_193 = arith.subf %sub3A_192, %mul3A_190 : vector<16xf32>
      %mul3A_194 = arith.mulf %bitcast3A_185, %sub3A_193 : vector<16xf32>
      %mul3A_195 = arith.constant 5.000000e-01 : f32
      %mul3A_196 = vector.broadcast %mul3A_195 : f32 to vector<16xf32>
      %mul3A_197 = arith.mulf %mul3A_196, %max3A_177 : vector<16xf32>
      %mul3A_198 = arith.mulf %mul3A_197, %mul3A_194 : vector<16xf32>
      %mul3A_199 = arith.mulf %mul3A_198, %mul3A_194 : vector<16xf32>
      %sub3A_200 = arith.constant 1.500000e+00 : f32
      %sub3A_201 = vector.broadcast %sub3A_200 : f32 to vector<16xf32>
      %sub3A_202 = arith.subf %sub3A_201, %mul3A_199 : vector<16xf32>
      %mul3A_203 = arith.mulf %mul3A_194, %sub3A_202 : vector<16xf32>
      %mul3A_204 = arith.constant 5.000000e-01 : f32
      %mul3A_205 = vector.broadcast %mul3A_204 : f32 to vector<16xf32>
      %mul3A_206 = arith.mulf %mul3A_205, %max3A_177 : vector<16xf32>
      %mul3A_207 = arith.mulf %mul3A_206, %mul3A_203 : vector<16xf32>
      %mul3A_208 = arith.mulf %mul3A_207, %mul3A_203 : vector<16xf32>
      %sub3A_209 = arith.constant 1.500000e+00 : f32
      %sub3A_210 = vector.broadcast %sub3A_209 : f32 to vector<16xf32>
      %sub3A_211 = arith.subf %sub3A_210, %mul3A_208 : vector<16xf32>
      %mul3A_212 = arith.mulf %mul3A_203, %sub3A_211 : vector<16xf32>
      %shift_right_arithmetic3A_213 = arith.constant 7 : i32
      %shift_right_arithmetic3A_214 = vector.broadcast %shift_right_arithmetic3A_213 : i32 to vector<16xi32>
      %shift_right_arithmetic3A_215 = arith.shrsi %get3A_173, %shift_right_arithmetic3A_214 : vector<16xi32>
      %and3A_216 = arith.constant 127 : i32
      %and3A_217 = vector.broadcast %and3A_216 : i32 to vector<16xi32>
      %and3A_218 = arith.andi %get3A_173, %and3A_217 : vector<16xi32>
      tpu.vector_store_idx %arg14[%shift_right_arithmetic3A_215, %and3A_218], %mul3A_212 {add = true} : memref<80x128xf32, #tpu.memory_space<vmem>>[vector<16xi32>, vector<16xi32>], vector<16xf32>,
      %swap3A_219 = arith.constant 16 : index
      %swap3A_220 = tpu.vector_load %arg15[%swap3A_219] {strides = array<i32>} : memref<64xf32, #tpu.memory_space<vmem>>, vector<16xf32>,
      tpu.vector_store %arg15[%swap3A_219], %mul3A_212 {strides = array<i32>} : memref<64xf32, #tpu.memory_space<vmem>>, vector<16xf32>,
      %get3A_221 = arith.constant 32 : index
      %get3A_222 = tpu.vector_load %arg11[%get3A_221] {strides = array<i32>} : memref<64xi32, #tpu.memory_space<vmem>>, vector<16xi32>,
      %get3A_223 = arith.constant 32 : index
      %get3A_224 = tpu.vector_load %arg12[%get3A_223] {strides = array<i32>} : memref<64xi32, #tpu.memory_space<vmem>>, vector<16xi32>,
      %gather3A_225 = tpu.vector_load_idx %arg9[%get3A_222] : memref<10240xf32, #tpu.memory_space<vmem>>[vector<16xi32>], vector<16xf32>,
      %max3A_226 = arith.constant 1.000000e+00 : f32
      %max3A_227 = vector.broadcast %max3A_226 : f32 to vector<16xf32>
      %max3A_228 = arith.maximumf %gather3A_225, %max3A_227 : vector<16xf32>
      %bitcast3A_229 = vector.bitcast %max3A_228 : vector<16xf32> to vector<16xi32>
      %shift_right_arithmetic3A_230 = arith.constant 1 : i32
      %shift_right_arithmetic3A_231 = vector.broadcast %shift_right_arithmetic3A_230 : i32 to vector<16xi32>
      %shift_right_arithmetic3A_232 = arith.shrsi %bitcast3A_229, %shift_right_arithmetic3A_231 : vector<16xi32>
      %sub3A_233 = arith.constant 1597463007 : i32
      %sub3A_234 = vector.broadcast %sub3A_233 : i32 to vector<16xi32>
      %sub3A_235 = arith.subi %sub3A_234, %shift_right_arithmetic3A_232 : vector<16xi32>
      %bitcast3A_236 = vector.bitcast %sub3A_235 : vector<16xi32> to vector<16xf32>
      %mul3A_237 = arith.constant 5.000000e-01 : f32
      %mul3A_238 = vector.broadcast %mul3A_237 : f32 to vector<16xf32>
      %mul3A_239 = arith.mulf %mul3A_238, %max3A_228 : vector<16xf32>
      %mul3A_240 = arith.mulf %mul3A_239, %bitcast3A_236 : vector<16xf32>
      %mul3A_241 = arith.mulf %mul3A_240, %bitcast3A_236 : vector<16xf32>
      %sub3A_242 = arith.constant 1.500000e+00 : f32
      %sub3A_243 = vector.broadcast %sub3A_242 : f32 to vector<16xf32>
      %sub3A_244 = arith.subf %sub3A_243, %mul3A_241 : vector<16xf32>
      %mul3A_245 = arith.mulf %bitcast3A_236, %sub3A_244 : vector<16xf32>
      %mul3A_246 = arith.constant 5.000000e-01 : f32
      %mul3A_247 = vector.broadcast %mul3A_246 : f32 to vector<16xf32>
      %mul3A_248 = arith.mulf %mul3A_247, %max3A_228 : vector<16xf32>
      %mul3A_249 = arith.mulf %mul3A_248, %mul3A_245 : vector<16xf32>
      %mul3A_250 = arith.mulf %mul3A_249, %mul3A_245 : vector<16xf32>
      %sub3A_251 = arith.constant 1.500000e+00 : f32
      %sub3A_252 = vector.broadcast %sub3A_251 : f32 to vector<16xf32>
      %sub3A_253 = arith.subf %sub3A_252, %mul3A_250 : vector<16xf32>
      %mul3A_254 = arith.mulf %mul3A_245, %sub3A_253 : vector<16xf32>
      %mul3A_255 = arith.constant 5.000000e-01 : f32
      %mul3A_256 = vector.broadcast %mul3A_255 : f32 to vector<16xf32>
      %mul3A_257 = arith.mulf %mul3A_256, %max3A_228 : vector<16xf32>
      %mul3A_258 = arith.mulf %mul3A_257, %mul3A_254 : vector<16xf32>
      %mul3A_259 = arith.mulf %mul3A_258, %mul3A_254 : vector<16xf32>
      %sub3A_260 = arith.constant 1.500000e+00 : f32
      %sub3A_261 = vector.broadcast %sub3A_260 : f32 to vector<16xf32>
      %sub3A_262 = arith.subf %sub3A_261, %mul3A_259 : vector<16xf32>
      %mul3A_263 = arith.mulf %mul3A_254, %sub3A_262 : vector<16xf32>
      %shift_right_arithmetic3A_264 = arith.constant 7 : i32
      %shift_right_arithmetic3A_265 = vector.broadcast %shift_right_arithmetic3A_264 : i32 to vector<16xi32>
      %shift_right_arithmetic3A_266 = arith.shrsi %get3A_224, %shift_right_arithmetic3A_265 : vector<16xi32>
      %and3A_267 = arith.constant 127 : i32
      %and3A_268 = vector.broadcast %and3A_267 : i32 to vector<16xi32>
      %and3A_269 = arith.andi %get3A_224, %and3A_268 : vector<16xi32>
      tpu.vector_store_idx %arg14[%shift_right_arithmetic3A_266, %and3A_269], %mul3A_263 {add = true} : memref<80x128xf32, #tpu.memory_space<vmem>>[vector<16xi32>, vector<16xi32>], vector<16xf32>,
      %swap3A_270 = arith.constant 32 : index
      %swap3A_271 = tpu.vector_load %arg15[%swap3A_270] {strides = array<i32>} : memref<64xf32, #tpu.memory_space<vmem>>, vector<16xf32>,
      tpu.vector_store %arg15[%swap3A_270], %mul3A_263 {strides = array<i32>} : memref<64xf32, #tpu.memory_space<vmem>>, vector<16xf32>,
      %get3A_272 = arith.constant 48 : index
      %get3A_273 = tpu.vector_load %arg11[%get3A_272] {strides = array<i32>} : memref<64xi32, #tpu.memory_space<vmem>>, vector<16xi32>,
      %get3A_274 = arith.constant 48 : index
      %get3A_275 = tpu.vector_load %arg12[%get3A_274] {strides = array<i32>} : memref<64xi32, #tpu.memory_space<vmem>>, vector<16xi32>,
      %gather3A_276 = tpu.vector_load_idx %arg9[%get3A_273] : memref<10240xf32, #tpu.memory_space<vmem>>[vector<16xi32>], vector<16xf32>,
      %max3A_277 = arith.constant 1.000000e+00 : f32
      %max3A_278 = vector.broadcast %max3A_277 : f32 to vector<16xf32>
      %max3A_279 = arith.maximumf %gather3A_276, %max3A_278 : vector<16xf32>
      %bitcast3A_280 = vector.bitcast %max3A_279 : vector<16xf32> to vector<16xi32>
      %shift_right_arithmetic3A_281 = arith.constant 1 : i32
      %shift_right_arithmetic3A_282 = vector.broadcast %shift_right_arithmetic3A_281 : i32 to vector<16xi32>
      %shift_right_arithmetic3A_283 = arith.shrsi %bitcast3A_280, %shift_right_arithmetic3A_282 : vector<16xi32>
      %sub3A_284 = arith.constant 1597463007 : i32
      %sub3A_285 = vector.broadcast %sub3A_284 : i32 to vector<16xi32>
      %sub3A_286 = arith.subi %sub3A_285, %shift_right_arithmetic3A_283 : vector<16xi32>
      %bitcast3A_287 = vector.bitcast %sub3A_286 : vector<16xi32> to vector<16xf32>
      %mul3A_288 = arith.constant 5.000000e-01 : f32
      %mul3A_289 = vector.broadcast %mul3A_288 : f32 to vector<16xf32>
      %mul3A_290 = arith.mulf %mul3A_289, %max3A_279 : vector<16xf32>
      %mul3A_291 = arith.mulf %mul3A_290, %bitcast3A_287 : vector<16xf32>
      %mul3A_292 = arith.mulf %mul3A_291, %bitcast3A_287 : vector<16xf32>
      %sub3A_293 = arith.constant 1.500000e+00 : f32
      %sub3A_294 = vector.broadcast %sub3A_293 : f32 to vector<16xf32>
      %sub3A_295 = arith.subf %sub3A_294, %mul3A_292 : vector<16xf32>
      %mul3A_296 = arith.mulf %bitcast3A_287, %sub3A_295 : vector<16xf32>
      %mul3A_297 = arith.constant 5.000000e-01 : f32
      %mul3A_298 = vector.broadcast %mul3A_297 : f32 to vector<16xf32>
      %mul3A_299 = arith.mulf %mul3A_298, %max3A_279 : vector<16xf32>
      %mul3A_300 = arith.mulf %mul3A_299, %mul3A_296 : vector<16xf32>
      %mul3A_301 = arith.mulf %mul3A_300, %mul3A_296 : vector<16xf32>
      %sub3A_302 = arith.constant 1.500000e+00 : f32
      %sub3A_303 = vector.broadcast %sub3A_302 : f32 to vector<16xf32>
      %sub3A_304 = arith.subf %sub3A_303, %mul3A_301 : vector<16xf32>
      %mul3A_305 = arith.mulf %mul3A_296, %sub3A_304 : vector<16xf32>
      %mul3A_306 = arith.constant 5.000000e-01 : f32
      %mul3A_307 = vector.broadcast %mul3A_306 : f32 to vector<16xf32>
      %mul3A_308 = arith.mulf %mul3A_307, %max3A_279 : vector<16xf32>
      %mul3A_309 = arith.mulf %mul3A_308, %mul3A_305 : vector<16xf32>
      %mul3A_310 = arith.mulf %mul3A_309, %mul3A_305 : vector<16xf32>
      %sub3A_311 = arith.constant 1.500000e+00 : f32
      %sub3A_312 = vector.broadcast %sub3A_311 : f32 to vector<16xf32>
      %sub3A_313 = arith.subf %sub3A_312, %mul3A_310 : vector<16xf32>
      %mul3A_314 = arith.mulf %mul3A_305, %sub3A_313 : vector<16xf32>
      %shift_right_arithmetic3A_315 = arith.constant 7 : i32
      %shift_right_arithmetic3A_316 = vector.broadcast %shift_right_arithmetic3A_315 : i32 to vector<16xi32>
      %shift_right_arithmetic3A_317 = arith.shrsi %get3A_275, %shift_right_arithmetic3A_316 : vector<16xi32>
      %and3A_318 = arith.constant 127 : i32
      %and3A_319 = vector.broadcast %and3A_318 : i32 to vector<16xi32>
      %and3A_320 = arith.andi %get3A_275, %and3A_319 : vector<16xi32>
      tpu.vector_store_idx %arg14[%shift_right_arithmetic3A_317, %and3A_320], %mul3A_314 {add = true} : memref<80x128xf32, #tpu.memory_space<vmem>>[vector<16xi32>, vector<16xi32>], vector<16xf32>,
      %swap3A_321 = arith.constant 48 : index
      %swap3A_322 = tpu.vector_load %arg15[%swap3A_321] {strides = array<i32>} : memref<64xf32, #tpu.memory_space<vmem>>, vector<16xf32>,
      tpu.vector_store %arg15[%swap3A_321], %mul3A_314 {strides = array<i32>} : memref<64xf32, #tpu.memory_space<vmem>>, vector<16xf32>,
      %scan3A_323 = arith.constant 0 : i32
      %scan3A_324 = arith.constant 0 : i32
      %scan3A_325 = arith.constant 64 : i32
      %scan3A_326 = arith.addi %scan3A_324, %scan3A_325 : i32
      %scan3A_327 = arith.constant 1 : i32
      %scan3A_328 = scf.for %scan3A_331 = %scan3A_324 to %scan3A_326 step %scan3A_327 iter_args(%scan3A_332 = %scan3A_323) -> (i32)  : i32 {
        %broadcast_in_dim3A_333 = vector.broadcast %scan3A_331 : i32 to vector<16xi32>
        %gather3A_334 = tpu.vector_load_idx %arg15[%broadcast_in_dim3A_333] : memref<64xf32, #tpu.memory_space<vmem>>[vector<16xi32>], vector<16xf32>,
        %get3A_335 = arith.index_cast %scan3A_331 : i32 to index
        %get3A_336 = arith.constant 0 : index
        %get3A_337 = tpu.vector_load %arg13[%get3A_335, %get3A_336] {strides = array<i32>} : memref<64x128xf32, #tpu.memory_space<vmem>>, vector<16xf32>,
        %mul3A_338 = arith.mulf %get3A_337, %gather3A_334 : vector<16xf32>
        %swap3A_339 = arith.index_cast %scan3A_331 : i32 to index
        %swap3A_340 = arith.constant 0 : index
        %swap3A_341 = tpu.vector_load %arg13[%swap3A_339, %swap3A_340] {strides = array<i32>} : memref<64x128xf32, #tpu.memory_space<vmem>>, vector<16xf32>,
        tpu.vector_store %arg13[%swap3A_339, %swap3A_340], %mul3A_338 {strides = array<i32>} : memref<64x128xf32, #tpu.memory_space<vmem>>, vector<16xf32>,
        %get3A_342 = arith.index_cast %scan3A_331 : i32 to index
        %get3A_343 = arith.constant 16 : index
        %get3A_344 = tpu.vector_load %arg13[%get3A_342, %get3A_343] {strides = array<i32>} : memref<64x128xf32, #tpu.memory_space<vmem>>, vector<16xf32>,
        %mul3A_345 = arith.mulf %get3A_344, %gather3A_334 : vector<16xf32>
        %swap3A_346 = arith.index_cast %scan3A_331 : i32 to index
        %swap3A_347 = arith.constant 16 : index
        %swap3A_348 = tpu.vector_load %arg13[%swap3A_346, %swap3A_347] {strides = array<i32>} : memref<64x128xf32, #tpu.memory_space<vmem>>, vector<16xf32>,
        tpu.vector_store %arg13[%swap3A_346, %swap3A_347], %mul3A_345 {strides = array<i32>} : memref<64x128xf32, #tpu.memory_space<vmem>>, vector<16xf32>,
        %get3A_349 = arith.index_cast %scan3A_331 : i32 to index
        %get3A_350 = arith.constant 32 : index
        %get3A_351 = tpu.vector_load %arg13[%get3A_349, %get3A_350] {strides = array<i32>} : memref<64x128xf32, #tpu.memory_space<vmem>>, vector<16xf32>,
        %mul3A_352 = arith.mulf %get3A_351, %gather3A_334 : vector<16xf32>
        %swap3A_353 = arith.index_cast %scan3A_331 : i32 to index
        %swap3A_354 = arith.constant 32 : index
        %swap3A_355 = tpu.vector_load %arg13[%swap3A_353, %swap3A_354] {strides = array<i32>} : memref<64x128xf32, #tpu.memory_space<vmem>>, vector<16xf32>,
        tpu.vector_store %arg13[%swap3A_353, %swap3A_354], %mul3A_352 {strides = array<i32>} : memref<64x128xf32, #tpu.memory_space<vmem>>, vector<16xf32>,
        %get3A_356 = arith.index_cast %scan3A_331 : i32 to index
        %get3A_357 = arith.constant 48 : index
        %get3A_358 = tpu.vector_load %arg13[%get3A_356, %get3A_357] {strides = array<i32>} : memref<64x128xf32, #tpu.memory_space<vmem>>, vector<16xf32>,
        %mul3A_359 = arith.mulf %get3A_358, %gather3A_334 : vector<16xf32>
        %swap3A_360 = arith.index_cast %scan3A_331 : i32 to index
        %swap3A_361 = arith.constant 48 : index
        %swap3A_362 = tpu.vector_load %arg13[%swap3A_360, %swap3A_361] {strides = array<i32>} : memref<64x128xf32, #tpu.memory_space<vmem>>, vector<16xf32>,
        tpu.vector_store %arg13[%swap3A_360, %swap3A_361], %mul3A_359 {strides = array<i32>} : memref<64x128xf32, #tpu.memory_space<vmem>>, vector<16xf32>,
        %get3A_363 = arith.index_cast %scan3A_331 : i32 to index
        %get3A_364 = arith.constant 64 : index
        %get3A_365 = tpu.vector_load %arg13[%get3A_363, %get3A_364] {strides = array<i32>} : memref<64x128xf32, #tpu.memory_space<vmem>>, vector<16xf32>,
        %mul3A_366 = arith.mulf %get3A_365, %gather3A_334 : vector<16xf32>
        %swap3A_367 = arith.index_cast %scan3A_331 : i32 to index
        %swap3A_368 = arith.constant 64 : index
        %swap3A_369 = tpu.vector_load %arg13[%swap3A_367, %swap3A_368] {strides = array<i32>} : memref<64x128xf32, #tpu.memory_space<vmem>>, vector<16xf32>,
        tpu.vector_store %arg13[%swap3A_367, %swap3A_368], %mul3A_366 {strides = array<i32>} : memref<64x128xf32, #tpu.memory_space<vmem>>, vector<16xf32>,
        %get3A_370 = arith.index_cast %scan3A_331 : i32 to index
        %get3A_371 = arith.constant 80 : index
        %get3A_372 = tpu.vector_load %arg13[%get3A_370, %get3A_371] {strides = array<i32>} : memref<64x128xf32, #tpu.memory_space<vmem>>, vector<16xf32>,
        %mul3A_373 = arith.mulf %get3A_372, %gather3A_334 : vector<16xf32>
        %swap3A_374 = arith.index_cast %scan3A_331 : i32 to index
        %swap3A_375 = arith.constant 80 : index
        %swap3A_376 = tpu.vector_load %arg13[%swap3A_374, %swap3A_375] {strides = array<i32>} : memref<64x128xf32, #tpu.memory_space<vmem>>, vector<16xf32>,
        tpu.vector_store %arg13[%swap3A_374, %swap3A_375], %mul3A_373 {strides = array<i32>} : memref<64x128xf32, #tpu.memory_space<vmem>>, vector<16xf32>,
        %get3A_377 = arith.index_cast %scan3A_331 : i32 to index
        %get3A_378 = arith.constant 96 : index
        %get3A_379 = tpu.vector_load %arg13[%get3A_377, %get3A_378] {strides = array<i32>} : memref<64x128xf32, #tpu.memory_space<vmem>>, vector<16xf32>,
        %mul3A_380 = arith.mulf %get3A_379, %gather3A_334 : vector<16xf32>
        %swap3A_381 = arith.index_cast %scan3A_331 : i32 to index
        %swap3A_382 = arith.constant 96 : index
        %swap3A_383 = tpu.vector_load %arg13[%swap3A_381, %swap3A_382] {strides = array<i32>} : memref<64x128xf32, #tpu.memory_space<vmem>>, vector<16xf32>,
        tpu.vector_store %arg13[%swap3A_381, %swap3A_382], %mul3A_380 {strides = array<i32>} : memref<64x128xf32, #tpu.memory_space<vmem>>, vector<16xf32>,
        %get3A_384 = arith.index_cast %scan3A_331 : i32 to index
        %get3A_385 = arith.constant 112 : index
        %get3A_386 = tpu.vector_load %arg13[%get3A_384, %get3A_385] {strides = array<i32>} : memref<64x128xf32, #tpu.memory_space<vmem>>, vector<16xf32>,
        %mul3A_387 = arith.mulf %get3A_386, %gather3A_334 : vector<16xf32>
        %swap3A_388 = arith.index_cast %scan3A_331 : i32 to index
        %swap3A_389 = arith.constant 112 : index
        %swap3A_390 = tpu.vector_load %arg13[%swap3A_388, %swap3A_389] {strides = array<i32>} : memref<64x128xf32, #tpu.memory_space<vmem>>, vector<16xf32>,
        tpu.vector_store %arg13[%swap3A_388, %swap3A_389], %mul3A_387 {strides = array<i32>} : memref<64x128xf32, #tpu.memory_space<vmem>>, vector<16xf32>,
        %scan3A_391 = arith.constant 0 : i32
        scf.yield %scan3A_391 : i32
      }
      %scan3A_329 = arith.constant 64 : i32
      "tpu.region"() ({
        %run_scoped3A_331 = tpu.sem_alloc : memref<!tpu.dma_semaphore, #tpu.memory_space<semaphore_mem>>
        %dma_start3A_332 = arith.constant 0 : i32
        %dma_start3A_333 = arith.constant 0 : i32
        %dma_start3A_334 = tpu.memref_slice %arg19[%dma_start3A_332, %dma_start3A_333] : memref<10240x128xf32, #tpu.memory_space<vmem_shared>> -> memref<10240x128xf32, #tpu.memory_space<vmem_shared>>
        tpu.enqueue_indirect_dma source(%arg13 : memref<64x128xf32, #tpu.memory_space<vmem>>) target(%dma_start3A_334 : memref<10240x128xf32, #tpu.memory_space<vmem_shared>>) offsets(%arg12 : memref<64xi32, #tpu.memory_space<vmem>>) semaphore(%run_scoped3A_331 : memref<!tpu.dma_semaphore, #tpu.memory_space<semaphore_mem>>) {add = true}
        %dma_wait3A_335 = arith.constant 0 : i32
        %dma_wait3A_336 = arith.constant 0 : i32
        %dma_wait3A_337 = tpu.memref_slice %arg19[%dma_wait3A_335, %dma_wait3A_336] : memref<10240x128xf32, #tpu.memory_space<vmem_shared>> -> memref<10240x128xf32, #tpu.memory_space<vmem_shared>>
        tpu.wait_indirect_dma semaphore(%run_scoped3A_331 : memref<!tpu.dma_semaphore, #tpu.memory_space<semaphore_mem>>) src(%arg13 : memref<64x128xf32, #tpu.memory_space<vmem>>) dst(%dma_wait3A_337 : memref<10240x128xf32, #tpu.memory_space<vmem_shared>>)
        tpu.yield
      }) : () -> ()
      %while3A_330 = arith.constant 0 : i32
      scf.yield %while3A_330 : i32
    }
    %while3A_99 = arith.constant 1 : i32
    %while3A_100 = scf.for %while3A_114 = %while3A_96 to %while3A_92 step %while3A_99 iter_args(%while3A_115 = %while3A_98) -> (i32)  : i32 {
      %mul3A_116 = arith.constant 64 : i32
      %mul3A_117 = arith.muli %while3A_114, %mul3A_116 : i32
      "tpu.region"() ({
        %run_scoped3A_331 = tpu.sem_alloc : memref<!tpu.dma_semaphore, #tpu.memory_space<semaphore_mem>>
        %dma_start3A_332 = tpu.memref_slice %arg4[%add3A, %mul3A_117] : memref<32x10240xi32, #tpu.memory_space<hbm>> -> memref<1x64xi32, #tpu.memory_space<hbm>>
        %dma_start3A_333 = tpu.memref_squeeze %dma_start3A_332 : memref<1x64xi32, #tpu.memory_space<hbm>> -> memref<64xi32, #tpu.memory_space<hbm>>
        %dma_start3A_334 = tpu.memref_slice %arg4[%add3A, %mul3A_117] : memref<32x10240xi32, #tpu.memory_space<hbm>> -> memref<1x64xi32, #tpu.memory_space<hbm>>
        %dma_start3A_335 = tpu.memref_squeeze %dma_start3A_334 : memref<1x64xi32, #tpu.memory_space<hbm>> -> memref<64xi32, #tpu.memory_space<hbm>>
        tpu.enqueue_dma source(%dma_start3A_335 : memref<64xi32, #tpu.memory_space<hbm>>) target(%arg11 : memref<64xi32, #tpu.memory_space<vmem>>) target_semaphore(%run_scoped3A_331 : memref<!tpu.dma_semaphore, #tpu.memory_space<semaphore_mem>>)
        %dma_wait3A_336 = tpu.memref_slice %arg4[%add3A, %mul3A_117] : memref<32x10240xi32, #tpu.memory_space<hbm>> -> memref<1x64xi32, #tpu.memory_space<hbm>>
        %dma_wait3A_337 = tpu.memref_squeeze %dma_wait3A_336 : memref<1x64xi32, #tpu.memory_space<hbm>> -> memref<64xi32, #tpu.memory_space<hbm>>
        %dma_wait3A_338 = tpu.memref_slice %arg4[%add3A, %mul3A_117] : memref<32x10240xi32, #tpu.memory_space<hbm>> -> memref<1x64xi32, #tpu.memory_space<hbm>>
        %dma_wait3A_339 = tpu.memref_squeeze %dma_wait3A_338 : memref<1x64xi32, #tpu.memory_space<hbm>> -> memref<64xi32, #tpu.memory_space<hbm>>
        tpu.wait_dma2 semaphore(%run_scoped3A_331 : memref<!tpu.dma_semaphore, #tpu.memory_space<semaphore_mem>>) src(%dma_wait3A_339 : memref<64xi32, #tpu.memory_space<hbm>>) dst(%arg11 : memref<64xi32, #tpu.memory_space<vmem>>)
        tpu.yield
      }) : () -> ()
      %mul3A_118 = arith.constant 64 : i32
      %mul3A_119 = arith.muli %while3A_114, %mul3A_118 : i32
      "tpu.region"() ({
        %run_scoped3A_331 = tpu.sem_alloc : memref<!tpu.dma_semaphore, #tpu.memory_space<semaphore_mem>>
        %dma_start3A_332 = tpu.memref_slice %arg5[%add3A, %mul3A_119] : memref<32x10240xi32, #tpu.memory_space<hbm>> -> memref<1x64xi32, #tpu.memory_space<hbm>>
        %dma_start3A_333 = tpu.memref_squeeze %dma_start3A_332 : memref<1x64xi32, #tpu.memory_space<hbm>> -> memref<64xi32, #tpu.memory_space<hbm>>
        %dma_start3A_334 = tpu.memref_slice %arg5[%add3A, %mul3A_119] : memref<32x10240xi32, #tpu.memory_space<hbm>> -> memref<1x64xi32, #tpu.memory_space<hbm>>
        %dma_start3A_335 = tpu.memref_squeeze %dma_start3A_334 : memref<1x64xi32, #tpu.memory_space<hbm>> -> memref<64xi32, #tpu.memory_space<hbm>>
        tpu.enqueue_dma source(%dma_start3A_335 : memref<64xi32, #tpu.memory_space<hbm>>) target(%arg12 : memref<64xi32, #tpu.memory_space<vmem>>) target_semaphore(%run_scoped3A_331 : memref<!tpu.dma_semaphore, #tpu.memory_space<semaphore_mem>>)
        %dma_wait3A_336 = tpu.memref_slice %arg5[%add3A, %mul3A_119] : memref<32x10240xi32, #tpu.memory_space<hbm>> -> memref<1x64xi32, #tpu.memory_space<hbm>>
        %dma_wait3A_337 = tpu.memref_squeeze %dma_wait3A_336 : memref<1x64xi32, #tpu.memory_space<hbm>> -> memref<64xi32, #tpu.memory_space<hbm>>
        %dma_wait3A_338 = tpu.memref_slice %arg5[%add3A, %mul3A_119] : memref<32x10240xi32, #tpu.memory_space<hbm>> -> memref<1x64xi32, #tpu.memory_space<hbm>>
        %dma_wait3A_339 = tpu.memref_squeeze %dma_wait3A_338 : memref<1x64xi32, #tpu.memory_space<hbm>> -> memref<64xi32, #tpu.memory_space<hbm>>
        tpu.wait_dma2 semaphore(%run_scoped3A_331 : memref<!tpu.dma_semaphore, #tpu.memory_space<semaphore_mem>>) src(%dma_wait3A_339 : memref<64xi32, #tpu.memory_space<hbm>>) dst(%arg12 : memref<64xi32, #tpu.memory_space<vmem>>)
        tpu.yield
      }) : () -> ()
      %dma_start3A = arith.constant 0 : i32
      %dma_start3A_120 = arith.constant 0 : i32
      %dma_start3A_121 = tpu.memref_slice %arg2[%dma_start3A, %dma_start3A_120] : memref<10000x128xf32, #tpu.memory_space<hbm>> -> memref<10000x128xf32, #tpu.memory_space<hbm>>
      tpu.enqueue_indirect_dma source(%dma_start3A_121 : memref<10000x128xf32, #tpu.memory_space<hbm>>) target(%arg13 : memref<64x128xf32, #tpu.memory_space<vmem>>) offsets(%arg11 : memref<64xi32, #tpu.memory_space<vmem>>) semaphore(%arg18 : memref<!tpu.dma_semaphore, #tpu.memory_space<semaphore_mem>>)
      %dma_wait3A = arith.constant 0 : i32
      %dma_wait3A_122 = arith.constant 0 : i32
      %dma_wait3A_123 = tpu.memref_slice %arg2[%dma_wait3A, %dma_wait3A_122] : memref<10000x128xf32, #tpu.memory_space<hbm>> -> memref<10000x128xf32, #tpu.memory_space<hbm>>
      tpu.wait_indirect_dma semaphore(%arg18 : memref<!tpu.dma_semaphore, #tpu.memory_space<semaphore_mem>>) src(%dma_wait3A_123 : memref<10000x128xf32, #tpu.memory_space<hbm>>) dst(%arg13 : memref<64x128xf32, #tpu.memory_space<vmem>>)
      %get3A_124 = arith.constant 0 : index
      %get3A_125 = tpu.vector_load %arg11[%get3A_124] {strides = array<i32>} : memref<64xi32, #tpu.memory_space<vmem>>, vector<16xi32>,
      %get3A_126 = arith.constant 0 : index
      %get3A_127 = tpu.vector_load %arg12[%get3A_126] {strides = array<i32>} : memref<64xi32, #tpu.memory_space<vmem>>, vector<16xi32>,
      %gather3A = tpu.vector_load_idx %arg9[%get3A_125] : memref<10240xf32, #tpu.memory_space<vmem>>[vector<16xi32>], vector<16xf32>,
      %max3A = arith.constant 1.000000e+00 : f32
      %max3A_128 = vector.broadcast %max3A : f32 to vector<16xf32>
      %max3A_129 = arith.maximumf %gather3A, %max3A_128 : vector<16xf32>
      %bitcast3A = vector.bitcast %max3A_129 : vector<16xf32> to vector<16xi32>
      %shift_right_arithmetic3A_130 = arith.constant 1 : i32
      %shift_right_arithmetic3A_131 = vector.broadcast %shift_right_arithmetic3A_130 : i32 to vector<16xi32>
      %shift_right_arithmetic3A_132 = arith.shrsi %bitcast3A, %shift_right_arithmetic3A_131 : vector<16xi32>
      %sub3A_133 = arith.constant 1597463007 : i32
      %sub3A_134 = vector.broadcast %sub3A_133 : i32 to vector<16xi32>
      %sub3A_135 = arith.subi %sub3A_134, %shift_right_arithmetic3A_132 : vector<16xi32>
      %bitcast3A_136 = vector.bitcast %sub3A_135 : vector<16xi32> to vector<16xf32>
      %mul3A_137 = arith.constant 5.000000e-01 : f32
      %mul3A_138 = vector.broadcast %mul3A_137 : f32 to vector<16xf32>
      %mul3A_139 = arith.mulf %mul3A_138, %max3A_129 : vector<16xf32>
      %mul3A_140 = arith.mulf %mul3A_139, %bitcast3A_136 : vector<16xf32>
      %mul3A_141 = arith.mulf %mul3A_140, %bitcast3A_136 : vector<16xf32>
      %sub3A_142 = arith.constant 1.500000e+00 : f32
      %sub3A_143 = vector.broadcast %sub3A_142 : f32 to vector<16xf32>
      %sub3A_144 = arith.subf %sub3A_143, %mul3A_141 : vector<16xf32>
      %mul3A_145 = arith.mulf %bitcast3A_136, %sub3A_144 : vector<16xf32>
      %mul3A_146 = arith.constant 5.000000e-01 : f32
      %mul3A_147 = vector.broadcast %mul3A_146 : f32 to vector<16xf32>
      %mul3A_148 = arith.mulf %mul3A_147, %max3A_129 : vector<16xf32>
      %mul3A_149 = arith.mulf %mul3A_148, %mul3A_145 : vector<16xf32>
      %mul3A_150 = arith.mulf %mul3A_149, %mul3A_145 : vector<16xf32>
      %sub3A_151 = arith.constant 1.500000e+00 : f32
      %sub3A_152 = vector.broadcast %sub3A_151 : f32 to vector<16xf32>
      %sub3A_153 = arith.subf %sub3A_152, %mul3A_150 : vector<16xf32>
      %mul3A_154 = arith.mulf %mul3A_145, %sub3A_153 : vector<16xf32>
      %mul3A_155 = arith.constant 5.000000e-01 : f32
      %mul3A_156 = vector.broadcast %mul3A_155 : f32 to vector<16xf32>
      %mul3A_157 = arith.mulf %mul3A_156, %max3A_129 : vector<16xf32>
      %mul3A_158 = arith.mulf %mul3A_157, %mul3A_154 : vector<16xf32>
      %mul3A_159 = arith.mulf %mul3A_158, %mul3A_154 : vector<16xf32>
      %sub3A_160 = arith.constant 1.500000e+00 : f32
      %sub3A_161 = vector.broadcast %sub3A_160 : f32 to vector<16xf32>
      %sub3A_162 = arith.subf %sub3A_161, %mul3A_159 : vector<16xf32>
      %mul3A_163 = arith.mulf %mul3A_154, %sub3A_162 : vector<16xf32>
      %shift_right_arithmetic3A_164 = arith.constant 7 : i32
      %shift_right_arithmetic3A_165 = vector.broadcast %shift_right_arithmetic3A_164 : i32 to vector<16xi32>
      %shift_right_arithmetic3A_166 = arith.shrsi %get3A_127, %shift_right_arithmetic3A_165 : vector<16xi32>
      %and3A = arith.constant 127 : i32
      %and3A_167 = vector.broadcast %and3A : i32 to vector<16xi32>
      %and3A_168 = arith.andi %get3A_127, %and3A_167 : vector<16xi32>
      tpu.vector_store_idx %arg14[%shift_right_arithmetic3A_166, %and3A_168], %mul3A_163 {add = true} : memref<80x128xf32, #tpu.memory_space<vmem>>[vector<16xi32>, vector<16xi32>], vector<16xf32>,
      %swap3A = arith.constant 0 : index
      %swap3A_169 = tpu.vector_load %arg15[%swap3A] {strides = array<i32>} : memref<64xf32, #tpu.memory_space<vmem>>, vector<16xf32>,
      tpu.vector_store %arg15[%swap3A], %mul3A_163 {strides = array<i32>} : memref<64xf32, #tpu.memory_space<vmem>>, vector<16xf32>,
      %get3A_170 = arith.constant 16 : index
      %get3A_171 = tpu.vector_load %arg11[%get3A_170] {strides = array<i32>} : memref<64xi32, #tpu.memory_space<vmem>>, vector<16xi32>,
      %get3A_172 = arith.constant 16 : index
      %get3A_173 = tpu.vector_load %arg12[%get3A_172] {strides = array<i32>} : memref<64xi32, #tpu.memory_space<vmem>>, vector<16xi32>,
      %gather3A_174 = tpu.vector_load_idx %arg9[%get3A_171] : memref<10240xf32, #tpu.memory_space<vmem>>[vector<16xi32>], vector<16xf32>,
      %max3A_175 = arith.constant 1.000000e+00 : f32
      %max3A_176 = vector.broadcast %max3A_175 : f32 to vector<16xf32>
      %max3A_177 = arith.maximumf %gather3A_174, %max3A_176 : vector<16xf32>
      %bitcast3A_178 = vector.bitcast %max3A_177 : vector<16xf32> to vector<16xi32>
      %shift_right_arithmetic3A_179 = arith.constant 1 : i32
      %shift_right_arithmetic3A_180 = vector.broadcast %shift_right_arithmetic3A_179 : i32 to vector<16xi32>
      %shift_right_arithmetic3A_181 = arith.shrsi %bitcast3A_178, %shift_right_arithmetic3A_180 : vector<16xi32>
      %sub3A_182 = arith.constant 1597463007 : i32
      %sub3A_183 = vector.broadcast %sub3A_182 : i32 to vector<16xi32>
      %sub3A_184 = arith.subi %sub3A_183, %shift_right_arithmetic3A_181 : vector<16xi32>
      %bitcast3A_185 = vector.bitcast %sub3A_184 : vector<16xi32> to vector<16xf32>
      %mul3A_186 = arith.constant 5.000000e-01 : f32
      %mul3A_187 = vector.broadcast %mul3A_186 : f32 to vector<16xf32>
      %mul3A_188 = arith.mulf %mul3A_187, %max3A_177 : vector<16xf32>
      %mul3A_189 = arith.mulf %mul3A_188, %bitcast3A_185 : vector<16xf32>
      %mul3A_190 = arith.mulf %mul3A_189, %bitcast3A_185 : vector<16xf32>
      %sub3A_191 = arith.constant 1.500000e+00 : f32
      %sub3A_192 = vector.broadcast %sub3A_191 : f32 to vector<16xf32>
      %sub3A_193 = arith.subf %sub3A_192, %mul3A_190 : vector<16xf32>
      %mul3A_194 = arith.mulf %bitcast3A_185, %sub3A_193 : vector<16xf32>
      %mul3A_195 = arith.constant 5.000000e-01 : f32
      %mul3A_196 = vector.broadcast %mul3A_195 : f32 to vector<16xf32>
      %mul3A_197 = arith.mulf %mul3A_196, %max3A_177 : vector<16xf32>
      %mul3A_198 = arith.mulf %mul3A_197, %mul3A_194 : vector<16xf32>
      %mul3A_199 = arith.mulf %mul3A_198, %mul3A_194 : vector<16xf32>
      %sub3A_200 = arith.constant 1.500000e+00 : f32
      %sub3A_201 = vector.broadcast %sub3A_200 : f32 to vector<16xf32>
      %sub3A_202 = arith.subf %sub3A_201, %mul3A_199 : vector<16xf32>
      %mul3A_203 = arith.mulf %mul3A_194, %sub3A_202 : vector<16xf32>
      %mul3A_204 = arith.constant 5.000000e-01 : f32
      %mul3A_205 = vector.broadcast %mul3A_204 : f32 to vector<16xf32>
      %mul3A_206 = arith.mulf %mul3A_205, %max3A_177 : vector<16xf32>
      %mul3A_207 = arith.mulf %mul3A_206, %mul3A_203 : vector<16xf32>
      %mul3A_208 = arith.mulf %mul3A_207, %mul3A_203 : vector<16xf32>
      %sub3A_209 = arith.constant 1.500000e+00 : f32
      %sub3A_210 = vector.broadcast %sub3A_209 : f32 to vector<16xf32>
      %sub3A_211 = arith.subf %sub3A_210, %mul3A_208 : vector<16xf32>
      %mul3A_212 = arith.mulf %mul3A_203, %sub3A_211 : vector<16xf32>
      %shift_right_arithmetic3A_213 = arith.constant 7 : i32
      %shift_right_arithmetic3A_214 = vector.broadcast %shift_right_arithmetic3A_213 : i32 to vector<16xi32>
      %shift_right_arithmetic3A_215 = arith.shrsi %get3A_173, %shift_right_arithmetic3A_214 : vector<16xi32>
      %and3A_216 = arith.constant 127 : i32
      %and3A_217 = vector.broadcast %and3A_216 : i32 to vector<16xi32>
      %and3A_218 = arith.andi %get3A_173, %and3A_217 : vector<16xi32>
      tpu.vector_store_idx %arg14[%shift_right_arithmetic3A_215, %and3A_218], %mul3A_212 {add = true} : memref<80x128xf32, #tpu.memory_space<vmem>>[vector<16xi32>, vector<16xi32>], vector<16xf32>,
      %swap3A_219 = arith.constant 16 : index
      %swap3A_220 = tpu.vector_load %arg15[%swap3A_219] {strides = array<i32>} : memref<64xf32, #tpu.memory_space<vmem>>, vector<16xf32>,
      tpu.vector_store %arg15[%swap3A_219], %mul3A_212 {strides = array<i32>} : memref<64xf32, #tpu.memory_space<vmem>>, vector<16xf32>,
      %get3A_221 = arith.constant 32 : index
      %get3A_222 = tpu.vector_load %arg11[%get3A_221] {strides = array<i32>} : memref<64xi32, #tpu.memory_space<vmem>>, vector<16xi32>,
      %get3A_223 = arith.constant 32 : index
      %get3A_224 = tpu.vector_load %arg12[%get3A_223] {strides = array<i32>} : memref<64xi32, #tpu.memory_space<vmem>>, vector<16xi32>,
      %gather3A_225 = tpu.vector_load_idx %arg9[%get3A_222] : memref<10240xf32, #tpu.memory_space<vmem>>[vector<16xi32>], vector<16xf32>,
      %max3A_226 = arith.constant 1.000000e+00 : f32
      %max3A_227 = vector.broadcast %max3A_226 : f32 to vector<16xf32>
      %max3A_228 = arith.maximumf %gather3A_225, %max3A_227 : vector<16xf32>
      %bitcast3A_229 = vector.bitcast %max3A_228 : vector<16xf32> to vector<16xi32>
      %shift_right_arithmetic3A_230 = arith.constant 1 : i32
      %shift_right_arithmetic3A_231 = vector.broadcast %shift_right_arithmetic3A_230 : i32 to vector<16xi32>
      %shift_right_arithmetic3A_232 = arith.shrsi %bitcast3A_229, %shift_right_arithmetic3A_231 : vector<16xi32>
      %sub3A_233 = arith.constant 1597463007 : i32
      %sub3A_234 = vector.broadcast %sub3A_233 : i32 to vector<16xi32>
      %sub3A_235 = arith.subi %sub3A_234, %shift_right_arithmetic3A_232 : vector<16xi32>
      %bitcast3A_236 = vector.bitcast %sub3A_235 : vector<16xi32> to vector<16xf32>
      %mul3A_237 = arith.constant 5.000000e-01 : f32
      %mul3A_238 = vector.broadcast %mul3A_237 : f32 to vector<16xf32>
      %mul3A_239 = arith.mulf %mul3A_238, %max3A_228 : vector<16xf32>
      %mul3A_240 = arith.mulf %mul3A_239, %bitcast3A_236 : vector<16xf32>
      %mul3A_241 = arith.mulf %mul3A_240, %bitcast3A_236 : vector<16xf32>
      %sub3A_242 = arith.constant 1.500000e+00 : f32
      %sub3A_243 = vector.broadcast %sub3A_242 : f32 to vector<16xf32>
      %sub3A_244 = arith.subf %sub3A_243, %mul3A_241 : vector<16xf32>
      %mul3A_245 = arith.mulf %bitcast3A_236, %sub3A_244 : vector<16xf32>
      %mul3A_246 = arith.constant 5.000000e-01 : f32
      %mul3A_247 = vector.broadcast %mul3A_246 : f32 to vector<16xf32>
      %mul3A_248 = arith.mulf %mul3A_247, %max3A_228 : vector<16xf32>
      %mul3A_249 = arith.mulf %mul3A_248, %mul3A_245 : vector<16xf32>
      %mul3A_250 = arith.mulf %mul3A_249, %mul3A_245 : vector<16xf32>
      %sub3A_251 = arith.constant 1.500000e+00 : f32
      %sub3A_252 = vector.broadcast %sub3A_251 : f32 to vector<16xf32>
      %sub3A_253 = arith.subf %sub3A_252, %mul3A_250 : vector<16xf32>
      %mul3A_254 = arith.mulf %mul3A_245, %sub3A_253 : vector<16xf32>
      %mul3A_255 = arith.constant 5.000000e-01 : f32
      %mul3A_256 = vector.broadcast %mul3A_255 : f32 to vector<16xf32>
      %mul3A_257 = arith.mulf %mul3A_256, %max3A_228 : vector<16xf32>
      %mul3A_258 = arith.mulf %mul3A_257, %mul3A_254 : vector<16xf32>
      %mul3A_259 = arith.mulf %mul3A_258, %mul3A_254 : vector<16xf32>
      %sub3A_260 = arith.constant 1.500000e+00 : f32
      %sub3A_261 = vector.broadcast %sub3A_260 : f32 to vector<16xf32>
      %sub3A_262 = arith.subf %sub3A_261, %mul3A_259 : vector<16xf32>
      %mul3A_263 = arith.mulf %mul3A_254, %sub3A_262 : vector<16xf32>
      %shift_right_arithmetic3A_264 = arith.constant 7 : i32
      %shift_right_arithmetic3A_265 = vector.broadcast %shift_right_arithmetic3A_264 : i32 to vector<16xi32>
      %shift_right_arithmetic3A_266 = arith.shrsi %get3A_224, %shift_right_arithmetic3A_265 : vector<16xi32>
      %and3A_267 = arith.constant 127 : i32
      %and3A_268 = vector.broadcast %and3A_267 : i32 to vector<16xi32>
      %and3A_269 = arith.andi %get3A_224, %and3A_268 : vector<16xi32>
      tpu.vector_store_idx %arg14[%shift_right_arithmetic3A_266, %and3A_269], %mul3A_263 {add = true} : memref<80x128xf32, #tpu.memory_space<vmem>>[vector<16xi32>, vector<16xi32>], vector<16xf32>,
      %swap3A_270 = arith.constant 32 : index
      %swap3A_271 = tpu.vector_load %arg15[%swap3A_270] {strides = array<i32>} : memref<64xf32, #tpu.memory_space<vmem>>, vector<16xf32>,
      tpu.vector_store %arg15[%swap3A_270], %mul3A_263 {strides = array<i32>} : memref<64xf32, #tpu.memory_space<vmem>>, vector<16xf32>,
      %get3A_272 = arith.constant 48 : index
      %get3A_273 = tpu.vector_load %arg11[%get3A_272] {strides = array<i32>} : memref<64xi32, #tpu.memory_space<vmem>>, vector<16xi32>,
      %get3A_274 = arith.constant 48 : index
      %get3A_275 = tpu.vector_load %arg12[%get3A_274] {strides = array<i32>} : memref<64xi32, #tpu.memory_space<vmem>>, vector<16xi32>,
      %gather3A_276 = tpu.vector_load_idx %arg9[%get3A_273] : memref<10240xf32, #tpu.memory_space<vmem>>[vector<16xi32>], vector<16xf32>,
      %max3A_277 = arith.constant 1.000000e+00 : f32
      %max3A_278 = vector.broadcast %max3A_277 : f32 to vector<16xf32>
      %max3A_279 = arith.maximumf %gather3A_276, %max3A_278 : vector<16xf32>
      %bitcast3A_280 = vector.bitcast %max3A_279 : vector<16xf32> to vector<16xi32>
      %shift_right_arithmetic3A_281 = arith.constant 1 : i32
      %shift_right_arithmetic3A_282 = vector.broadcast %shift_right_arithmetic3A_281 : i32 to vector<16xi32>
      %shift_right_arithmetic3A_283 = arith.shrsi %bitcast3A_280, %shift_right_arithmetic3A_282 : vector<16xi32>
      %sub3A_284 = arith.constant 1597463007 : i32
      %sub3A_285 = vector.broadcast %sub3A_284 : i32 to vector<16xi32>
      %sub3A_286 = arith.subi %sub3A_285, %shift_right_arithmetic3A_283 : vector<16xi32>
      %bitcast3A_287 = vector.bitcast %sub3A_286 : vector<16xi32> to vector<16xf32>
      %mul3A_288 = arith.constant 5.000000e-01 : f32
      %mul3A_289 = vector.broadcast %mul3A_288 : f32 to vector<16xf32>
      %mul3A_290 = arith.mulf %mul3A_289, %max3A_279 : vector<16xf32>
      %mul3A_291 = arith.mulf %mul3A_290, %bitcast3A_287 : vector<16xf32>
      %mul3A_292 = arith.mulf %mul3A_291, %bitcast3A_287 : vector<16xf32>
      %sub3A_293 = arith.constant 1.500000e+00 : f32
      %sub3A_294 = vector.broadcast %sub3A_293 : f32 to vector<16xf32>
      %sub3A_295 = arith.subf %sub3A_294, %mul3A_292 : vector<16xf32>
      %mul3A_296 = arith.mulf %bitcast3A_287, %sub3A_295 : vector<16xf32>
      %mul3A_297 = arith.constant 5.000000e-01 : f32
      %mul3A_298 = vector.broadcast %mul3A_297 : f32 to vector<16xf32>
      %mul3A_299 = arith.mulf %mul3A_298, %max3A_279 : vector<16xf32>
      %mul3A_300 = arith.mulf %mul3A_299, %mul3A_296 : vector<16xf32>
      %mul3A_301 = arith.mulf %mul3A_300, %mul3A_296 : vector<16xf32>
      %sub3A_302 = arith.constant 1.500000e+00 : f32
      %sub3A_303 = vector.broadcast %sub3A_302 : f32 to vector<16xf32>
      %sub3A_304 = arith.subf %sub3A_303, %mul3A_301 : vector<16xf32>
      %mul3A_305 = arith.mulf %mul3A_296, %sub3A_304 : vector<16xf32>
      %mul3A_306 = arith.constant 5.000000e-01 : f32
      %mul3A_307 = vector.broadcast %mul3A_306 : f32 to vector<16xf32>
      %mul3A_308 = arith.mulf %mul3A_307, %max3A_279 : vector<16xf32>
      %mul3A_309 = arith.mulf %mul3A_308, %mul3A_305 : vector<16xf32>
      %mul3A_310 = arith.mulf %mul3A_309, %mul3A_305 : vector<16xf32>
      %sub3A_311 = arith.constant 1.500000e+00 : f32
      %sub3A_312 = vector.broadcast %sub3A_311 : f32 to vector<16xf32>
      %sub3A_313 = arith.subf %sub3A_312, %mul3A_310 : vector<16xf32>
      %mul3A_314 = arith.mulf %mul3A_305, %sub3A_313 : vector<16xf32>
      %shift_right_arithmetic3A_315 = arith.constant 7 : i32
      %shift_right_arithmetic3A_316 = vector.broadcast %shift_right_arithmetic3A_315 : i32 to vector<16xi32>
      %shift_right_arithmetic3A_317 = arith.shrsi %get3A_275, %shift_right_arithmetic3A_316 : vector<16xi32>
      %and3A_318 = arith.constant 127 : i32
      %and3A_319 = vector.broadcast %and3A_318 : i32 to vector<16xi32>
      %and3A_320 = arith.andi %get3A_275, %and3A_319 : vector<16xi32>
      tpu.vector_store_idx %arg14[%shift_right_arithmetic3A_317, %and3A_320], %mul3A_314 {add = true} : memref<80x128xf32, #tpu.memory_space<vmem>>[vector<16xi32>, vector<16xi32>], vector<16xf32>,
      %swap3A_321 = arith.constant 48 : index
      %swap3A_322 = tpu.vector_load %arg15[%swap3A_321] {strides = array<i32>} : memref<64xf32, #tpu.memory_space<vmem>>, vector<16xf32>,
      tpu.vector_store %arg15[%swap3A_321], %mul3A_314 {strides = array<i32>} : memref<64xf32, #tpu.memory_space<vmem>>, vector<16xf32>,
      %scan3A_323 = arith.constant 0 : i32
      %scan3A_324 = arith.constant 0 : i32
      %scan3A_325 = arith.constant 64 : i32
      %scan3A_326 = arith.addi %scan3A_324, %scan3A_325 : i32
      %scan3A_327 = arith.constant 1 : i32
      %scan3A_328 = scf.for %scan3A_331 = %scan3A_324 to %scan3A_326 step %scan3A_327 iter_args(%scan3A_332 = %scan3A_323) -> (i32)  : i32 {
        %broadcast_in_dim3A_333 = vector.broadcast %scan3A_331 : i32 to vector<16xi32>
        %gather3A_334 = tpu.vector_load_idx %arg15[%broadcast_in_dim3A_333] : memref<64xf32, #tpu.memory_space<vmem>>[vector<16xi32>], vector<16xf32>,
        %get3A_335 = arith.index_cast %scan3A_331 : i32 to index
        %get3A_336 = arith.constant 0 : index
        %get3A_337 = tpu.vector_load %arg13[%get3A_335, %get3A_336] {strides = array<i32>} : memref<64x128xf32, #tpu.memory_space<vmem>>, vector<16xf32>,
        %mul3A_338 = arith.mulf %get3A_337, %gather3A_334 : vector<16xf32>
        %swap3A_339 = arith.index_cast %scan3A_331 : i32 to index
        %swap3A_340 = arith.constant 0 : index
        %swap3A_341 = tpu.vector_load %arg13[%swap3A_339, %swap3A_340] {strides = array<i32>} : memref<64x128xf32, #tpu.memory_space<vmem>>, vector<16xf32>,
        tpu.vector_store %arg13[%swap3A_339, %swap3A_340], %mul3A_338 {strides = array<i32>} : memref<64x128xf32, #tpu.memory_space<vmem>>, vector<16xf32>,
        %get3A_342 = arith.index_cast %scan3A_331 : i32 to index
        %get3A_343 = arith.constant 16 : index
        %get3A_344 = tpu.vector_load %arg13[%get3A_342, %get3A_343] {strides = array<i32>} : memref<64x128xf32, #tpu.memory_space<vmem>>, vector<16xf32>,
        %mul3A_345 = arith.mulf %get3A_344, %gather3A_334 : vector<16xf32>
        %swap3A_346 = arith.index_cast %scan3A_331 : i32 to index
        %swap3A_347 = arith.constant 16 : index
        %swap3A_348 = tpu.vector_load %arg13[%swap3A_346, %swap3A_347] {strides = array<i32>} : memref<64x128xf32, #tpu.memory_space<vmem>>, vector<16xf32>,
        tpu.vector_store %arg13[%swap3A_346, %swap3A_347], %mul3A_345 {strides = array<i32>} : memref<64x128xf32, #tpu.memory_space<vmem>>, vector<16xf32>,
        %get3A_349 = arith.index_cast %scan3A_331 : i32 to index
        %get3A_350 = arith.constant 32 : index
        %get3A_351 = tpu.vector_load %arg13[%get3A_349, %get3A_350] {strides = array<i32>} : memref<64x128xf32, #tpu.memory_space<vmem>>, vector<16xf32>,
        %mul3A_352 = arith.mulf %get3A_351, %gather3A_334 : vector<16xf32>
        %swap3A_353 = arith.index_cast %scan3A_331 : i32 to index
        %swap3A_354 = arith.constant 32 : index
        %swap3A_355 = tpu.vector_load %arg13[%swap3A_353, %swap3A_354] {strides = array<i32>} : memref<64x128xf32, #tpu.memory_space<vmem>>, vector<16xf32>,
        tpu.vector_store %arg13[%swap3A_353, %swap3A_354], %mul3A_352 {strides = array<i32>} : memref<64x128xf32, #tpu.memory_space<vmem>>, vector<16xf32>,
        %get3A_356 = arith.index_cast %scan3A_331 : i32 to index
        %get3A_357 = arith.constant 48 : index
        %get3A_358 = tpu.vector_load %arg13[%get3A_356, %get3A_357] {strides = array<i32>} : memref<64x128xf32, #tpu.memory_space<vmem>>, vector<16xf32>,
        %mul3A_359 = arith.mulf %get3A_358, %gather3A_334 : vector<16xf32>
        %swap3A_360 = arith.index_cast %scan3A_331 : i32 to index
        %swap3A_361 = arith.constant 48 : index
        %swap3A_362 = tpu.vector_load %arg13[%swap3A_360, %swap3A_361] {strides = array<i32>} : memref<64x128xf32, #tpu.memory_space<vmem>>, vector<16xf32>,
        tpu.vector_store %arg13[%swap3A_360, %swap3A_361], %mul3A_359 {strides = array<i32>} : memref<64x128xf32, #tpu.memory_space<vmem>>, vector<16xf32>,
        %get3A_363 = arith.index_cast %scan3A_331 : i32 to index
        %get3A_364 = arith.constant 64 : index
        %get3A_365 = tpu.vector_load %arg13[%get3A_363, %get3A_364] {strides = array<i32>} : memref<64x128xf32, #tpu.memory_space<vmem>>, vector<16xf32>,
        %mul3A_366 = arith.mulf %get3A_365, %gather3A_334 : vector<16xf32>
        %swap3A_367 = arith.index_cast %scan3A_331 : i32 to index
        %swap3A_368 = arith.constant 64 : index
        %swap3A_369 = tpu.vector_load %arg13[%swap3A_367, %swap3A_368] {strides = array<i32>} : memref<64x128xf32, #tpu.memory_space<vmem>>, vector<16xf32>,
        tpu.vector_store %arg13[%swap3A_367, %swap3A_368], %mul3A_366 {strides = array<i32>} : memref<64x128xf32, #tpu.memory_space<vmem>>, vector<16xf32>,
        %get3A_370 = arith.index_cast %scan3A_331 : i32 to index
        %get3A_371 = arith.constant 80 : index
        %get3A_372 = tpu.vector_load %arg13[%get3A_370, %get3A_371] {strides = array<i32>} : memref<64x128xf32, #tpu.memory_space<vmem>>, vector<16xf32>,
        %mul3A_373 = arith.mulf %get3A_372, %gather3A_334 : vector<16xf32>
        %swap3A_374 = arith.index_cast %scan3A_331 : i32 to index
        %swap3A_375 = arith.constant 80 : index
        %swap3A_376 = tpu.vector_load %arg13[%swap3A_374, %swap3A_375] {strides = array<i32>} : memref<64x128xf32, #tpu.memory_space<vmem>>, vector<16xf32>,
        tpu.vector_store %arg13[%swap3A_374, %swap3A_375], %mul3A_373 {strides = array<i32>} : memref<64x128xf32, #tpu.memory_space<vmem>>, vector<16xf32>,
        %get3A_377 = arith.index_cast %scan3A_331 : i32 to index
        %get3A_378 = arith.constant 96 : index
        %get3A_379 = tpu.vector_load %arg13[%get3A_377, %get3A_378] {strides = array<i32>} : memref<64x128xf32, #tpu.memory_space<vmem>>, vector<16xf32>,
        %mul3A_380 = arith.mulf %get3A_379, %gather3A_334 : vector<16xf32>
        %swap3A_381 = arith.index_cast %scan3A_331 : i32 to index
        %swap3A_382 = arith.constant 96 : index
        %swap3A_383 = tpu.vector_load %arg13[%swap3A_381, %swap3A_382] {strides = array<i32>} : memref<64x128xf32, #tpu.memory_space<vmem>>, vector<16xf32>,
        tpu.vector_store %arg13[%swap3A_381, %swap3A_382], %mul3A_380 {strides = array<i32>} : memref<64x128xf32, #tpu.memory_space<vmem>>, vector<16xf32>,
        %get3A_384 = arith.index_cast %scan3A_331 : i32 to index
        %get3A_385 = arith.constant 112 : index
        %get3A_386 = tpu.vector_load %arg13[%get3A_384, %get3A_385] {strides = array<i32>} : memref<64x128xf32, #tpu.memory_space<vmem>>, vector<16xf32>,
        %mul3A_387 = arith.mulf %get3A_386, %gather3A_334 : vector<16xf32>
        %swap3A_388 = arith.index_cast %scan3A_331 : i32 to index
        %swap3A_389 = arith.constant 112 : index
        %swap3A_390 = tpu.vector_load %arg13[%swap3A_388, %swap3A_389] {strides = array<i32>} : memref<64x128xf32, #tpu.memory_space<vmem>>, vector<16xf32>,
        tpu.vector_store %arg13[%swap3A_388, %swap3A_389], %mul3A_387 {strides = array<i32>} : memref<64x128xf32, #tpu.memory_space<vmem>>, vector<16xf32>,
        %scan3A_391 = arith.constant 0 : i32
        scf.yield %scan3A_391 : i32
      }
      %scan3A_329 = arith.constant 64 : i32
      "tpu.region"() ({
        %run_scoped3A_331 = tpu.sem_alloc : memref<!tpu.dma_semaphore, #tpu.memory_space<semaphore_mem>>
        %dma_start3A_332 = arith.constant 0 : i32
        %dma_start3A_333 = arith.constant 0 : i32
        %dma_start3A_334 = tpu.memref_slice %arg19[%dma_start3A_332, %dma_start3A_333] : memref<10240x128xf32, #tpu.memory_space<vmem_shared>> -> memref<10240x128xf32, #tpu.memory_space<vmem_shared>>
        tpu.enqueue_indirect_dma source(%arg13 : memref<64x128xf32, #tpu.memory_space<vmem>>) target(%dma_start3A_334 : memref<10240x128xf32, #tpu.memory_space<vmem_shared>>) offsets(%arg12 : memref<64xi32, #tpu.memory_space<vmem>>) semaphore(%run_scoped3A_331 : memref<!tpu.dma_semaphore, #tpu.memory_space<semaphore_mem>>) {add = true}
        %dma_wait3A_335 = arith.constant 0 : i32
        %dma_wait3A_336 = arith.constant 0 : i32
        %dma_wait3A_337 = tpu.memref_slice %arg19[%dma_wait3A_335, %dma_wait3A_336] : memref<10240x128xf32, #tpu.memory_space<vmem_shared>> -> memref<10240x128xf32, #tpu.memory_space<vmem_shared>>
        tpu.wait_indirect_dma semaphore(%run_scoped3A_331 : memref<!tpu.dma_semaphore, #tpu.memory_space<semaphore_mem>>) src(%arg13 : memref<64x128xf32, #tpu.memory_space<vmem>>) dst(%dma_wait3A_337 : memref<10240x128xf32, #tpu.memory_space<vmem_shared>>)
        tpu.yield
      }) : () -> ()
      %while3A_330 = arith.constant 0 : i32
      scf.yield %while3A_330 : i32
    }
    %scan3A_101 = arith.constant 0 : i32
    %scan3A_102 = arith.constant 0 : i32
    %scan3A_103 = arith.constant 5 : i32
    %scan3A_104 = arith.addi %scan3A_102, %scan3A_103 : i32
    %scan3A_105 = arith.constant 1 : i32
    %scan3A_106 = scf.for %scan3A_114 = %scan3A_102 to %scan3A_104 step %scan3A_105 iter_args(%scan3A_115 = %scan3A_101) -> (i32)  : i32 {
      %mul3A_116 = arith.constant 16 : i32
      %mul3A_117 = arith.muli %scan3A_114, %mul3A_116 : i32
      %iota3A = tpu.iota {dimensions = array<i32: 0>} : vector<16xi32>
      %add3A_118 = vector.broadcast %mul3A_117 : i32 to vector<16xi32>
      %add3A_119 = arith.addi %add3A_118, %iota3A : vector<16xi32>
      %mul3A_120 = arith.constant 16 : i32
      %mul3A_121 = arith.muli %scan3A_114, %mul3A_120 : i32
      %swap3A = arith.index_cast %mul3A_121 : i32 to index
      %swap3A_122 = tpu.vector_load %arg16[%swap3A] {strides = array<i32>} : memref<80xi32, #tpu.memory_space<vmem>>, vector<16xi32>,
      tpu.vector_store %arg16[%swap3A], %add3A_119 {strides = array<i32>} : memref<80xi32, #tpu.memory_space<vmem>>, vector<16xi32>,
      %scan3A_123 = arith.constant 0 : i32
      scf.yield %scan3A_123 : i32
    }
    %scan3A_107 = arith.constant 5 : i32
    "tpu.region"() ({
      %run_scoped3A_114 = tpu.sem_alloc : memref<!tpu.dma_semaphore, #tpu.memory_space<semaphore_mem>>
      %dma_start3A = arith.constant 0 : i32
      %dma_start3A_115 = arith.constant 0 : i32
      %dma_start3A_116 = tpu.memref_slice %arg20[%dma_start3A, %dma_start3A_115] : memref<80x128xf32, #tpu.memory_space<vmem_shared>> -> memref<80x128xf32, #tpu.memory_space<vmem_shared>>
      tpu.enqueue_indirect_dma source(%arg14 : memref<80x128xf32, #tpu.memory_space<vmem>>) target(%dma_start3A_116 : memref<80x128xf32, #tpu.memory_space<vmem_shared>>) offsets(%arg16 : memref<80xi32, #tpu.memory_space<vmem>>) semaphore(%run_scoped3A_114 : memref<!tpu.dma_semaphore, #tpu.memory_space<semaphore_mem>>) {add = true}
      %dma_wait3A = arith.constant 0 : i32
      %dma_wait3A_117 = arith.constant 0 : i32
      %dma_wait3A_118 = tpu.memref_slice %arg20[%dma_wait3A, %dma_wait3A_117] : memref<80x128xf32, #tpu.memory_space<vmem_shared>> -> memref<80x128xf32, #tpu.memory_space<vmem_shared>>
      tpu.wait_indirect_dma semaphore(%run_scoped3A_114 : memref<!tpu.dma_semaphore, #tpu.memory_space<semaphore_mem>>) src(%arg14 : memref<80x128xf32, #tpu.memory_space<vmem>>) dst(%dma_wait3A_118 : memref<80x128xf32, #tpu.memory_space<vmem_shared>>)
      tpu.yield
    }) : () -> ()
    %barrier3A_108 = arith.constant 0 : index
    tpu.barrier barrier_id(%barrier3A_108)
    %eq3A_109 = arith.constant 0 : i32
    %eq3A_110 = arith.cmpi eq, %arg1, %eq3A_109 : i32
    %convert_element_type3A_111 = arith.extui %eq3A_110 : i1 to i32
    %cond3A_112 = arith.constant 0 : i32
    %cond3A_113 = arith.cmpi ne, %convert_element_type3A_111, %cond3A_112 : i32
    scf.if %cond3A_113 {
      "tpu.region"() ({
        %run_scoped3A_114 = tpu.sem_alloc : memref<!tpu.dma_semaphore, #tpu.memory_space<semaphore_mem>>
        %dma_start3A = arith.constant 0 : i32
        %dma_start3A_115 = arith.constant 0 : i32
        %dma_start3A_116 = tpu.memref_slice %arg7[%arg0, %dma_start3A, %dma_start3A_115] : memref<2x10240x128xf32, #tpu.memory_space<hbm>> -> memref<1x10240x128xf32, #tpu.memory_space<hbm>>
        %dma_start3A_117 = tpu.memref_squeeze %dma_start3A_116 : memref<1x10240x128xf32, #tpu.memory_space<hbm>> -> memref<10240x128xf32, #tpu.memory_space<hbm>>
        tpu.enqueue_dma source(%arg19 : memref<10240x128xf32, #tpu.memory_space<vmem_shared>>) target(%dma_start3A_117 : memref<10240x128xf32, #tpu.memory_space<hbm>>) target_semaphore(%run_scoped3A_114 : memref<!tpu.dma_semaphore, #tpu.memory_space<semaphore_mem>>)
        %dma_wait3A = arith.constant 0 : i32
        %dma_wait3A_118 = arith.constant 0 : i32
        %dma_wait3A_119 = tpu.memref_slice %arg7[%arg0, %dma_wait3A, %dma_wait3A_118] : memref<2x10240x128xf32, #tpu.memory_space<hbm>> -> memref<1x10240x128xf32, #tpu.memory_space<hbm>>
        %dma_wait3A_120 = tpu.memref_squeeze %dma_wait3A_119 : memref<1x10240x128xf32, #tpu.memory_space<hbm>> -> memref<10240x128xf32, #tpu.memory_space<hbm>>
        tpu.wait_dma2 semaphore(%run_scoped3A_114 : memref<!tpu.dma_semaphore, #tpu.memory_space<semaphore_mem>>) src(%arg19 : memref<10240x128xf32, #tpu.memory_space<vmem_shared>>) dst(%dma_wait3A_120 : memref<10240x128xf32, #tpu.memory_space<hbm>>)
        tpu.yield
      }) : () -> ()
      "tpu.region"() ({
        %run_scoped3A_114 = tpu.sem_alloc : memref<!tpu.dma_semaphore, #tpu.memory_space<semaphore_mem>>
        %dma_start3A = arith.constant 0 : i32
        %dma_start3A_115 = arith.constant 0 : i32
        %dma_start3A_116 = tpu.memref_slice %arg8[%arg0, %dma_start3A, %dma_start3A_115] : memref<2x80x128xf32, #tpu.memory_space<hbm>> -> memref<1x80x128xf32, #tpu.memory_space<hbm>>
        %dma_start3A_117 = tpu.memref_squeeze %dma_start3A_116 : memref<1x80x128xf32, #tpu.memory_space<hbm>> -> memref<80x128xf32, #tpu.memory_space<hbm>>
        tpu.enqueue_dma source(%arg20 : memref<80x128xf32, #tpu.memory_space<vmem_shared>>) target(%dma_start3A_117 : memref<80x128xf32, #tpu.memory_space<hbm>>) target_semaphore(%run_scoped3A_114 : memref<!tpu.dma_semaphore, #tpu.memory_space<semaphore_mem>>)
        %dma_wait3A = arith.constant 0 : i32
        %dma_wait3A_118 = arith.constant 0 : i32
        %dma_wait3A_119 = tpu.memref_slice %arg8[%arg0, %dma_wait3A, %dma_wait3A_118] : memref<2x80x128xf32, #tpu.memory_space<hbm>> -> memref<1x80x128xf32, #tpu.memory_space<hbm>>
        %dma_wait3A_120 = tpu.memref_squeeze %dma_wait3A_119 : memref<1x80x128xf32, #tpu.memory_space<hbm>> -> memref<80x128xf32, #tpu.memory_space<hbm>>
        tpu.wait_dma2 semaphore(%run_scoped3A_114 : memref<!tpu.dma_semaphore, #tpu.memory_space<semaphore_mem>>) src(%arg20 : memref<80x128xf32, #tpu.memory_space<vmem_shared>>) dst(%dma_wait3A_120 : memref<80x128xf32, #tpu.memory_space<hbm>>)
        tpu.yield
      }) : () -> ()
    } else {
    }
    return
  }
}

#map = affine_map<(d0, d1) -> (0)>
#map1 = affine_map<(d0, d1) -> (0, 0, 0)>
#map2 = affine_map<(d0, d1) -> (0, 0)>
module attributes {stable_mosaic.version = 14 : i64} {
  func.func @_sc_edges(%arg0: i32, %arg1: i32, %arg2: memref<10000xi32, #tpu.memory_space<hbm>>, %arg3: memref<10000xi32, #tpu.memory_space<hbm>>, %arg4: memref<320000xi32, #tpu.memory_space<hbm>>, %arg5: memref<320000xi32, #tpu.memory_space<hbm>>, %arg6: memref<2x80x128xf32, #tpu.memory_space<hbm>>, %arg7: memref<2x80x128xf32, #tpu.memory_space<hbm>>, %arg8: memref<32x80x128xi32, #tpu.memory_space<hbm>>, %arg9: memref<32x80x128xi32, #tpu.memory_space<hbm>>, %arg10: memref<32x16xi32, #tpu.memory_space<hbm>>, %arg11: memref<10000xi32, #tpu.memory_space<vmem>>, %arg12: memref<10000xi32, #tpu.memory_space<vmem>>, %arg13: memref<10000xi32, #tpu.memory_space<vmem>>, %arg14: memref<10000xi32, #tpu.memory_space<vmem>>, %arg15: memref<10000xi32, #tpu.memory_space<vmem>>, %arg16: memref<80x128xf32, #tpu.memory_space<vmem>>, %arg17: memref<80x128xf32, #tpu.memory_space<vmem>>, %arg18: memref<80x128xi32, #tpu.memory_space<vmem>>, %arg19: memref<80x128xi32, #tpu.memory_space<vmem>>, %arg20: memref<80x128xf32, #tpu.memory_space<vmem>>, %arg21: memref<80xi32, #tpu.memory_space<vmem>>, %arg22: memref<16xi32, #tpu.memory_space<vmem>>, %arg23: memref<80x128xf32, #tpu.memory_space<vmem_shared>>, %arg24: memref<80x128xf32, #tpu.memory_space<vmem_shared>>) attributes {dimension_semantics = [#tpu.dimension_semantics<core_parallel>, #tpu.dimension_semantics<subcore_parallel>], iteration_bounds = array<i64: 2, 16>, scalar_prefetch = 0 : i64, scratch_operands = 14 : i64, tpu.core_type = #tpu.core_type<sc_vector_subcore>, window_params = [{transform_indices = #map}, {transform_indices = #map}, {transform_indices = #map}, {transform_indices = #map}, {transform_indices = #map1}, {transform_indices = #map1}, {transform_indices = #map1}, {transform_indices = #map1}, {transform_indices = #map2}]} {
    %mul3A = arith.constant 2 : i32
    %mul3A_0 = arith.muli %arg1, %mul3A : i32
    %add3A = arith.addi %mul3A_0, %arg0 : i32
    "tpu.region"() ({
      %run_scoped3A = tpu.sem_alloc : memref<!tpu.dma_semaphore, #tpu.memory_space<semaphore_mem>>
      tpu.enqueue_dma source(%arg2 : memref<10000xi32, #tpu.memory_space<hbm>>) target(%arg11 : memref<10000xi32, #tpu.memory_space<vmem>>) target_semaphore(%run_scoped3A : memref<!tpu.dma_semaphore, #tpu.memory_space<semaphore_mem>>)
      tpu.wait_dma2 semaphore(%run_scoped3A : memref<!tpu.dma_semaphore, #tpu.memory_space<semaphore_mem>>) src(%arg2 : memref<10000xi32, #tpu.memory_space<hbm>>) dst(%arg11 : memref<10000xi32, #tpu.memory_space<vmem>>)
      tpu.yield
    }) : () -> ()
    "tpu.region"() ({
      %run_scoped3A = tpu.sem_alloc : memref<!tpu.dma_semaphore, #tpu.memory_space<semaphore_mem>>
      tpu.enqueue_dma source(%arg3 : memref<10000xi32, #tpu.memory_space<hbm>>) target(%arg12 : memref<10000xi32, #tpu.memory_space<vmem>>) target_semaphore(%run_scoped3A : memref<!tpu.dma_semaphore, #tpu.memory_space<semaphore_mem>>)
      tpu.wait_dma2 semaphore(%run_scoped3A : memref<!tpu.dma_semaphore, #tpu.memory_space<semaphore_mem>>) src(%arg3 : memref<10000xi32, #tpu.memory_space<hbm>>) dst(%arg12 : memref<10000xi32, #tpu.memory_space<vmem>>)
      tpu.yield
    }) : () -> ()
    %mul3A_1 = arith.constant 10000 : i32
    %mul3A_2 = arith.muli %add3A, %mul3A_1 : i32
    "tpu.region"() ({
      %run_scoped3A = tpu.sem_alloc : memref<!tpu.dma_semaphore, #tpu.memory_space<semaphore_mem>>
      %dma_start3A = tpu.memref_slice %arg4[%mul3A_2] : memref<320000xi32, #tpu.memory_space<hbm>> -> memref<10000xi32, #tpu.memory_space<hbm>>
      %dma_start3A_49 = tpu.memref_slice %arg4[%mul3A_2] : memref<320000xi32, #tpu.memory_space<hbm>> -> memref<10000xi32, #tpu.memory_space<hbm>>
      tpu.enqueue_dma source(%dma_start3A_49 : memref<10000xi32, #tpu.memory_space<hbm>>) target(%arg14 : memref<10000xi32, #tpu.memory_space<vmem>>) target_semaphore(%run_scoped3A : memref<!tpu.dma_semaphore, #tpu.memory_space<semaphore_mem>>)
      %dma_wait3A = tpu.memref_slice %arg4[%mul3A_2] : memref<320000xi32, #tpu.memory_space<hbm>> -> memref<10000xi32, #tpu.memory_space<hbm>>
      %dma_wait3A_50 = tpu.memref_slice %arg4[%mul3A_2] : memref<320000xi32, #tpu.memory_space<hbm>> -> memref<10000xi32, #tpu.memory_space<hbm>>
      tpu.wait_dma2 semaphore(%run_scoped3A : memref<!tpu.dma_semaphore, #tpu.memory_space<semaphore_mem>>) src(%dma_wait3A_50 : memref<10000xi32, #tpu.memory_space<hbm>>) dst(%arg14 : memref<10000xi32, #tpu.memory_space<vmem>>)
      tpu.yield
    }) : () -> ()
    %mul3A_3 = arith.constant 10000 : i32
    %mul3A_4 = arith.muli %add3A, %mul3A_3 : i32
    "tpu.region"() ({
      %run_scoped3A = tpu.sem_alloc : memref<!tpu.dma_semaphore, #tpu.memory_space<semaphore_mem>>
      %dma_start3A = tpu.memref_slice %arg5[%mul3A_4] : memref<320000xi32, #tpu.memory_space<hbm>> -> memref<10000xi32, #tpu.memory_space<hbm>>
      %dma_start3A_49 = tpu.memref_slice %arg5[%mul3A_4] : memref<320000xi32, #tpu.memory_space<hbm>> -> memref<10000xi32, #tpu.memory_space<hbm>>
      tpu.enqueue_dma source(%dma_start3A_49 : memref<10000xi32, #tpu.memory_space<hbm>>) target(%arg15 : memref<10000xi32, #tpu.memory_space<vmem>>) target_semaphore(%run_scoped3A : memref<!tpu.dma_semaphore, #tpu.memory_space<semaphore_mem>>)
      %dma_wait3A = tpu.memref_slice %arg5[%mul3A_4] : memref<320000xi32, #tpu.memory_space<hbm>> -> memref<10000xi32, #tpu.memory_space<hbm>>
      %dma_wait3A_50 = tpu.memref_slice %arg5[%mul3A_4] : memref<320000xi32, #tpu.memory_space<hbm>> -> memref<10000xi32, #tpu.memory_space<hbm>>
      tpu.wait_dma2 semaphore(%run_scoped3A : memref<!tpu.dma_semaphore, #tpu.memory_space<semaphore_mem>>) src(%dma_wait3A_50 : memref<10000xi32, #tpu.memory_space<hbm>>) dst(%arg15 : memref<10000xi32, #tpu.memory_space<vmem>>)
      tpu.yield
    }) : () -> ()
    %scan3A = arith.constant 0 : i32
    %scan3A_5 = arith.constant 0 : i32
    %scan3A_6 = arith.constant 625 : i32
    %scan3A_7 = arith.addi %scan3A_5, %scan3A_6 : i32
    %scan3A_8 = arith.constant 1 : i32
    %scan3A_9 = scf.for %scan3A_49 = %scan3A_5 to %scan3A_7 step %scan3A_8 iter_args(%scan3A_50 = %scan3A) -> (i32)  : i32 {
      %mul3A_51 = arith.constant 16 : i32
      %mul3A_52 = arith.muli %scan3A_49, %mul3A_51 : i32
      %get3A = arith.index_cast %mul3A_52 : i32 to index
      %get3A_53 = tpu.vector_load %arg11[%get3A] {strides = array<i32>} : memref<10000xi32, #tpu.memory_space<vmem>>, vector<16xi32>,
      %mul3A_54 = arith.constant 16 : i32
      %mul3A_55 = arith.muli %scan3A_49, %mul3A_54 : i32
      %get3A_56 = arith.index_cast %mul3A_55 : i32 to index
      %get3A_57 = tpu.vector_load %arg12[%get3A_56] {strides = array<i32>} : memref<10000xi32, #tpu.memory_space<vmem>>, vector<16xi32>,
      %ge3A = arith.constant 1 : i32
      %ge3A_58 = vector.broadcast %ge3A : i32 to vector<16xi32>
      %ge3A_59 = arith.cmpi sge, %get3A_53, %ge3A_58 : vector<16xi32>
      %le3A = arith.constant 7 : i32
      %le3A_60 = vector.broadcast %le3A : i32 to vector<16xi32>
      %le3A_61 = arith.cmpi sle, %get3A_53, %le3A_60 : vector<16xi32>
      %and3A = arith.andi %ge3A_59, %le3A_61 : vector<16xi1>
      %eq3A_62 = arith.constant 1 : i32
      %eq3A_63 = vector.broadcast %eq3A_62 : i32 to vector<16xi32>
      %eq3A_64 = arith.cmpi eq, %get3A_57, %eq3A_63 : vector<16xi32>
      %eq3A_65 = arith.constant 2 : i32
      %eq3A_66 = vector.broadcast %eq3A_65 : i32 to vector<16xi32>
      %eq3A_67 = arith.cmpi eq, %get3A_57, %eq3A_66 : vector<16xi32>
      %or3A = arith.ori %eq3A_64, %eq3A_67 : vector<16xi1>
      %and3A_68 = arith.andi %and3A, %or3A : vector<16xi1>
      %mul3A_69 = arith.constant 4 : i32
      %mul3A_70 = vector.broadcast %mul3A_69 : i32 to vector<16xi32>
      %mul3A_71 = arith.muli %get3A_53, %mul3A_70 : vector<16xi32>
      %add3A_72 = arith.addi %mul3A_71, %get3A_57 : vector<16xi32>
      %broadcast_in_dim3A_73 = arith.constant -1 : i32
      %broadcast_in_dim3A_74 = vector.broadcast %broadcast_in_dim3A_73 : i32 to vector<16xi32>
      %select_n3A = arith.select %and3A_68, %add3A_72, %broadcast_in_dim3A_74 : vector<16xi1>, vector<16xi32>
      %mul3A_75 = arith.constant 16 : i32
      %mul3A_76 = arith.muli %scan3A_49, %mul3A_75 : i32
      %swap3A_77 = arith.index_cast %mul3A_76 : i32 to index
      %swap3A_78 = tpu.vector_load %arg13[%swap3A_77] {strides = array<i32>} : memref<10000xi32, #tpu.memory_space<vmem>>, vector<16xi32>,
      tpu.vector_store %arg13[%swap3A_77], %select_n3A {strides = array<i32>} : memref<10000xi32, #tpu.memory_space<vmem>>, vector<16xi32>,
      %scan3A_79 = arith.constant 0 : i32
      scf.yield %scan3A_79 : i32
    }
    %scan3A_10 = arith.constant 625 : i32
    %broadcast_in_dim3A = arith.constant 0.000000e+00 : f32
    %broadcast_in_dim3A_11 = vector.broadcast %broadcast_in_dim3A : f32 to vector<16xf32>
    %broadcast_in_dim3A_12 = arith.constant 0 : i32
    %broadcast_in_dim3A_13 = vector.broadcast %broadcast_in_dim3A_12 : i32 to vector<16xi32>
    %broadcast_in_dim3A_14 = arith.constant 10000 : i32
    %broadcast_in_dim3A_15 = vector.broadcast %broadcast_in_dim3A_14 : i32 to vector<16xi32>
    %scan3A_16 = arith.constant 0 : i32
    %scan3A_17 = arith.constant 0 : i32
    %scan3A_18 = arith.constant 640 : i32
    %scan3A_19 = arith.addi %scan3A_17, %scan3A_18 : i32
    %scan3A_20 = arith.constant 1 : i32
    %scan3A_21 = scf.for %scan3A_49 = %scan3A_17 to %scan3A_19 step %scan3A_20 iter_args(%scan3A_50 = %scan3A_16) -> (i32)  : i32 {
      %shift_right_arithmetic3A = arith.constant 3 : i32
      %shift_right_arithmetic3A_51 = arith.shrsi %scan3A_49, %shift_right_arithmetic3A : i32
      %and3A = arith.constant 7 : i32
      %and3A_52 = arith.andi %scan3A_49, %and3A : i32
      %mul3A_53 = arith.constant 16 : i32
      %mul3A_54 = arith.muli %and3A_52, %mul3A_53 : i32
      %swap3A_55 = arith.index_cast %shift_right_arithmetic3A_51 : i32 to index
      %swap3A_56 = arith.index_cast %mul3A_54 : i32 to index
      %swap3A_57 = tpu.vector_load %arg16[%swap3A_55, %swap3A_56] {strides = array<i32>} : memref<80x128xf32, #tpu.memory_space<vmem>>, vector<16xf32>,
      tpu.vector_store %arg16[%swap3A_55, %swap3A_56], %broadcast_in_dim3A_11 {strides = array<i32>} : memref<80x128xf32, #tpu.memory_space<vmem>>, vector<16xf32>,
      %mul3A_58 = arith.constant 16 : i32
      %mul3A_59 = arith.muli %and3A_52, %mul3A_58 : i32
      %swap3A_60 = arith.index_cast %shift_right_arithmetic3A_51 : i32 to index
      %swap3A_61 = arith.index_cast %mul3A_59 : i32 to index
      %swap3A_62 = tpu.vector_load %arg17[%swap3A_60, %swap3A_61] {strides = array<i32>} : memref<80x128xf32, #tpu.memory_space<vmem>>, vector<16xf32>,
      tpu.vector_store %arg17[%swap3A_60, %swap3A_61], %broadcast_in_dim3A_11 {strides = array<i32>} : memref<80x128xf32, #tpu.memory_space<vmem>>, vector<16xf32>,
      %mul3A_63 = arith.constant 16 : i32
      %mul3A_64 = arith.muli %and3A_52, %mul3A_63 : i32
      %swap3A_65 = arith.index_cast %shift_right_arithmetic3A_51 : i32 to index
      %swap3A_66 = arith.index_cast %mul3A_64 : i32 to index
      %swap3A_67 = tpu.vector_load %arg20[%swap3A_65, %swap3A_66] {strides = array<i32>} : memref<80x128xf32, #tpu.memory_space<vmem>>, vector<16xf32>,
      tpu.vector_store %arg20[%swap3A_65, %swap3A_66], %broadcast_in_dim3A_11 {strides = array<i32>} : memref<80x128xf32, #tpu.memory_space<vmem>>, vector<16xf32>,
      %mul3A_68 = arith.constant 16 : i32
      %mul3A_69 = arith.muli %and3A_52, %mul3A_68 : i32
      %swap3A_70 = arith.index_cast %shift_right_arithmetic3A_51 : i32 to index
      %swap3A_71 = arith.index_cast %mul3A_69 : i32 to index
      %swap3A_72 = tpu.vector_load %arg18[%swap3A_70, %swap3A_71] {strides = array<i32>} : memref<80x128xi32, #tpu.memory_space<vmem>>, vector<16xi32>,
      tpu.vector_store %arg18[%swap3A_70, %swap3A_71], %broadcast_in_dim3A_13 {strides = array<i32>} : memref<80x128xi32, #tpu.memory_space<vmem>>, vector<16xi32>,
      %mul3A_73 = arith.constant 16 : i32
      %mul3A_74 = arith.muli %and3A_52, %mul3A_73 : i32
      %swap3A_75 = arith.index_cast %shift_right_arithmetic3A_51 : i32 to index
      %swap3A_76 = arith.index_cast %mul3A_74 : i32 to index
      %swap3A_77 = tpu.vector_load %arg19[%swap3A_75, %swap3A_76] {strides = array<i32>} : memref<80x128xi32, #tpu.memory_space<vmem>>, vector<16xi32>,
      tpu.vector_store %arg19[%swap3A_75, %swap3A_76], %broadcast_in_dim3A_15 {strides = array<i32>} : memref<80x128xi32, #tpu.memory_space<vmem>>, vector<16xi32>,
      %scan3A_78 = arith.constant 0 : i32
      scf.yield %scan3A_78 : i32
    }
    %scan3A_22 = arith.constant 640 : i32
    %broadcast_in_dim3A_23 = arith.constant 1.000000e+00 : f32
    %broadcast_in_dim3A_24 = vector.broadcast %broadcast_in_dim3A_23 : f32 to vector<16xf32>
    %scan3A_25 = arith.constant 0 : i32
    %scan3A_26 = arith.constant 0 : i32
    %scan3A_27 = arith.constant 625 : i32
    %scan3A_28 = arith.addi %scan3A_26, %scan3A_27 : i32
    %scan3A_29 = arith.constant 1 : i32
    %scan3A_30 = scf.for %scan3A_49 = %scan3A_26 to %scan3A_28 step %scan3A_29 iter_args(%scan3A_50 = %scan3A_25) -> (i32)  : i32 {
      %mul3A_51 = arith.constant 16 : i32
      %mul3A_52 = arith.muli %scan3A_49, %mul3A_51 : i32
      %get3A = arith.index_cast %mul3A_52 : i32 to index
      %get3A_53 = tpu.vector_load %arg14[%get3A] {strides = array<i32>} : memref<10000xi32, #tpu.memory_space<vmem>>, vector<16xi32>,
      %mul3A_54 = arith.constant 16 : i32
      %mul3A_55 = arith.muli %scan3A_49, %mul3A_54 : i32
      %get3A_56 = arith.index_cast %mul3A_55 : i32 to index
      %get3A_57 = tpu.vector_load %arg15[%get3A_56] {strides = array<i32>} : memref<10000xi32, #tpu.memory_space<vmem>>, vector<16xi32>,
      %gather3A = tpu.vector_load_idx %arg13[%get3A_53] : memref<10000xi32, #tpu.memory_space<vmem>>[vector<16xi32>], vector<16xi32>,
      %gather3A_58 = tpu.vector_load_idx %arg13[%get3A_57] : memref<10000xi32, #tpu.memory_space<vmem>>[vector<16xi32>], vector<16xi32>,
      %eq3A_59 = arith.cmpi eq, %gather3A, %gather3A_58 : vector<16xi32>
      %ge3A = arith.constant 0 : i32
      %ge3A_60 = vector.broadcast %ge3A : i32 to vector<16xi32>
      %ge3A_61 = arith.cmpi sge, %gather3A, %ge3A_60 : vector<16xi32>
      %and3A = arith.andi %eq3A_59, %ge3A_61 : vector<16xi1>
      %shift_right_arithmetic3A = arith.constant 7 : i32
      %shift_right_arithmetic3A_62 = vector.broadcast %shift_right_arithmetic3A : i32 to vector<16xi32>
      %shift_right_arithmetic3A_63 = arith.shrsi %get3A_53, %shift_right_arithmetic3A_62 : vector<16xi32>
      %and3A_64 = arith.constant 127 : i32
      %and3A_65 = vector.broadcast %and3A_64 : i32 to vector<16xi32>
      %and3A_66 = arith.andi %get3A_53, %and3A_65 : vector<16xi32>
      tpu.vector_store_idx %arg16[%shift_right_arithmetic3A_63, %and3A_66], %broadcast_in_dim3A_24 masked %and3A {add = true} : memref<80x128xf32, #tpu.memory_space<vmem>>[vector<16xi32>, vector<16xi32>], vector<16xf32>, vector<16xi1>
      %shift_right_arithmetic3A_67 = arith.constant 7 : i32
      %shift_right_arithmetic3A_68 = vector.broadcast %shift_right_arithmetic3A_67 : i32 to vector<16xi32>
      %shift_right_arithmetic3A_69 = arith.shrsi %get3A_57, %shift_right_arithmetic3A_68 : vector<16xi32>
      %and3A_70 = arith.constant 127 : i32
      %and3A_71 = vector.broadcast %and3A_70 : i32 to vector<16xi32>
      %and3A_72 = arith.andi %get3A_57, %and3A_71 : vector<16xi32>
      tpu.vector_store_idx %arg17[%shift_right_arithmetic3A_69, %and3A_72], %broadcast_in_dim3A_24 masked %and3A {add = true} : memref<80x128xf32, #tpu.memory_space<vmem>>[vector<16xi32>, vector<16xi32>], vector<16xf32>, vector<16xi1>
      %convert_element_type3A_73 = arith.extui %and3A : vector<16xi1> to vector<16xi32>
      %cumsum3A = arith.constant true
      %cumsum3A_74 = vector.broadcast %cumsum3A : i1 to vector<16xi1>
      %cumsum3A_75 = tpu.scan <sum>, %convert_element_type3A_73 masked %cumsum3A_74 : vector<16xi32>, vector<16xi1> -> vector<16xi32>
      %add3A_76 = vector.broadcast %scan3A_50 : i32 to vector<16xi32>
      %add3A_77 = arith.addi %add3A_76, %cumsum3A_75 : vector<16xi32>
      %sub3A = arith.constant 1 : i32
      %sub3A_78 = vector.broadcast %sub3A : i32 to vector<16xi32>
      %sub3A_79 = arith.subi %add3A_77, %sub3A_78 : vector<16xi32>
      %shift_right_arithmetic3A_80 = arith.constant 7 : i32
      %shift_right_arithmetic3A_81 = vector.broadcast %shift_right_arithmetic3A_80 : i32 to vector<16xi32>
      %shift_right_arithmetic3A_82 = arith.shrsi %sub3A_79, %shift_right_arithmetic3A_81 : vector<16xi32>
      %and3A_83 = arith.constant 127 : i32
      %and3A_84 = vector.broadcast %and3A_83 : i32 to vector<16xi32>
      %and3A_85 = arith.andi %sub3A_79, %and3A_84 : vector<16xi32>
      tpu.vector_store_idx %arg18[%shift_right_arithmetic3A_82, %and3A_85], %get3A_53 masked %and3A : memref<80x128xi32, #tpu.memory_space<vmem>>[vector<16xi32>, vector<16xi32>], vector<16xi32>, vector<16xi1>
      %shift_right_arithmetic3A_86 = arith.constant 7 : i32
      %shift_right_arithmetic3A_87 = vector.broadcast %shift_right_arithmetic3A_86 : i32 to vector<16xi32>
      %shift_right_arithmetic3A_88 = arith.shrsi %sub3A_79, %shift_right_arithmetic3A_87 : vector<16xi32>
      %and3A_89 = arith.constant 127 : i32
      %and3A_90 = vector.broadcast %and3A_89 : i32 to vector<16xi32>
      %and3A_91 = arith.andi %sub3A_79, %and3A_90 : vector<16xi32>
      tpu.vector_store_idx %arg19[%shift_right_arithmetic3A_88, %and3A_91], %get3A_57 masked %and3A : memref<80x128xi32, #tpu.memory_space<vmem>>[vector<16xi32>, vector<16xi32>], vector<16xi32>, vector<16xi1>
      %reduce_sum3A = arith.constant true
      %reduce_sum3A_92 = vector.broadcast %reduce_sum3A : i1 to vector<16xi1>
      %reduce_sum3A_93 = tpu.scan <sum>, %convert_element_type3A_73 masked %reduce_sum3A_92 : vector<16xi32>, vector<16xi1> -> vector<16xi32>
      %reduce_sum3A_94 = vector.extract %reduce_sum3A_93[15] : i32 from vector<16xi32>
      %add3A_95 = arith.addi %scan3A_50, %reduce_sum3A_94 : i32
      scf.yield %add3A_95 : i32
    }
    %scan3A_31 = arith.constant 625 : i32
    "tpu.region"() ({
      %run_scoped3A = tpu.sem_alloc : memref<!tpu.dma_semaphore, #tpu.memory_space<semaphore_mem>>
      %dma_start3A = arith.constant 0 : i32
      %dma_start3A_49 = arith.constant 0 : i32
      %dma_start3A_50 = tpu.memref_slice %arg8[%add3A, %dma_start3A, %dma_start3A_49] : memref<32x80x128xi32, #tpu.memory_space<hbm>> -> memref<1x80x128xi32, #tpu.memory_space<hbm>>
      %dma_start3A_51 = tpu.memref_squeeze %dma_start3A_50 : memref<1x80x128xi32, #tpu.memory_space<hbm>> -> memref<80x128xi32, #tpu.memory_space<hbm>>
      %dma_start3A_52 = arith.constant 0 : i32
      %dma_start3A_53 = arith.constant 0 : i32
      %dma_start3A_54 = tpu.memref_slice %arg8[%add3A, %dma_start3A_52, %dma_start3A_53] : memref<32x80x128xi32, #tpu.memory_space<hbm>> -> memref<1x80x128xi32, #tpu.memory_space<hbm>>
      %dma_start3A_55 = tpu.memref_squeeze %dma_start3A_54 : memref<1x80x128xi32, #tpu.memory_space<hbm>> -> memref<80x128xi32, #tpu.memory_space<hbm>>
      tpu.enqueue_dma source(%arg18 : memref<80x128xi32, #tpu.memory_space<vmem>>) target(%dma_start3A_55 : memref<80x128xi32, #tpu.memory_space<hbm>>) target_semaphore(%run_scoped3A : memref<!tpu.dma_semaphore, #tpu.memory_space<semaphore_mem>>)
      %dma_wait3A = arith.constant 0 : i32
      %dma_wait3A_56 = arith.constant 0 : i32
      %dma_wait3A_57 = tpu.memref_slice %arg8[%add3A, %dma_wait3A, %dma_wait3A_56] : memref<32x80x128xi32, #tpu.memory_space<hbm>> -> memref<1x80x128xi32, #tpu.memory_space<hbm>>
      %dma_wait3A_58 = tpu.memref_squeeze %dma_wait3A_57 : memref<1x80x128xi32, #tpu.memory_space<hbm>> -> memref<80x128xi32, #tpu.memory_space<hbm>>
      %dma_wait3A_59 = arith.constant 0 : i32
      %dma_wait3A_60 = arith.constant 0 : i32
      %dma_wait3A_61 = tpu.memref_slice %arg8[%add3A, %dma_wait3A_59, %dma_wait3A_60] : memref<32x80x128xi32, #tpu.memory_space<hbm>> -> memref<1x80x128xi32, #tpu.memory_space<hbm>>
      %dma_wait3A_62 = tpu.memref_squeeze %dma_wait3A_61 : memref<1x80x128xi32, #tpu.memory_space<hbm>> -> memref<80x128xi32, #tpu.memory_space<hbm>>
      tpu.wait_dma2 semaphore(%run_scoped3A : memref<!tpu.dma_semaphore, #tpu.memory_space<semaphore_mem>>) src(%arg18 : memref<80x128xi32, #tpu.memory_space<vmem>>) dst(%dma_wait3A_62 : memref<80x128xi32, #tpu.memory_space<hbm>>)
      tpu.yield
    }) : () -> ()
    "tpu.region"() ({
      %run_scoped3A = tpu.sem_alloc : memref<!tpu.dma_semaphore, #tpu.memory_space<semaphore_mem>>
      %dma_start3A = arith.constant 0 : i32
      %dma_start3A_49 = arith.constant 0 : i32
      %dma_start3A_50 = tpu.memref_slice %arg9[%add3A, %dma_start3A, %dma_start3A_49] : memref<32x80x128xi32, #tpu.memory_space<hbm>> -> memref<1x80x128xi32, #tpu.memory_space<hbm>>
      %dma_start3A_51 = tpu.memref_squeeze %dma_start3A_50 : memref<1x80x128xi32, #tpu.memory_space<hbm>> -> memref<80x128xi32, #tpu.memory_space<hbm>>
      %dma_start3A_52 = arith.constant 0 : i32
      %dma_start3A_53 = arith.constant 0 : i32
      %dma_start3A_54 = tpu.memref_slice %arg9[%add3A, %dma_start3A_52, %dma_start3A_53] : memref<32x80x128xi32, #tpu.memory_space<hbm>> -> memref<1x80x128xi32, #tpu.memory_space<hbm>>
      %dma_start3A_55 = tpu.memref_squeeze %dma_start3A_54 : memref<1x80x128xi32, #tpu.memory_space<hbm>> -> memref<80x128xi32, #tpu.memory_space<hbm>>
      tpu.enqueue_dma source(%arg19 : memref<80x128xi32, #tpu.memory_space<vmem>>) target(%dma_start3A_55 : memref<80x128xi32, #tpu.memory_space<hbm>>) target_semaphore(%run_scoped3A : memref<!tpu.dma_semaphore, #tpu.memory_space<semaphore_mem>>)
      %dma_wait3A = arith.constant 0 : i32
      %dma_wait3A_56 = arith.constant 0 : i32
      %dma_wait3A_57 = tpu.memref_slice %arg9[%add3A, %dma_wait3A, %dma_wait3A_56] : memref<32x80x128xi32, #tpu.memory_space<hbm>> -> memref<1x80x128xi32, #tpu.memory_space<hbm>>
      %dma_wait3A_58 = tpu.memref_squeeze %dma_wait3A_57 : memref<1x80x128xi32, #tpu.memory_space<hbm>> -> memref<80x128xi32, #tpu.memory_space<hbm>>
      %dma_wait3A_59 = arith.constant 0 : i32
      %dma_wait3A_60 = arith.constant 0 : i32
      %dma_wait3A_61 = tpu.memref_slice %arg9[%add3A, %dma_wait3A_59, %dma_wait3A_60] : memref<32x80x128xi32, #tpu.memory_space<hbm>> -> memref<1x80x128xi32, #tpu.memory_space<hbm>>
      %dma_wait3A_62 = tpu.memref_squeeze %dma_wait3A_61 : memref<1x80x128xi32, #tpu.memory_space<hbm>> -> memref<80x128xi32, #tpu.memory_space<hbm>>
      tpu.wait_dma2 semaphore(%run_scoped3A : memref<!tpu.dma_semaphore, #tpu.memory_space<semaphore_mem>>) src(%arg19 : memref<80x128xi32, #tpu.memory_space<vmem>>) dst(%dma_wait3A_62 : memref<80x128xi32, #tpu.memory_space<hbm>>)
      tpu.yield
    }) : () -> ()
    %broadcast_in_dim3A_32 = vector.broadcast %scan3A_30 : i32 to vector<16xi32>
    %swap3A = arith.constant 0 : index
    %swap3A_33 = tpu.vector_load %arg22[%swap3A] {strides = array<i32>} : memref<16xi32, #tpu.memory_space<vmem>>, vector<16xi32>,
    tpu.vector_store %arg22[%swap3A], %broadcast_in_dim3A_32 {strides = array<i32>} : memref<16xi32, #tpu.memory_space<vmem>>, vector<16xi32>,
    "tpu.region"() ({
      %run_scoped3A = tpu.sem_alloc : memref<!tpu.dma_semaphore, #tpu.memory_space<semaphore_mem>>
      %dma_start3A = arith.constant 0 : i32
      %dma_start3A_49 = tpu.memref_slice %arg10[%add3A, %dma_start3A] : memref<32x16xi32, #tpu.memory_space<hbm>> -> memref<1x16xi32, #tpu.memory_space<hbm>>
      %dma_start3A_50 = tpu.memref_squeeze %dma_start3A_49 : memref<1x16xi32, #tpu.memory_space<hbm>> -> memref<16xi32, #tpu.memory_space<hbm>>
      %dma_start3A_51 = arith.constant 0 : i32
      %dma_start3A_52 = tpu.memref_slice %arg10[%add3A, %dma_start3A_51] : memref<32x16xi32, #tpu.memory_space<hbm>> -> memref<1x16xi32, #tpu.memory_space<hbm>>
      %dma_start3A_53 = tpu.memref_squeeze %dma_start3A_52 : memref<1x16xi32, #tpu.memory_space<hbm>> -> memref<16xi32, #tpu.memory_space<hbm>>
      tpu.enqueue_dma source(%arg22 : memref<16xi32, #tpu.memory_space<vmem>>) target(%dma_start3A_53 : memref<16xi32, #tpu.memory_space<hbm>>) target_semaphore(%run_scoped3A : memref<!tpu.dma_semaphore, #tpu.memory_space<semaphore_mem>>)
      %dma_wait3A = arith.constant 0 : i32
      %dma_wait3A_54 = tpu.memref_slice %arg10[%add3A, %dma_wait3A] : memref<32x16xi32, #tpu.memory_space<hbm>> -> memref<1x16xi32, #tpu.memory_space<hbm>>
      %dma_wait3A_55 = tpu.memref_squeeze %dma_wait3A_54 : memref<1x16xi32, #tpu.memory_space<hbm>> -> memref<16xi32, #tpu.memory_space<hbm>>
      %dma_wait3A_56 = arith.constant 0 : i32
      %dma_wait3A_57 = tpu.memref_slice %arg10[%add3A, %dma_wait3A_56] : memref<32x16xi32, #tpu.memory_space<hbm>> -> memref<1x16xi32, #tpu.memory_space<hbm>>
      %dma_wait3A_58 = tpu.memref_squeeze %dma_wait3A_57 : memref<1x16xi32, #tpu.memory_space<hbm>> -> memref<16xi32, #tpu.memory_space<hbm>>
      tpu.wait_dma2 semaphore(%run_scoped3A : memref<!tpu.dma_semaphore, #tpu.memory_space<semaphore_mem>>) src(%arg22 : memref<16xi32, #tpu.memory_space<vmem>>) dst(%dma_wait3A_58 : memref<16xi32, #tpu.memory_space<hbm>>)
      tpu.yield
    }) : () -> ()
    %scan3A_34 = arith.constant 0 : i32
    %scan3A_35 = arith.constant 0 : i32
    %scan3A_36 = arith.constant 5 : i32
    %scan3A_37 = arith.addi %scan3A_35, %scan3A_36 : i32
    %scan3A_38 = arith.constant 1 : i32
    %scan3A_39 = scf.for %scan3A_49 = %scan3A_35 to %scan3A_37 step %scan3A_38 iter_args(%scan3A_50 = %scan3A_34) -> (i32)  : i32 {
      %mul3A_51 = arith.constant 16 : i32
      %mul3A_52 = arith.muli %scan3A_49, %mul3A_51 : i32
      %iota3A = tpu.iota {dimensions = array<i32: 0>} : vector<16xi32>
      %add3A_53 = vector.broadcast %mul3A_52 : i32 to vector<16xi32>
      %add3A_54 = arith.addi %add3A_53, %iota3A : vector<16xi32>
      %mul3A_55 = arith.constant 16 : i32
      %mul3A_56 = arith.muli %scan3A_49, %mul3A_55 : i32
      %swap3A_57 = arith.index_cast %mul3A_56 : i32 to index
      %swap3A_58 = tpu.vector_load %arg21[%swap3A_57] {strides = array<i32>} : memref<80xi32, #tpu.memory_space<vmem>>, vector<16xi32>,
      tpu.vector_store %arg21[%swap3A_57], %add3A_54 {strides = array<i32>} : memref<80xi32, #tpu.memory_space<vmem>>, vector<16xi32>,
      %scan3A_59 = arith.constant 0 : i32
      scf.yield %scan3A_59 : i32
    }
    %scan3A_40 = arith.constant 5 : i32
    %eq3A = arith.constant 0 : i32
    %eq3A_41 = arith.cmpi eq, %arg1, %eq3A : i32
    %convert_element_type3A = arith.extui %eq3A_41 : i1 to i32
    %cond3A = arith.constant 0 : i32
    %cond3A_42 = arith.cmpi ne, %convert_element_type3A, %cond3A : i32
    scf.if %cond3A_42 {
      "tpu.region"() ({
        %run_scoped3A = tpu.sem_alloc : memref<!tpu.dma_semaphore, #tpu.memory_space<semaphore_mem>>
        tpu.enqueue_dma source(%arg20 : memref<80x128xf32, #tpu.memory_space<vmem>>) target(%arg23 : memref<80x128xf32, #tpu.memory_space<vmem_shared>>) target_semaphore(%run_scoped3A : memref<!tpu.dma_semaphore, #tpu.memory_space<semaphore_mem>>)
        tpu.wait_dma2 semaphore(%run_scoped3A : memref<!tpu.dma_semaphore, #tpu.memory_space<semaphore_mem>>) src(%arg20 : memref<80x128xf32, #tpu.memory_space<vmem>>) dst(%arg23 : memref<80x128xf32, #tpu.memory_space<vmem_shared>>)
        tpu.yield
      }) : () -> ()
      "tpu.region"() ({
        %run_scoped3A = tpu.sem_alloc : memref<!tpu.dma_semaphore, #tpu.memory_space<semaphore_mem>>
        tpu.enqueue_dma source(%arg20 : memref<80x128xf32, #tpu.memory_space<vmem>>) target(%arg24 : memref<80x128xf32, #tpu.memory_space<vmem_shared>>) target_semaphore(%run_scoped3A : memref<!tpu.dma_semaphore, #tpu.memory_space<semaphore_mem>>)
        tpu.wait_dma2 semaphore(%run_scoped3A : memref<!tpu.dma_semaphore, #tpu.memory_space<semaphore_mem>>) src(%arg20 : memref<80x128xf32, #tpu.memory_space<vmem>>) dst(%arg24 : memref<80x128xf32, #tpu.memory_space<vmem_shared>>)
        tpu.yield
      }) : () -> ()
    } else {
    }
    %barrier3A = arith.constant 0 : index
    tpu.barrier barrier_id(%barrier3A)
    "tpu.region"() ({
      %run_scoped3A = tpu.sem_alloc : memref<!tpu.dma_semaphore, #tpu.memory_space<semaphore_mem>>
      %dma_start3A = arith.constant 0 : i32
      %dma_start3A_49 = arith.constant 0 : i32
      %dma_start3A_50 = tpu.memref_slice %arg23[%dma_start3A, %dma_start3A_49] : memref<80x128xf32, #tpu.memory_space<vmem_shared>> -> memref<80x128xf32, #tpu.memory_space<vmem_shared>>
      tpu.enqueue_indirect_dma source(%arg16 : memref<80x128xf32, #tpu.memory_space<vmem>>) target(%dma_start3A_50 : memref<80x128xf32, #tpu.memory_space<vmem_shared>>) offsets(%arg21 : memref<80xi32, #tpu.memory_space<vmem>>) semaphore(%run_scoped3A : memref<!tpu.dma_semaphore, #tpu.memory_space<semaphore_mem>>) {add = true}
      %dma_wait3A = arith.constant 0 : i32
      %dma_wait3A_51 = arith.constant 0 : i32
      %dma_wait3A_52 = tpu.memref_slice %arg23[%dma_wait3A, %dma_wait3A_51] : memref<80x128xf32, #tpu.memory_space<vmem_shared>> -> memref<80x128xf32, #tpu.memory_space<vmem_shared>>
      tpu.wait_indirect_dma semaphore(%run_scoped3A : memref<!tpu.dma_semaphore, #tpu.memory_space<semaphore_mem>>) src(%arg16 : memref<80x128xf32, #tpu.memory_space<vmem>>) dst(%dma_wait3A_52 : memref<80x128xf32, #tpu.memory_space<vmem_shared>>)
      tpu.yield
    }) : () -> ()
    "tpu.region"() ({
      %run_scoped3A = tpu.sem_alloc : memref<!tpu.dma_semaphore, #tpu.memory_space<semaphore_mem>>
      %dma_start3A = arith.constant 0 : i32
      %dma_start3A_49 = arith.constant 0 : i32
      %dma_start3A_50 = tpu.memref_slice %arg24[%dma_start3A, %dma_start3A_49] : memref<80x128xf32, #tpu.memory_space<vmem_shared>> -> memref<80x128xf32, #tpu.memory_space<vmem_shared>>
      tpu.enqueue_indirect_dma source(%arg17 : memref<80x128xf32, #tpu.memory_space<vmem>>) target(%dma_start3A_50 : memref<80x128xf32, #tpu.memory_space<vmem_shared>>) offsets(%arg21 : memref<80xi32, #tpu.memory_space<vmem>>) semaphore(%run_scoped3A : memref<!tpu.dma_semaphore, #tpu.memory_space<semaphore_mem>>) {add = true}
      %dma_wait3A = arith.constant 0 : i32
      %dma_wait3A_51 = arith.constant 0 : i32
      %dma_wait3A_52 = tpu.memref_slice %arg24[%dma_wait3A, %dma_wait3A_51] : memref<80x128xf32, #tpu.memory_space<vmem_shared>> -> memref<80x128xf32, #tpu.memory_space<vmem_shared>>
      tpu.wait_indirect_dma semaphore(%run_scoped3A : memref<!tpu.dma_semaphore, #tpu.memory_space<semaphore_mem>>) src(%arg17 : memref<80x128xf32, #tpu.memory_space<vmem>>) dst(%dma_wait3A_52 : memref<80x128xf32, #tpu.memory_space<vmem_shared>>)
      tpu.yield
    }) : () -> ()
    %barrier3A_43 = arith.constant 0 : index
    tpu.barrier barrier_id(%barrier3A_43)
    %eq3A_44 = arith.constant 0 : i32
    %eq3A_45 = arith.cmpi eq, %arg1, %eq3A_44 : i32
    %convert_element_type3A_46 = arith.extui %eq3A_45 : i1 to i32
    %cond3A_47 = arith.constant 0 : i32
    %cond3A_48 = arith.cmpi ne, %convert_element_type3A_46, %cond3A_47 : i32
    scf.if %cond3A_48 {
      "tpu.region"() ({
        %run_scoped3A = tpu.sem_alloc : memref<!tpu.dma_semaphore, #tpu.memory_space<semaphore_mem>>
        %dma_start3A = arith.constant 0 : i32
        %dma_start3A_49 = arith.constant 0 : i32
        %dma_start3A_50 = tpu.memref_slice %arg6[%arg0, %dma_start3A, %dma_start3A_49] : memref<2x80x128xf32, #tpu.memory_space<hbm>> -> memref<1x80x128xf32, #tpu.memory_space<hbm>>
        %dma_start3A_51 = tpu.memref_squeeze %dma_start3A_50 : memref<1x80x128xf32, #tpu.memory_space<hbm>> -> memref<80x128xf32, #tpu.memory_space<hbm>>
        tpu.enqueue_dma source(%arg23 : memref<80x128xf32, #tpu.memory_space<vmem_shared>>) target(%dma_start3A_51 : memref<80x128xf32, #tpu.memory_space<hbm>>) target_semaphore(%run_scoped3A : memref<!tpu.dma_semaphore, #tpu.memory_space<semaphore_mem>>)
        %dma_wait3A = arith.constant 0 : i32
        %dma_wait3A_52 = arith.constant 0 : i32
        %dma_wait3A_53 = tpu.memref_slice %arg6[%arg0, %dma_wait3A, %dma_wait3A_52] : memref<2x80x128xf32, #tpu.memory_space<hbm>> -> memref<1x80x128xf32, #tpu.memory_space<hbm>>
        %dma_wait3A_54 = tpu.memref_squeeze %dma_wait3A_53 : memref<1x80x128xf32, #tpu.memory_space<hbm>> -> memref<80x128xf32, #tpu.memory_space<hbm>>
        tpu.wait_dma2 semaphore(%run_scoped3A : memref<!tpu.dma_semaphore, #tpu.memory_space<semaphore_mem>>) src(%arg23 : memref<80x128xf32, #tpu.memory_space<vmem_shared>>) dst(%dma_wait3A_54 : memref<80x128xf32, #tpu.memory_space<hbm>>)
        tpu.yield
      }) : () -> ()
      "tpu.region"() ({
        %run_scoped3A = tpu.sem_alloc : memref<!tpu.dma_semaphore, #tpu.memory_space<semaphore_mem>>
        %dma_start3A = arith.constant 0 : i32
        %dma_start3A_49 = arith.constant 0 : i32
        %dma_start3A_50 = tpu.memref_slice %arg7[%arg0, %dma_start3A, %dma_start3A_49] : memref<2x80x128xf32, #tpu.memory_space<hbm>> -> memref<1x80x128xf32, #tpu.memory_space<hbm>>
        %dma_start3A_51 = tpu.memref_squeeze %dma_start3A_50 : memref<1x80x128xf32, #tpu.memory_space<hbm>> -> memref<80x128xf32, #tpu.memory_space<hbm>>
        tpu.enqueue_dma source(%arg24 : memref<80x128xf32, #tpu.memory_space<vmem_shared>>) target(%dma_start3A_51 : memref<80x128xf32, #tpu.memory_space<hbm>>) target_semaphore(%run_scoped3A : memref<!tpu.dma_semaphore, #tpu.memory_space<semaphore_mem>>)
        %dma_wait3A = arith.constant 0 : i32
        %dma_wait3A_52 = arith.constant 0 : i32
        %dma_wait3A_53 = tpu.memref_slice %arg7[%arg0, %dma_wait3A, %dma_wait3A_52] : memref<2x80x128xf32, #tpu.memory_space<hbm>> -> memref<1x80x128xf32, #tpu.memory_space<hbm>>
        %dma_wait3A_54 = tpu.memref_squeeze %dma_wait3A_53 : memref<1x80x128xf32, #tpu.memory_space<hbm>> -> memref<80x128xf32, #tpu.memory_space<hbm>>
        tpu.wait_dma2 semaphore(%run_scoped3A : memref<!tpu.dma_semaphore, #tpu.memory_space<semaphore_mem>>) src(%arg24 : memref<80x128xf32, #tpu.memory_space<vmem_shared>>) dst(%dma_wait3A_54 : memref<80x128xf32, #tpu.memory_space<hbm>>)
        tpu.yield
      }) : () -> ()
    } else {
    }
    return
  }
}

module attributes {stable_mosaic.version = 14 : i64} {
  func.func @_tc_body(%arg0: i32, %arg1: memref<1024x128xf32, #tpu.memory_space<vmem>>, %arg2: memref<1024x128xf32, #tpu.memory_space<vmem>>, %arg3: memref<1024x1xf32, #tpu.memory_space<vmem>>, %arg4: memref<1024x1xf32, #tpu.memory_space<vmem>>, %arg5: memref<1024x1xf32, #tpu.memory_space<vmem>>, %arg6: memref<1024x1xf32, #tpu.memory_space<vmem>>, %arg7: memref<1024x1xi32, #tpu.memory_space<vmem>>, %arg8: memref<1024x1xi32, #tpu.memory_space<vmem>>, %arg9: memref<128x128xf32, #tpu.memory_space<vmem>>, %arg10: memref<256x128xf32, #tpu.memory_space<vmem>>, %arg11: memref<384x128xf32, #tpu.memory_space<vmem>>, %arg12: memref<384x128xf32, #tpu.memory_space<vmem>>, %arg13: memref<384x128xf32, #tpu.memory_space<vmem>>, %arg14: memref<384x128xf32, #tpu.memory_space<vmem>>, %arg15: memref<128x128xf32, #tpu.memory_space<vmem>>, %arg16: memref<256x128xf32, #tpu.memory_space<vmem>>, %arg17: memref<384x128xf32, #tpu.memory_space<vmem>>, %arg18: memref<384x128xf32, #tpu.memory_space<vmem>>, %arg19: memref<384x128xf32, #tpu.memory_space<vmem>>, %arg20: memref<384x128xf32, #tpu.memory_space<vmem>>, %arg21: memref<128xf32, #tpu.memory_space<vmem>>, %arg22: memref<128xf32, #tpu.memory_space<vmem>>, %arg23: memref<384xf32, #tpu.memory_space<vmem>>, %arg24: memref<384xf32, #tpu.memory_space<vmem>>, %arg25: memref<384xf32, #tpu.memory_space<vmem>>, %arg26: memref<384xf32, #tpu.memory_space<vmem>>, %arg27: memref<128xf32, #tpu.memory_space<vmem>>, %arg28: memref<128xf32, #tpu.memory_space<vmem>>, %arg29: memref<384xf32, #tpu.memory_space<vmem>>, %arg30: memref<384xf32, #tpu.memory_space<vmem>>, %arg31: memref<384xf32, #tpu.memory_space<vmem>>, %arg32: memref<384xf32, #tpu.memory_space<vmem>>, %arg33: memref<128x128xf32, #tpu.memory_space<vmem>>, %arg34: memref<128x128xf32, #tpu.memory_space<vmem>>, %arg35: memref<1x1xf32, #tpu.memory_space<vmem>>, %arg36: memref<1x1xf32, #tpu.memory_space<vmem>>, %arg37: memref<1024x128xf32, #tpu.memory_space<vmem>>, %arg38: memref<1024x128xf32, #tpu.memory_space<vmem>>, %arg39: memref<1024x1xf32, #tpu.memory_space<vmem>>, %arg40: memref<1024x1xf32, #tpu.memory_space<vmem>>, %arg41: memref<1024x1xf32, #tpu.memory_space<vmem>>) attributes {dimension_semantics = [#tpu.dimension_semantics<arbitrary>], iteration_bounds = array<i64: 10>, scalar_prefetch = 0 : i64, scratch_operands = 0 : i64, tpu.core_type = #tpu.core_type<tc>, window_params = [{transform_indices = @transform_0, window_bounds = array<i64: 1024, 128>}, {transform_indices = @transform_1, window_bounds = array<i64: 1024, 128>}, {transform_indices = @transform_2, window_bounds = array<i64: 1024, 1>}, {transform_indices = @transform_3, window_bounds = array<i64: 1024, 1>}, {transform_indices = @transform_4, window_bounds = array<i64: 1024, 1>}, {transform_indices = @transform_5, window_bounds = array<i64: 1024, 1>}, {transform_indices = @transform_6, window_bounds = array<i64: 1024, 1>}, {transform_indices = @transform_7, window_bounds = array<i64: 1024, 1>}, {pipeline_mode = #tpu.pipeline_mode<synchronous>, transform_indices = @transform_8, window_bounds = array<i64: 128, 128>}, {pipeline_mode = #tpu.pipeline_mode<synchronous>, transform_indices = @transform_9, window_bounds = array<i64: 256, 128>}, {pipeline_mode = #tpu.pipeline_mode<synchronous>, transform_indices = @transform_10, window_bounds = array<i64: 384, 128>}, {pipeline_mode = #tpu.pipeline_mode<synchronous>, transform_indices = @transform_11, window_bounds = array<i64: 384, 128>}, {pipeline_mode = #tpu.pipeline_mode<synchronous>, transform_indices = @transform_12, window_bounds = array<i64: 384, 128>}, {pipeline_mode = #tpu.pipeline_mode<synchronous>, transform_indices = @transform_13, window_bounds = array<i64: 384, 128>}, {pipeline_mode = #tpu.pipeline_mode<synchronous>, transform_indices = @transform_14, window_bounds = array<i64: 128, 128>}, {pipeline_mode = #tpu.pipeline_mode<synchronous>, transform_indices = @transform_15, window_bounds = array<i64: 256, 128>}, {pipeline_mode = #tpu.pipeline_mode<synchronous>, transform_indices = @transform_16, window_bounds = array<i64: 384, 128>}, {pipeline_mode = #tpu.pipeline_mode<synchronous>, transform_indices = @transform_17, window_bounds = array<i64: 384, 128>}, {pipeline_mode = #tpu.pipeline_mode<synchronous>, transform_indices = @transform_18, window_bounds = array<i64: 384, 128>}, {pipeline_mode = #tpu.pipeline_mode<synchronous>, transform_indices = @transform_19, window_bounds = array<i64: 384, 128>}, {pipeline_mode = #tpu.pipeline_mode<synchronous>, transform_indices = @transform_20, window_bounds = array<i64: 128>}, {pipeline_mode = #tpu.pipeline_mode<synchronous>, transform_indices = @transform_21, window_bounds = array<i64: 128>}, {pipeline_mode = #tpu.pipeline_mode<synchronous>, transform_indices = @transform_22, window_bounds = array<i64: 384>}, {pipeline_mode = #tpu.pipeline_mode<synchronous>, transform_indices = @transform_23, window_bounds = array<i64: 384>}, {pipeline_mode = #tpu.pipeline_mode<synchronous>, transform_indices = @transform_24, window_bounds = array<i64: 384>}, {pipeline_mode = #tpu.pipeline_mode<synchronous>, transform_indices = @transform_25, window_bounds = array<i64: 384>}, {pipeline_mode = #tpu.pipeline_mode<synchronous>, transform_indices = @transform_26, window_bounds = array<i64: 128>}, {pipeline_mode = #tpu.pipeline_mode<synchronous>, transform_indices = @transform_27, window_bounds = array<i64: 128>}, {pipeline_mode = #tpu.pipeline_mode<synchronous>, transform_indices = @transform_28, window_bounds = array<i64: 384>}, {pipeline_mode = #tpu.pipeline_mode<synchronous>, transform_indices = @transform_29, window_bounds = array<i64: 384>}, {pipeline_mode = #tpu.pipeline_mode<synchronous>, transform_indices = @transform_30, window_bounds = array<i64: 384>}, {pipeline_mode = #tpu.pipeline_mode<synchronous>, transform_indices = @transform_31, window_bounds = array<i64: 384>}, {pipeline_mode = #tpu.pipeline_mode<synchronous>, transform_indices = @transform_32, window_bounds = array<i64: 128, 128>}, {pipeline_mode = #tpu.pipeline_mode<synchronous>, transform_indices = @transform_33, window_bounds = array<i64: 128, 128>}, {pipeline_mode = #tpu.pipeline_mode<synchronous>, transform_indices = @transform_34, window_bounds = array<i64: 1, 1>}, {pipeline_mode = #tpu.pipeline_mode<synchronous>, transform_indices = @transform_35, window_bounds = array<i64: 1, 1>}, {transform_indices = @transform_36, window_bounds = array<i64: 1024, 128>}, {transform_indices = @transform_37, window_bounds = array<i64: 1024, 128>}, {transform_indices = @transform_38, window_bounds = array<i64: 1024, 1>}, {transform_indices = @transform_39, window_bounds = array<i64: 1024, 1>}, {transform_indices = @transform_40, window_bounds = array<i64: 1024, 1>}]} {
    %get3A = arith.constant 0 : index
    %get3A_0 = arith.constant 0 : index
    %get3A_1 = vector.load %arg1[%get3A, %get3A_0] : memref<1024x128xf32, #tpu.memory_space<vmem>>, vector<1024x128xf32>
    %get3A_2 = arith.constant 0 : index
    %get3A_3 = arith.constant 0 : index
    %get3A_4 = vector.load %arg2[%get3A_2, %get3A_3] : memref<1024x128xf32, #tpu.memory_space<vmem>>, vector<1024x128xf32>
    %add3A = arith.addf %get3A_1, %get3A_4 : vector<1024x128xf32>
    %get3A_5 = arith.constant 0 : index
    %get3A_6 = arith.constant 0 : index
    %get3A_7 = vector.load %arg5[%get3A_5, %get3A_6] : memref<1024x1xf32, #tpu.memory_space<vmem>>, vector<1024x1xf32>
    %get3A_8 = arith.constant 0 : index
    %get3A_9 = arith.constant 0 : index
    %get3A_10 = vector.load %arg6[%get3A_8, %get3A_9] : memref<1024x1xf32, #tpu.memory_space<vmem>>, vector<1024x1xf32>
    %add3A_11 = arith.addf %get3A_7, %get3A_10 : vector<1024x1xf32>
    %max3A = arith.constant 1.000000e+00 : f32
    %max3A_12 = vector.broadcast %max3A : f32 to vector<1024x1xf32>
    %max3A_13 = arith.maximumf %add3A_11, %max3A_12 : vector<1024x1xf32>
    %rsqrt3A = math.rsqrt %max3A_13 : vector<1024x1xf32>
    %mul3A = vector.broadcast %rsqrt3A : vector<1024x1xf32> to vector<1024x128xf32>
    %mul3A_14 = arith.mulf %add3A, %mul3A : vector<1024x128xf32>
    %get3A_15 = arith.constant 0 : index
    %get3A_16 = arith.constant 0 : index
    %get3A_17 = vector.load %arg3[%get3A_15, %get3A_16] : memref<1024x1xf32, #tpu.memory_space<vmem>>, vector<1024x1xf32>
    %get3A_18 = arith.constant 0 : index
    %get3A_19 = arith.constant 0 : index
    %get3A_20 = vector.load %arg4[%get3A_18, %get3A_19] : memref<1024x1xf32, #tpu.memory_space<vmem>>, vector<1024x1xf32>
    %add3A_21 = arith.addf %get3A_17, %get3A_20 : vector<1024x1xf32>
    %mul3A_22 = arith.mulf %add3A_21, %rsqrt3A : vector<1024x1xf32>
    %get3A_23 = arith.constant 0 : index
    %get3A_24 = arith.constant 0 : index
    %get3A_25 = vector.load %arg9[%get3A_23, %get3A_24] : memref<128x128xf32, #tpu.memory_space<vmem>>, vector<128x128xf32>
    %dot_general3A = arith.constant dense<0.000000e+00> : vector<1024x128xf32>
    %dot_general3A_26 = tpu.matmul %mul3A_14, %get3A_25, %dot_general3A {dimension_numbers = #tpu.dot_dimension_numbers<[1], [0], [0], [1], [0, 0, 1, 1], [], []>, transpose_lhs_hint = false} : vector<1024x128xf32>, vector<128x128xf32>, vector<1024x128xf32> -> vector<1024x128xf32>
    %get3A_27 = arith.constant 0 : index
    %get3A_28 = vector.load %arg21[%get3A_27] : memref<128xf32, #tpu.memory_space<vmem>>, vector<128xf32>
    %broadcast_in_dim3A = vector.shape_cast %get3A_28 : vector<128xf32> to vector<1x128xf32>
    %add3A_29 = vector.broadcast %broadcast_in_dim3A : vector<1x128xf32> to vector<1024x128xf32>
    %add3A_30 = arith.addf %dot_general3A_26, %add3A_29 : vector<1024x128xf32>
    %max3A_31 = arith.constant 0.000000e+00 : f32
    %max3A_32 = vector.broadcast %max3A_31 : f32 to vector<1024x128xf32>
    %max3A_33 = arith.maximumf %add3A_30, %max3A_32 : vector<1024x128xf32>
    %get3A_34 = arith.constant 0 : index
    %get3A_35 = arith.constant 0 : index
    %get3A_36 = vector.load %arg10[%get3A_34, %get3A_35] : memref<256x128xf32, #tpu.memory_space<vmem>>, vector<256x128xf32>
    %slice3A = vector.extract_strided_slice %get3A_36 {offsets = [128, 0], sizes = [128, 128], strides = [1, 1]} : vector<256x128xf32> to vector<128x128xf32>
    %reduce_sum3A = arith.constant dense<0.000000e+00> : vector<128xf32>
    %reduce_sum3A_37 = vector.multi_reduction <add>, %slice3A, %reduce_sum3A [0] : vector<128x128xf32> to vector<128xf32>
    %slice3A_38 = vector.extract_strided_slice %get3A_36 {offsets = [0, 0], sizes = [128, 128], strides = [1, 1]} : vector<256x128xf32> to vector<128x128xf32>
    %dot_general3A_39 = arith.constant dense<0.000000e+00> : vector<1024x128xf32>
    %dot_general3A_40 = tpu.matmul %mul3A_14, %slice3A_38, %dot_general3A_39 {dimension_numbers = #tpu.dot_dimension_numbers<[1], [0], [0], [1], [0, 0, 1, 1], [], []>, transpose_lhs_hint = false} : vector<1024x128xf32>, vector<128x128xf32>, vector<1024x128xf32> -> vector<1024x128xf32>
    %broadcast_in_dim3A_41 = vector.shape_cast %reduce_sum3A_37 : vector<128xf32> to vector<1x128xf32>
    %mul3A_42 = vector.broadcast %mul3A_22 : vector<1024x1xf32> to vector<1024x128xf32>
    %mul3A_43 = vector.broadcast %broadcast_in_dim3A_41 : vector<1x128xf32> to vector<1024x128xf32>
    %mul3A_44 = arith.mulf %mul3A_42, %mul3A_43 : vector<1024x128xf32>
    %add3A_45 = arith.addf %dot_general3A_40, %mul3A_44 : vector<1024x128xf32>
    %get3A_46 = arith.constant 0 : index
    %get3A_47 = vector.load %arg22[%get3A_46] : memref<128xf32, #tpu.memory_space<vmem>>, vector<128xf32>
    %broadcast_in_dim3A_48 = vector.shape_cast %get3A_47 : vector<128xf32> to vector<1x128xf32>
    %add3A_49 = vector.broadcast %broadcast_in_dim3A_48 : vector<1x128xf32> to vector<1024x128xf32>
    %add3A_50 = arith.addf %add3A_45, %add3A_49 : vector<1024x128xf32>
    %max3A_51 = arith.constant 0.000000e+00 : f32
    %max3A_52 = vector.broadcast %max3A_51 : f32 to vector<1024x128xf32>
    %max3A_53 = arith.maximumf %add3A_50, %max3A_52 : vector<1024x128xf32>
    %get3A_54 = arith.constant 0 : index
    %get3A_55 = vector.load %arg24[%get3A_54] : memref<384xf32, #tpu.memory_space<vmem>>, vector<384xf32>
    %get3A_56 = arith.constant 0 : index
    %get3A_57 = arith.constant 0 : index
    %get3A_58 = vector.load %arg11[%get3A_56, %get3A_57] : memref<384x128xf32, #tpu.memory_space<vmem>>, vector<384x128xf32>
    %dot_general3A_59 = arith.constant dense<0.000000e+00> : vector<1024x384xf32>
    %dot_general3A_60 = tpu.matmul %max3A_33, %get3A_58, %dot_general3A_59 {dimension_numbers = #tpu.dot_dimension_numbers<[1], [1], [0], [0], [0, 0, 1, 0], [], []>, transpose_lhs_hint = false} : vector<1024x128xf32>, vector<384x128xf32>, vector<1024x384xf32> -> vector<1024x384xf32>
    %get3A_61 = arith.constant 0 : index
    %get3A_62 = arith.constant 0 : index
    %get3A_63 = vector.load %arg12[%get3A_61, %get3A_62] : memref<384x128xf32, #tpu.memory_space<vmem>>, vector<384x128xf32>
    %reduce_sum3A_64 = arith.constant dense<0.000000e+00> : vector<384xf32>
    %reduce_sum3A_65 = vector.multi_reduction <add>, %get3A_63, %reduce_sum3A_64 [1] : vector<384x128xf32> to vector<384xf32>
    %add3A_66 = arith.addf %reduce_sum3A_65, %get3A_55 : vector<384xf32>
    %slice3A_67 = vector.extract_strided_slice %dot_general3A_60 {offsets = [0, 0], sizes = [1024, 128], strides = [1, 1]} : vector<1024x384xf32> to vector<1024x128xf32>
    %slice3A_68 = vector.extract_strided_slice %add3A_66 {offsets = [0], sizes = [128], strides = [1]} : vector<384xf32> to vector<128xf32>
    %broadcast_in_dim3A_69 = vector.shape_cast %slice3A_68 : vector<128xf32> to vector<1x128xf32>
    %add3A_70 = vector.broadcast %broadcast_in_dim3A_69 : vector<1x128xf32> to vector<1024x128xf32>
    %add3A_71 = arith.addf %slice3A_67, %add3A_70 : vector<1024x128xf32>
    %logistic3A = arith.negf %add3A_71 : vector<1024x128xf32>
    %logistic3A_72 = math.exp %logistic3A : vector<1024x128xf32>
    %logistic3A_73 = arith.constant 1.000000e+00 : f32
    %logistic3A_74 = vector.broadcast %logistic3A_73 : f32 to vector<1024x128xf32>
    %logistic3A_75 = arith.addf %logistic3A_74, %logistic3A_72 : vector<1024x128xf32>
    %logistic3A_76 = arith.divf %logistic3A_74, %logistic3A_75 : vector<1024x128xf32>
    %slice3A_77 = vector.extract_strided_slice %dot_general3A_60 {offsets = [0, 128], sizes = [1024, 128], strides = [1, 1]} : vector<1024x384xf32> to vector<1024x128xf32>
    %slice3A_78 = vector.extract_strided_slice %add3A_66 {offsets = [128], sizes = [128], strides = [1]} : vector<384xf32> to vector<128xf32>
    %broadcast_in_dim3A_79 = vector.shape_cast %slice3A_78 : vector<128xf32> to vector<1x128xf32>
    %add3A_80 = vector.broadcast %broadcast_in_dim3A_79 : vector<1x128xf32> to vector<1024x128xf32>
    %add3A_81 = arith.addf %slice3A_77, %add3A_80 : vector<1024x128xf32>
    %logistic3A_82 = arith.negf %add3A_81 : vector<1024x128xf32>
    %logistic3A_83 = math.exp %logistic3A_82 : vector<1024x128xf32>
    %logistic3A_84 = arith.constant 1.000000e+00 : f32
    %logistic3A_85 = vector.broadcast %logistic3A_84 : f32 to vector<1024x128xf32>
    %logistic3A_86 = arith.addf %logistic3A_85, %logistic3A_83 : vector<1024x128xf32>
    %logistic3A_87 = arith.divf %logistic3A_85, %logistic3A_86 : vector<1024x128xf32>
    %slice3A_88 = vector.extract_strided_slice %dot_general3A_60 {offsets = [0, 256], sizes = [1024, 128], strides = [1, 1]} : vector<1024x384xf32> to vector<1024x128xf32>
    %slice3A_89 = vector.extract_strided_slice %add3A_66 {offsets = [256], sizes = [128], strides = [1]} : vector<384xf32> to vector<128xf32>
    %broadcast_in_dim3A_90 = vector.shape_cast %slice3A_89 : vector<128xf32> to vector<1x128xf32>
    %mul3A_91 = vector.broadcast %broadcast_in_dim3A_90 : vector<1x128xf32> to vector<1024x128xf32>
    %mul3A_92 = arith.mulf %logistic3A_76, %mul3A_91 : vector<1024x128xf32>
    %add3A_93 = arith.addf %slice3A_88, %mul3A_92 : vector<1024x128xf32>
    %tanh3A = math.tanh %add3A_93 : vector<1024x128xf32>
    %sub3A = arith.constant 1.000000e+00 : f32
    %sub3A_94 = vector.broadcast %sub3A : f32 to vector<1024x128xf32>
    %sub3A_95 = arith.subf %sub3A_94, %logistic3A_87 : vector<1024x128xf32>
    %mul3A_96 = arith.mulf %sub3A_95, %tanh3A : vector<1024x128xf32>
    %add3A_97 = arith.addf %mul3A_96, %logistic3A_87 : vector<1024x128xf32>
    %get3A_98 = arith.constant 0 : index
    %get3A_99 = vector.load %arg26[%get3A_98] : memref<384xf32, #tpu.memory_space<vmem>>, vector<384xf32>
    %get3A_100 = arith.constant 0 : index
    %get3A_101 = arith.constant 0 : index
    %get3A_102 = vector.load %arg13[%get3A_100, %get3A_101] : memref<384x128xf32, #tpu.memory_space<vmem>>, vector<384x128xf32>
    %dot_general3A_103 = arith.constant dense<0.000000e+00> : vector<1024x384xf32>
    %dot_general3A_104 = tpu.matmul %max3A_53, %get3A_102, %dot_general3A_103 {dimension_numbers = #tpu.dot_dimension_numbers<[1], [1], [0], [0], [0, 0, 1, 0], [], []>, transpose_lhs_hint = false} : vector<1024x128xf32>, vector<384x128xf32>, vector<1024x384xf32> -> vector<1024x384xf32>
    %get3A_105 = arith.constant 0 : index
    %get3A_106 = arith.constant 0 : index
    %get3A_107 = vector.load %arg14[%get3A_105, %get3A_106] : memref<384x128xf32, #tpu.memory_space<vmem>>, vector<384x128xf32>
    %reduce_sum3A_108 = arith.constant dense<0.000000e+00> : vector<384xf32>
    %reduce_sum3A_109 = vector.multi_reduction <add>, %get3A_107, %reduce_sum3A_108 [1] : vector<384x128xf32> to vector<384xf32>
    %add3A_110 = arith.addf %reduce_sum3A_109, %get3A_99 : vector<384xf32>
    %slice3A_111 = vector.extract_strided_slice %dot_general3A_104 {offsets = [0, 0], sizes = [1024, 128], strides = [1, 1]} : vector<1024x384xf32> to vector<1024x128xf32>
    %slice3A_112 = vector.extract_strided_slice %add3A_110 {offsets = [0], sizes = [128], strides = [1]} : vector<384xf32> to vector<128xf32>
    %broadcast_in_dim3A_113 = vector.shape_cast %slice3A_112 : vector<128xf32> to vector<1x128xf32>
    %add3A_114 = vector.broadcast %broadcast_in_dim3A_113 : vector<1x128xf32> to vector<1024x128xf32>
    %add3A_115 = arith.addf %slice3A_111, %add3A_114 : vector<1024x128xf32>
    %logistic3A_116 = arith.negf %add3A_115 : vector<1024x128xf32>
    %logistic3A_117 = math.exp %logistic3A_116 : vector<1024x128xf32>
    %logistic3A_118 = arith.constant 1.000000e+00 : f32
    %logistic3A_119 = vector.broadcast %logistic3A_118 : f32 to vector<1024x128xf32>
    %logistic3A_120 = arith.addf %logistic3A_119, %logistic3A_117 : vector<1024x128xf32>
    %logistic3A_121 = arith.divf %logistic3A_119, %logistic3A_120 : vector<1024x128xf32>
    %slice3A_122 = vector.extract_strided_slice %dot_general3A_104 {offsets = [0, 128], sizes = [1024, 128], strides = [1, 1]} : vector<1024x384xf32> to vector<1024x128xf32>
    %slice3A_123 = vector.extract_strided_slice %add3A_110 {offsets = [128], sizes = [128], strides = [1]} : vector<384xf32> to vector<128xf32>
    %broadcast_in_dim3A_124 = vector.shape_cast %slice3A_123 : vector<128xf32> to vector<1x128xf32>
    %add3A_125 = vector.broadcast %broadcast_in_dim3A_124 : vector<1x128xf32> to vector<1024x128xf32>
    %add3A_126 = arith.addf %slice3A_122, %add3A_125 : vector<1024x128xf32>
    %logistic3A_127 = arith.negf %add3A_126 : vector<1024x128xf32>
    %logistic3A_128 = math.exp %logistic3A_127 : vector<1024x128xf32>
    %logistic3A_129 = arith.constant 1.000000e+00 : f32
    %logistic3A_130 = vector.broadcast %logistic3A_129 : f32 to vector<1024x128xf32>
    %logistic3A_131 = arith.addf %logistic3A_130, %logistic3A_128 : vector<1024x128xf32>
    %logistic3A_132 = arith.divf %logistic3A_130, %logistic3A_131 : vector<1024x128xf32>
    %slice3A_133 = vector.extract_strided_slice %dot_general3A_104 {offsets = [0, 256], sizes = [1024, 128], strides = [1, 1]} : vector<1024x384xf32> to vector<1024x128xf32>
    %slice3A_134 = vector.extract_strided_slice %add3A_110 {offsets = [256], sizes = [128], strides = [1]} : vector<384xf32> to vector<128xf32>
    %broadcast_in_dim3A_135 = vector.shape_cast %slice3A_134 : vector<128xf32> to vector<1x128xf32>
    %mul3A_136 = vector.broadcast %broadcast_in_dim3A_135 : vector<1x128xf32> to vector<1024x128xf32>
    %mul3A_137 = arith.mulf %logistic3A_121, %mul3A_136 : vector<1024x128xf32>
    %add3A_138 = arith.addf %slice3A_133, %mul3A_137 : vector<1024x128xf32>
    %tanh3A_139 = math.tanh %add3A_138 : vector<1024x128xf32>
    %sub3A_140 = arith.constant 1.000000e+00 : f32
    %sub3A_141 = vector.broadcast %sub3A_140 : f32 to vector<1024x128xf32>
    %sub3A_142 = arith.subf %sub3A_141, %logistic3A_132 : vector<1024x128xf32>
    %mul3A_143 = arith.mulf %sub3A_142, %tanh3A_139 : vector<1024x128xf32>
    %add3A_144 = arith.addf %mul3A_143, %logistic3A_132 : vector<1024x128xf32>
    %get3A_145 = arith.constant 0 : index
    %get3A_146 = arith.constant 0 : index
    %get3A_147 = vector.load %arg15[%get3A_145, %get3A_146] : memref<128x128xf32, #tpu.memory_space<vmem>>, vector<128x128xf32>
    %dot_general3A_148 = arith.constant dense<0.000000e+00> : vector<1024x128xf32>
    %dot_general3A_149 = tpu.matmul %mul3A_14, %get3A_147, %dot_general3A_148 {dimension_numbers = #tpu.dot_dimension_numbers<[1], [0], [0], [1], [0, 0, 1, 1], [], []>, transpose_lhs_hint = false} : vector<1024x128xf32>, vector<128x128xf32>, vector<1024x128xf32> -> vector<1024x128xf32>
    %get3A_150 = arith.constant 0 : index
    %get3A_151 = vector.load %arg27[%get3A_150] : memref<128xf32, #tpu.memory_space<vmem>>, vector<128xf32>
    %broadcast_in_dim3A_152 = vector.shape_cast %get3A_151 : vector<128xf32> to vector<1x128xf32>
    %add3A_153 = vector.broadcast %broadcast_in_dim3A_152 : vector<1x128xf32> to vector<1024x128xf32>
    %add3A_154 = arith.addf %dot_general3A_149, %add3A_153 : vector<1024x128xf32>
    %max3A_155 = arith.constant 0.000000e+00 : f32
    %max3A_156 = vector.broadcast %max3A_155 : f32 to vector<1024x128xf32>
    %max3A_157 = arith.maximumf %add3A_154, %max3A_156 : vector<1024x128xf32>
    %get3A_158 = arith.constant 0 : index
    %get3A_159 = arith.constant 0 : index
    %get3A_160 = vector.load %arg16[%get3A_158, %get3A_159] : memref<256x128xf32, #tpu.memory_space<vmem>>, vector<256x128xf32>
    %slice3A_161 = vector.extract_strided_slice %get3A_160 {offsets = [128, 0], sizes = [128, 128], strides = [1, 1]} : vector<256x128xf32> to vector<128x128xf32>
    %reduce_sum3A_162 = arith.constant dense<0.000000e+00> : vector<128xf32>
    %reduce_sum3A_163 = vector.multi_reduction <add>, %slice3A_161, %reduce_sum3A_162 [0] : vector<128x128xf32> to vector<128xf32>
    %slice3A_164 = vector.extract_strided_slice %get3A_160 {offsets = [0, 0], sizes = [128, 128], strides = [1, 1]} : vector<256x128xf32> to vector<128x128xf32>
    %dot_general3A_165 = arith.constant dense<0.000000e+00> : vector<1024x128xf32>
    %dot_general3A_166 = tpu.matmul %mul3A_14, %slice3A_164, %dot_general3A_165 {dimension_numbers = #tpu.dot_dimension_numbers<[1], [0], [0], [1], [0, 0, 1, 1], [], []>, transpose_lhs_hint = false} : vector<1024x128xf32>, vector<128x128xf32>, vector<1024x128xf32> -> vector<1024x128xf32>
    %broadcast_in_dim3A_167 = vector.shape_cast %reduce_sum3A_163 : vector<128xf32> to vector<1x128xf32>
    %mul3A_168 = vector.broadcast %mul3A_22 : vector<1024x1xf32> to vector<1024x128xf32>
    %mul3A_169 = vector.broadcast %broadcast_in_dim3A_167 : vector<1x128xf32> to vector<1024x128xf32>
    %mul3A_170 = arith.mulf %mul3A_168, %mul3A_169 : vector<1024x128xf32>
    %add3A_171 = arith.addf %dot_general3A_166, %mul3A_170 : vector<1024x128xf32>
    %get3A_172 = arith.constant 0 : index
    %get3A_173 = vector.load %arg28[%get3A_172] : memref<128xf32, #tpu.memory_space<vmem>>, vector<128xf32>
    %broadcast_in_dim3A_174 = vector.shape_cast %get3A_173 : vector<128xf32> to vector<1x128xf32>
    %add3A_175 = vector.broadcast %broadcast_in_dim3A_174 : vector<1x128xf32> to vector<1024x128xf32>
    %add3A_176 = arith.addf %add3A_171, %add3A_175 : vector<1024x128xf32>
    %max3A_177 = arith.constant 0.000000e+00 : f32
    %max3A_178 = vector.broadcast %max3A_177 : f32 to vector<1024x128xf32>
    %max3A_179 = arith.maximumf %add3A_176, %max3A_178 : vector<1024x128xf32>
    %get3A_180 = arith.constant 0 : index
    %get3A_181 = vector.load %arg30[%get3A_180] : memref<384xf32, #tpu.memory_space<vmem>>, vector<384xf32>
    %get3A_182 = arith.constant 0 : index
    %get3A_183 = arith.constant 0 : index
    %get3A_184 = vector.load %arg17[%get3A_182, %get3A_183] : memref<384x128xf32, #tpu.memory_space<vmem>>, vector<384x128xf32>
    %dot_general3A_185 = arith.constant dense<0.000000e+00> : vector<1024x384xf32>
    %dot_general3A_186 = tpu.matmul %max3A_157, %get3A_184, %dot_general3A_185 {dimension_numbers = #tpu.dot_dimension_numbers<[1], [1], [0], [0], [0, 0, 1, 0], [], []>, transpose_lhs_hint = false} : vector<1024x128xf32>, vector<384x128xf32>, vector<1024x384xf32> -> vector<1024x384xf32>
    %get3A_187 = arith.constant 0 : index
    %get3A_188 = arith.constant 0 : index
    %get3A_189 = vector.load %arg18[%get3A_187, %get3A_188] : memref<384x128xf32, #tpu.memory_space<vmem>>, vector<384x128xf32>
    %reduce_sum3A_190 = arith.constant dense<0.000000e+00> : vector<384xf32>
    %reduce_sum3A_191 = vector.multi_reduction <add>, %get3A_189, %reduce_sum3A_190 [1] : vector<384x128xf32> to vector<384xf32>
    %add3A_192 = arith.addf %reduce_sum3A_191, %get3A_181 : vector<384xf32>
    %slice3A_193 = vector.extract_strided_slice %dot_general3A_186 {offsets = [0, 0], sizes = [1024, 128], strides = [1, 1]} : vector<1024x384xf32> to vector<1024x128xf32>
    %slice3A_194 = vector.extract_strided_slice %add3A_192 {offsets = [0], sizes = [128], strides = [1]} : vector<384xf32> to vector<128xf32>
    %broadcast_in_dim3A_195 = vector.shape_cast %slice3A_194 : vector<128xf32> to vector<1x128xf32>
    %add3A_196 = vector.broadcast %broadcast_in_dim3A_195 : vector<1x128xf32> to vector<1024x128xf32>
    %add3A_197 = arith.addf %slice3A_193, %add3A_196 : vector<1024x128xf32>
    %logistic3A_198 = arith.negf %add3A_197 : vector<1024x128xf32>
    %logistic3A_199 = math.exp %logistic3A_198 : vector<1024x128xf32>
    %logistic3A_200 = arith.constant 1.000000e+00 : f32
    %logistic3A_201 = vector.broadcast %logistic3A_200 : f32 to vector<1024x128xf32>
    %logistic3A_202 = arith.addf %logistic3A_201, %logistic3A_199 : vector<1024x128xf32>
    %logistic3A_203 = arith.divf %logistic3A_201, %logistic3A_202 : vector<1024x128xf32>
    %slice3A_204 = vector.extract_strided_slice %dot_general3A_186 {offsets = [0, 128], sizes = [1024, 128], strides = [1, 1]} : vector<1024x384xf32> to vector<1024x128xf32>
    %slice3A_205 = vector.extract_strided_slice %add3A_192 {offsets = [128], sizes = [128], strides = [1]} : vector<384xf32> to vector<128xf32>
    %broadcast_in_dim3A_206 = vector.shape_cast %slice3A_205 : vector<128xf32> to vector<1x128xf32>
    %add3A_207 = vector.broadcast %broadcast_in_dim3A_206 : vector<1x128xf32> to vector<1024x128xf32>
    %add3A_208 = arith.addf %slice3A_204, %add3A_207 : vector<1024x128xf32>
    %logistic3A_209 = arith.negf %add3A_208 : vector<1024x128xf32>
    %logistic3A_210 = math.exp %logistic3A_209 : vector<1024x128xf32>
    %logistic3A_211 = arith.constant 1.000000e+00 : f32
    %logistic3A_212 = vector.broadcast %logistic3A_211 : f32 to vector<1024x128xf32>
    %logistic3A_213 = arith.addf %logistic3A_212, %logistic3A_210 : vector<1024x128xf32>
    %logistic3A_214 = arith.divf %logistic3A_212, %logistic3A_213 : vector<1024x128xf32>
    %slice3A_215 = vector.extract_strided_slice %dot_general3A_186 {offsets = [0, 256], sizes = [1024, 128], strides = [1, 1]} : vector<1024x384xf32> to vector<1024x128xf32>
    %slice3A_216 = vector.extract_strided_slice %add3A_192 {offsets = [256], sizes = [128], strides = [1]} : vector<384xf32> to vector<128xf32>
    %broadcast_in_dim3A_217 = vector.shape_cast %slice3A_216 : vector<128xf32> to vector<1x128xf32>
    %mul3A_218 = vector.broadcast %broadcast_in_dim3A_217 : vector<1x128xf32> to vector<1024x128xf32>
    %mul3A_219 = arith.mulf %logistic3A_203, %mul3A_218 : vector<1024x128xf32>
    %add3A_220 = arith.addf %slice3A_215, %mul3A_219 : vector<1024x128xf32>
    %tanh3A_221 = math.tanh %add3A_220 : vector<1024x128xf32>
    %sub3A_222 = arith.constant 1.000000e+00 : f32
    %sub3A_223 = vector.broadcast %sub3A_222 : f32 to vector<1024x128xf32>
    %sub3A_224 = arith.subf %sub3A_223, %logistic3A_214 : vector<1024x128xf32>
    %mul3A_225 = arith.mulf %sub3A_224, %tanh3A_221 : vector<1024x128xf32>
    %add3A_226 = arith.addf %mul3A_225, %logistic3A_214 : vector<1024x128xf32>
    %get3A_227 = arith.constant 0 : index
    %get3A_228 = vector.load %arg32[%get3A_227] : memref<384xf32, #tpu.memory_space<vmem>>, vector<384xf32>
    %get3A_229 = arith.constant 0 : index
    %get3A_230 = arith.constant 0 : index
    %get3A_231 = vector.load %arg19[%get3A_229, %get3A_230] : memref<384x128xf32, #tpu.memory_space<vmem>>, vector<384x128xf32>
    %dot_general3A_232 = arith.constant dense<0.000000e+00> : vector<1024x384xf32>
    %dot_general3A_233 = tpu.matmul %max3A_179, %get3A_231, %dot_general3A_232 {dimension_numbers = #tpu.dot_dimension_numbers<[1], [1], [0], [0], [0, 0, 1, 0], [], []>, transpose_lhs_hint = false} : vector<1024x128xf32>, vector<384x128xf32>, vector<1024x384xf32> -> vector<1024x384xf32>
    %get3A_234 = arith.constant 0 : index
    %get3A_235 = arith.constant 0 : index
    %get3A_236 = vector.load %arg20[%get3A_234, %get3A_235] : memref<384x128xf32, #tpu.memory_space<vmem>>, vector<384x128xf32>
    %reduce_sum3A_237 = arith.constant dense<0.000000e+00> : vector<384xf32>
    %reduce_sum3A_238 = vector.multi_reduction <add>, %get3A_236, %reduce_sum3A_237 [1] : vector<384x128xf32> to vector<384xf32>
    %add3A_239 = arith.addf %reduce_sum3A_238, %get3A_228 : vector<384xf32>
    %slice3A_240 = vector.extract_strided_slice %dot_general3A_233 {offsets = [0, 0], sizes = [1024, 128], strides = [1, 1]} : vector<1024x384xf32> to vector<1024x128xf32>
    %slice3A_241 = vector.extract_strided_slice %add3A_239 {offsets = [0], sizes = [128], strides = [1]} : vector<384xf32> to vector<128xf32>
    %broadcast_in_dim3A_242 = vector.shape_cast %slice3A_241 : vector<128xf32> to vector<1x128xf32>
    %add3A_243 = vector.broadcast %broadcast_in_dim3A_242 : vector<1x128xf32> to vector<1024x128xf32>
    %add3A_244 = arith.addf %slice3A_240, %add3A_243 : vector<1024x128xf32>
    %logistic3A_245 = arith.negf %add3A_244 : vector<1024x128xf32>
    %logistic3A_246 = math.exp %logistic3A_245 : vector<1024x128xf32>
    %logistic3A_247 = arith.constant 1.000000e+00 : f32
    %logistic3A_248 = vector.broadcast %logistic3A_247 : f32 to vector<1024x128xf32>
    %logistic3A_249 = arith.addf %logistic3A_248, %logistic3A_246 : vector<1024x128xf32>
    %logistic3A_250 = arith.divf %logistic3A_248, %logistic3A_249 : vector<1024x128xf32>
    %slice3A_251 = vector.extract_strided_slice %dot_general3A_233 {offsets = [0, 128], sizes = [1024, 128], strides = [1, 1]} : vector<1024x384xf32> to vector<1024x128xf32>
    %slice3A_252 = vector.extract_strided_slice %add3A_239 {offsets = [128], sizes = [128], strides = [1]} : vector<384xf32> to vector<128xf32>
    %broadcast_in_dim3A_253 = vector.shape_cast %slice3A_252 : vector<128xf32> to vector<1x128xf32>
    %add3A_254 = vector.broadcast %broadcast_in_dim3A_253 : vector<1x128xf32> to vector<1024x128xf32>
    %add3A_255 = arith.addf %slice3A_251, %add3A_254 : vector<1024x128xf32>
    %logistic3A_256 = arith.negf %add3A_255 : vector<1024x128xf32>
    %logistic3A_257 = math.exp %logistic3A_256 : vector<1024x128xf32>
    %logistic3A_258 = arith.constant 1.000000e+00 : f32
    %logistic3A_259 = vector.broadcast %logistic3A_258 : f32 to vector<1024x128xf32>
    %logistic3A_260 = arith.addf %logistic3A_259, %logistic3A_257 : vector<1024x128xf32>
    %logistic3A_261 = arith.divf %logistic3A_259, %logistic3A_260 : vector<1024x128xf32>
    %slice3A_262 = vector.extract_strided_slice %dot_general3A_233 {offsets = [0, 256], sizes = [1024, 128], strides = [1, 1]} : vector<1024x384xf32> to vector<1024x128xf32>
    %slice3A_263 = vector.extract_strided_slice %add3A_239 {offsets = [256], sizes = [128], strides = [1]} : vector<384xf32> to vector<128xf32>
    %broadcast_in_dim3A_264 = vector.shape_cast %slice3A_263 : vector<128xf32> to vector<1x128xf32>
    %mul3A_265 = vector.broadcast %broadcast_in_dim3A_264 : vector<1x128xf32> to vector<1024x128xf32>
    %mul3A_266 = arith.mulf %logistic3A_250, %mul3A_265 : vector<1024x128xf32>
    %add3A_267 = arith.addf %slice3A_262, %mul3A_266 : vector<1024x128xf32>
    %tanh3A_268 = math.tanh %add3A_267 : vector<1024x128xf32>
    %sub3A_269 = arith.constant 1.000000e+00 : f32
    %sub3A_270 = vector.broadcast %sub3A_269 : f32 to vector<1024x128xf32>
    %sub3A_271 = arith.subf %sub3A_270, %logistic3A_261 : vector<1024x128xf32>
    %mul3A_272 = arith.mulf %sub3A_271, %tanh3A_268 : vector<1024x128xf32>
    %add3A_273 = arith.addf %mul3A_272, %logistic3A_261 : vector<1024x128xf32>
    %get3A_274 = arith.constant 0 : index
    %get3A_275 = arith.constant 0 : index
    %get3A_276 = vector.load %arg7[%get3A_274, %get3A_275] : memref<1024x1xi32, #tpu.memory_space<vmem>>, vector<1024x1xi32>
    %get3A_277 = arith.constant 0 : index
    %get3A_278 = arith.constant 0 : index
    %get3A_279 = vector.load %arg8[%get3A_277, %get3A_278] : memref<1024x1xi32, #tpu.memory_space<vmem>>, vector<1024x1xi32>
    %ge3A = arith.constant 1 : i32
    %ge3A_280 = vector.broadcast %ge3A : i32 to vector<1024x1xi32>
    %ge3A_281 = arith.cmpi sge, %get3A_279, %ge3A_280 : vector<1024x1xi32>
    %le3A = arith.constant 7 : i32
    %le3A_282 = vector.broadcast %le3A : i32 to vector<1024x1xi32>
    %le3A_283 = arith.cmpi sle, %get3A_279, %le3A_282 : vector<1024x1xi32>
    %and3A = arith.andi %ge3A_281, %le3A_283 : vector<1024x1xi1>
    %eq3A = arith.constant 1 : i32
    %eq3A_284 = vector.broadcast %eq3A : i32 to vector<1024x1xi32>
    %eq3A_285 = arith.cmpi eq, %get3A_276, %eq3A_284 : vector<1024x1xi32>
    %eq3A_286 = arith.constant 2 : i32
    %eq3A_287 = vector.broadcast %eq3A_286 : i32 to vector<1024x1xi32>
    %eq3A_288 = arith.cmpi eq, %get3A_276, %eq3A_287 : vector<1024x1xi32>
    %or3A = arith.ori %eq3A_285, %eq3A_288 : vector<1024x1xi1>
    %and3A_289 = arith.andi %and3A, %or3A : vector<1024x1xi1>
    %eq3A_290 = arith.constant 1 : i32
    %eq3A_291 = vector.broadcast %eq3A_290 : i32 to vector<1024x1xi32>
    %eq3A_292 = arith.cmpi eq, %get3A_276, %eq3A_291 : vector<1024x1xi32>
    %broadcast_in_dim3A_293 = vector.shape_cast %eq3A_292 : vector<1024x1xi1> to vector<1024x1xi1>
    %broadcast_in_dim3A_294 = vector.broadcast %broadcast_in_dim3A_293 : vector<1024x1xi1> to vector<1024x128xi1>
    %select_n3A = arith.select %broadcast_in_dim3A_294, %add3A_97, %add3A_226 : vector<1024x128xi1>, vector<1024x128xf32>
    %jit3A = arith.constant 1.000000e+00 : f32
    %broadcast_in_dim3A_295 = vector.shape_cast %and3A_289 : vector<1024x1xi1> to vector<1024x1xi1>
    %broadcast_in_dim3A_296 = vector.broadcast %broadcast_in_dim3A_295 : vector<1024x1xi1> to vector<1024x128xi1>
    %broadcast_in_dim3A_297 = vector.broadcast %jit3A : f32 to vector<1024x128xf32>
    %select_n3A_298 = arith.select %broadcast_in_dim3A_296, %select_n3A, %broadcast_in_dim3A_297 : vector<1024x128xi1>, vector<1024x128xf32>
    %broadcast_in_dim3A_299 = vector.shape_cast %eq3A_292 : vector<1024x1xi1> to vector<1024x1xi1>
    %broadcast_in_dim3A_300 = vector.broadcast %broadcast_in_dim3A_299 : vector<1024x1xi1> to vector<1024x128xi1>
    %select_n3A_301 = arith.select %broadcast_in_dim3A_300, %add3A_144, %add3A_273 : vector<1024x128xi1>, vector<1024x128xf32>
    %jit3A_302 = arith.constant 1.000000e+00 : f32
    %broadcast_in_dim3A_303 = vector.shape_cast %and3A_289 : vector<1024x1xi1> to vector<1024x1xi1>
    %broadcast_in_dim3A_304 = vector.broadcast %broadcast_in_dim3A_303 : vector<1024x1xi1> to vector<1024x128xi1>
    %broadcast_in_dim3A_305 = vector.broadcast %jit3A_302 : f32 to vector<1024x128xf32>
    %select_n3A_306 = arith.select %broadcast_in_dim3A_304, %select_n3A_301, %broadcast_in_dim3A_305 : vector<1024x128xi1>, vector<1024x128xf32>
    %swap3A = arith.constant 0 : index
    %swap3A_307 = arith.constant 0 : index
    %swap3A_308 = vector.load %arg37[%swap3A, %swap3A_307] : memref<1024x128xf32, #tpu.memory_space<vmem>>, vector<1024x128xf32>
    tpu.vector_store %arg37[%swap3A, %swap3A_307], %select_n3A_298 {strides = array<i32>} : memref<1024x128xf32, #tpu.memory_space<vmem>>, vector<1024x128xf32>,
    %swap3A_309 = arith.constant 0 : index
    %swap3A_310 = arith.constant 0 : index
    %swap3A_311 = vector.load %arg38[%swap3A_309, %swap3A_310] : memref<1024x128xf32, #tpu.memory_space<vmem>>, vector<1024x128xf32>
    tpu.vector_store %arg38[%swap3A_309, %swap3A_310], %select_n3A_306 {strides = array<i32>} : memref<1024x128xf32, #tpu.memory_space<vmem>>, vector<1024x128xf32>,
    %get3A_312 = arith.constant 0 : index
    %get3A_313 = arith.constant 0 : index
    %get3A_314 = vector.load %arg33[%get3A_312, %get3A_313] : memref<128x128xf32, #tpu.memory_space<vmem>>, vector<128x128xf32>
    %dot_general3A_315 = arith.constant dense<0.000000e+00> : vector<1024x128xf32>
    %dot_general3A_316 = tpu.matmul %select_n3A_306, %get3A_314, %dot_general3A_315 {dimension_numbers = #tpu.dot_dimension_numbers<[1], [0], [0], [1], [0, 0, 1, 1], [], []>, transpose_lhs_hint = false} : vector<1024x128xf32>, vector<128x128xf32>, vector<1024x128xf32> -> vector<1024x128xf32>
    %slice3A_317 = vector.extract_strided_slice %dot_general3A_316 {offsets = [0, 0], sizes = [1024, 1], strides = [1, 1]} : vector<1024x128xf32> to vector<1024x1xf32>
    %get3A_318 = arith.constant 0 : index
    %get3A_319 = arith.constant 0 : index
    %get3A_320 = vector.load %arg35[%get3A_318, %get3A_319] : memref<1x1xf32, #tpu.memory_space<vmem>>, vector<1x1xf32>
    %get3A_321 = vector.extract %get3A_320[0, 0] : f32 from vector<1x1xf32>
    %add3A_322 = vector.broadcast %get3A_321 : f32 to vector<1024x1xf32>
    %add3A_323 = arith.addf %slice3A_317, %add3A_322 : vector<1024x1xf32>
    %logistic3A_324 = arith.negf %add3A_323 : vector<1024x1xf32>
    %logistic3A_325 = math.exp %logistic3A_324 : vector<1024x1xf32>
    %logistic3A_326 = arith.constant 1.000000e+00 : f32
    %logistic3A_327 = vector.broadcast %logistic3A_326 : f32 to vector<1024x1xf32>
    %logistic3A_328 = arith.addf %logistic3A_327, %logistic3A_325 : vector<1024x1xf32>
    %logistic3A_329 = arith.divf %logistic3A_327, %logistic3A_328 : vector<1024x1xf32>
    %swap3A_330 = arith.constant 0 : index
    %swap3A_331 = arith.constant 0 : index
    %swap3A_332 = vector.load %arg39[%swap3A_330, %swap3A_331] : memref<1024x1xf32, #tpu.memory_space<vmem>>, vector<1024x1xf32>
    tpu.vector_store %arg39[%swap3A_330, %swap3A_331], %logistic3A_329 {strides = array<i32>} : memref<1024x1xf32, #tpu.memory_space<vmem>>, vector<1024x1xf32>,
    %get3A_333 = arith.constant 0 : index
    %get3A_334 = arith.constant 0 : index
    %get3A_335 = vector.load %arg34[%get3A_333, %get3A_334] : memref<128x128xf32, #tpu.memory_space<vmem>>, vector<128x128xf32>
    %dot_general3A_336 = arith.constant dense<0.000000e+00> : vector<1024x128xf32>
    %dot_general3A_337 = tpu.matmul %select_n3A_298, %get3A_335, %dot_general3A_336 {dimension_numbers = #tpu.dot_dimension_numbers<[1], [0], [0], [1], [0, 0, 1, 1], [], []>, transpose_lhs_hint = false} : vector<1024x128xf32>, vector<128x128xf32>, vector<1024x128xf32> -> vector<1024x128xf32>
    %slice3A_338 = vector.extract_strided_slice %dot_general3A_337 {offsets = [0, 0], sizes = [1024, 1], strides = [1, 1]} : vector<1024x128xf32> to vector<1024x1xf32>
    %get3A_339 = arith.constant 0 : index
    %get3A_340 = arith.constant 0 : index
    %get3A_341 = vector.load %arg36[%get3A_339, %get3A_340] : memref<1x1xf32, #tpu.memory_space<vmem>>, vector<1x1xf32>
    %get3A_342 = vector.extract %get3A_341[0, 0] : f32 from vector<1x1xf32>
    %add3A_343 = vector.broadcast %get3A_342 : f32 to vector<1024x1xf32>
    %add3A_344 = arith.addf %slice3A_338, %add3A_343 : vector<1024x1xf32>
    %swap3A_345 = arith.constant 0 : index
    %swap3A_346 = arith.constant 0 : index
    %swap3A_347 = vector.load %arg40[%swap3A_345, %swap3A_346] : memref<1024x1xf32, #tpu.memory_space<vmem>>, vector<1024x1xf32>
    tpu.vector_store %arg40[%swap3A_345, %swap3A_346], %add3A_344 {strides = array<i32>} : memref<1024x1xf32, #tpu.memory_space<vmem>>, vector<1024x1xf32>,
    %slice3A_348 = vector.extract_strided_slice %dot_general3A_337 {offsets = [0, 1], sizes = [1024, 1], strides = [1, 1]} : vector<1024x128xf32> to vector<1024x1xf32>
    %swap3A_349 = arith.constant 0 : index
    %swap3A_350 = arith.constant 0 : index
    %swap3A_351 = vector.load %arg41[%swap3A_349, %swap3A_350] : memref<1024x1xf32, #tpu.memory_space<vmem>>, vector<1024x1xf32>
    tpu.vector_store %arg41[%swap3A_349, %swap3A_350], %slice3A_348 {strides = array<i32>} : memref<1024x1xf32, #tpu.memory_space<vmem>>, vector<1024x1xf32>,
    return
  }
  func.func @transform_0(%arg0: i32) -> (i32, i32) {
    %c0_i32 = arith.constant 0 : i32
    %c0_i32_0 = arith.constant 0 : i32
    return %arg0, %c0_i32 : i32, i32
  }
  func.func @transform_1(%arg0: i32) -> (i32, i32) {
    %c0_i32 = arith.constant 0 : i32
    %c0_i32_0 = arith.constant 0 : i32
    return %arg0, %c0_i32 : i32, i32
  }
  func.func @transform_2(%arg0: i32) -> (i32, i32) {
    %c0_i32 = arith.constant 0 : i32
    %c0_i32_0 = arith.constant 0 : i32
    return %arg0, %c0_i32 : i32, i32
  }
  func.func @transform_3(%arg0: i32) -> (i32, i32) {
    %c0_i32 = arith.constant 0 : i32
    %c0_i32_0 = arith.constant 0 : i32
    return %arg0, %c0_i32 : i32, i32
  }
  func.func @transform_4(%arg0: i32) -> (i32, i32) {
    %c0_i32 = arith.constant 0 : i32
    %c0_i32_0 = arith.constant 0 : i32
    return %arg0, %c0_i32 : i32, i32
  }
  func.func @transform_5(%arg0: i32) -> (i32, i32) {
    %c0_i32 = arith.constant 0 : i32
    %c0_i32_0 = arith.constant 0 : i32
    return %arg0, %c0_i32 : i32, i32
  }
  func.func @transform_6(%arg0: i32) -> (i32, i32) {
    %c0_i32 = arith.constant 0 : i32
    %c0_i32_0 = arith.constant 0 : i32
    return %arg0, %c0_i32 : i32, i32
  }
  func.func @transform_7(%arg0: i32) -> (i32, i32) {
    %c0_i32 = arith.constant 0 : i32
    %c0_i32_0 = arith.constant 0 : i32
    return %arg0, %c0_i32 : i32, i32
  }
  func.func @transform_8(%arg0: i32) -> (i32, i32) {
    %c0_i32 = arith.constant 0 : i32
    %c0_i32_0 = arith.constant 0 : i32
    %c0_i32_1 = arith.constant 0 : i32
    return %c0_i32, %c0_i32_0 : i32, i32
  }
  func.func @transform_9(%arg0: i32) -> (i32, i32) {
    %c0_i32 = arith.constant 0 : i32
    %c0_i32_0 = arith.constant 0 : i32
    %c0_i32_1 = arith.constant 0 : i32
    return %c0_i32, %c0_i32_0 : i32, i32
  }
  func.func @transform_10(%arg0: i32) -> (i32, i32) {
    %c0_i32 = arith.constant 0 : i32
    %c0_i32_0 = arith.constant 0 : i32
    %c0_i32_1 = arith.constant 0 : i32
    return %c0_i32, %c0_i32_0 : i32, i32
  }
  func.func @transform_11(%arg0: i32) -> (i32, i32) {
    %c0_i32 = arith.constant 0 : i32
    %c0_i32_0 = arith.constant 0 : i32
    %c0_i32_1 = arith.constant 0 : i32
    return %c0_i32, %c0_i32_0 : i32, i32
  }
  func.func @transform_12(%arg0: i32) -> (i32, i32) {
    %c0_i32 = arith.constant 0 : i32
    %c0_i32_0 = arith.constant 0 : i32
    %c0_i32_1 = arith.constant 0 : i32
    return %c0_i32, %c0_i32_0 : i32, i32
  }
  func.func @transform_13(%arg0: i32) -> (i32, i32) {
    %c0_i32 = arith.constant 0 : i32
    %c0_i32_0 = arith.constant 0 : i32
    %c0_i32_1 = arith.constant 0 : i32
    return %c0_i32, %c0_i32_0 : i32, i32
  }
  func.func @transform_14(%arg0: i32) -> (i32, i32) {
    %c0_i32 = arith.constant 0 : i32
    %c0_i32_0 = arith.constant 0 : i32
    %c0_i32_1 = arith.constant 0 : i32
    return %c0_i32, %c0_i32_0 : i32, i32
  }
  func.func @transform_15(%arg0: i32) -> (i32, i32) {
    %c0_i32 = arith.constant 0 : i32
    %c0_i32_0 = arith.constant 0 : i32
    %c0_i32_1 = arith.constant 0 : i32
    return %c0_i32, %c0_i32_0 : i32, i32
  }
  func.func @transform_16(%arg0: i32) -> (i32, i32) {
    %c0_i32 = arith.constant 0 : i32
    %c0_i32_0 = arith.constant 0 : i32
    %c0_i32_1 = arith.constant 0 : i32
    return %c0_i32, %c0_i32_0 : i32, i32
  }
  func.func @transform_17(%arg0: i32) -> (i32, i32) {
    %c0_i32 = arith.constant 0 : i32
    %c0_i32_0 = arith.constant 0 : i32
    %c0_i32_1 = arith.constant 0 : i32
    return %c0_i32, %c0_i32_0 : i32, i32
  }
  func.func @transform_18(%arg0: i32) -> (i32, i32) {
    %c0_i32 = arith.constant 0 : i32
    %c0_i32_0 = arith.constant 0 : i32
    %c0_i32_1 = arith.constant 0 : i32
    return %c0_i32, %c0_i32_0 : i32, i32
  }
  func.func @transform_19(%arg0: i32) -> (i32, i32) {
    %c0_i32 = arith.constant 0 : i32
    %c0_i32_0 = arith.constant 0 : i32
    %c0_i32_1 = arith.constant 0 : i32
    return %c0_i32, %c0_i32_0 : i32, i32
  }
  func.func @transform_20(%arg0: i32) -> i32 {
    %c0_i32 = arith.constant 0 : i32
    %c0_i32_0 = arith.constant 0 : i32
    return %c0_i32 : i32
  }
  func.func @transform_21(%arg0: i32) -> i32 {
    %c0_i32 = arith.constant 0 : i32
    %c0_i32_0 = arith.constant 0 : i32
    return %c0_i32 : i32
  }
  func.func @transform_22(%arg0: i32) -> i32 {
    %c0_i32 = arith.constant 0 : i32
    %c0_i32_0 = arith.constant 0 : i32
    return %c0_i32 : i32
  }
  func.func @transform_23(%arg0: i32) -> i32 {
    %c0_i32 = arith.constant 0 : i32
    %c0_i32_0 = arith.constant 0 : i32
    return %c0_i32 : i32
  }
  func.func @transform_24(%arg0: i32) -> i32 {
    %c0_i32 = arith.constant 0 : i32
    %c0_i32_0 = arith.constant 0 : i32
    return %c0_i32 : i32
  }
  func.func @transform_25(%arg0: i32) -> i32 {
    %c0_i32 = arith.constant 0 : i32
    %c0_i32_0 = arith.constant 0 : i32
    return %c0_i32 : i32
  }
  func.func @transform_26(%arg0: i32) -> i32 {
    %c0_i32 = arith.constant 0 : i32
    %c0_i32_0 = arith.constant 0 : i32
    return %c0_i32 : i32
  }
  func.func @transform_27(%arg0: i32) -> i32 {
    %c0_i32 = arith.constant 0 : i32
    %c0_i32_0 = arith.constant 0 : i32
    return %c0_i32 : i32
  }
  func.func @transform_28(%arg0: i32) -> i32 {
    %c0_i32 = arith.constant 0 : i32
    %c0_i32_0 = arith.constant 0 : i32
    return %c0_i32 : i32
  }
  func.func @transform_29(%arg0: i32) -> i32 {
    %c0_i32 = arith.constant 0 : i32
    %c0_i32_0 = arith.constant 0 : i32
    return %c0_i32 : i32
  }
  func.func @transform_30(%arg0: i32) -> i32 {
    %c0_i32 = arith.constant 0 : i32
    %c0_i32_0 = arith.constant 0 : i32
    return %c0_i32 : i32
  }
  func.func @transform_31(%arg0: i32) -> i32 {
    %c0_i32 = arith.constant 0 : i32
    %c0_i32_0 = arith.constant 0 : i32
    return %c0_i32 : i32
  }
  func.func @transform_32(%arg0: i32) -> (i32, i32) {
    %c0_i32 = arith.constant 0 : i32
    %c0_i32_0 = arith.constant 0 : i32
    %c0_i32_1 = arith.constant 0 : i32
    return %c0_i32, %c0_i32_0 : i32, i32
  }
  func.func @transform_33(%arg0: i32) -> (i32, i32) {
    %c0_i32 = arith.constant 0 : i32
    %c0_i32_0 = arith.constant 0 : i32
    %c0_i32_1 = arith.constant 0 : i32
    return %c0_i32, %c0_i32_0 : i32, i32
  }
  func.func @transform_34(%arg0: i32) -> (i32, i32) {
    %c0_i32 = arith.constant 0 : i32
    %c0_i32_0 = arith.constant 0 : i32
    %c0_i32_1 = arith.constant 0 : i32
    return %c0_i32, %c0_i32_0 : i32, i32
  }
  func.func @transform_35(%arg0: i32) -> (i32, i32) {
    %c0_i32 = arith.constant 0 : i32
    %c0_i32_0 = arith.constant 0 : i32
    %c0_i32_1 = arith.constant 0 : i32
    return %c0_i32, %c0_i32_0 : i32, i32
  }
  func.func @transform_36(%arg0: i32) -> (i32, i32) {
    %c0_i32 = arith.constant 0 : i32
    %c0_i32_0 = arith.constant 0 : i32
    return %arg0, %c0_i32 : i32, i32
  }
  func.func @transform_37(%arg0: i32) -> (i32, i32) {
    %c0_i32 = arith.constant 0 : i32
    %c0_i32_0 = arith.constant 0 : i32
    return %arg0, %c0_i32 : i32, i32
  }
  func.func @transform_38(%arg0: i32) -> (i32, i32) {
    %c0_i32 = arith.constant 0 : i32
    %c0_i32_0 = arith.constant 0 : i32
    return %arg0, %c0_i32 : i32, i32
  }
  func.func @transform_39(%arg0: i32) -> (i32, i32) {
    %c0_i32 = arith.constant 0 : i32
    %c0_i32_0 = arith.constant 0 : i32
    return %arg0, %c0_i32 : i32, i32
  }
  func.func @transform_40(%arg0: i32) -> (i32, i32) {
    %c0_i32 = arith.constant 0 : i32
    %c0_i32_0 = arith.constant 0 : i32
    return %arg0, %c0_i32 : i32, i32
  }
}

</mosaic_0001>

<sc_bundles>
// kernel: kernel.12.cloned.1.call-start
scs
__scs_entry_jumppad:
0x0: {  	(pc) =	sbr.rel $0x88, $3  }
0x1: {  	(tag) =	ssettag $0x0;
	lr =	simm.s32 $0x1  }
0x2: {  	[smem:$0x3F80] =	sst lr;
	_ =	strace $0xD0000000  }
0x3: {  	_ = 	snop  }
0x4: {  	_ = 	snop  }
0x5: {  	_ = 	snop  }
0x6: {  	_ = 	snop  }
0x7: {  	_ = 	snop  }
__scs_overlays_trampoline_lowered:
0x8: {  	[smem:$0x3F8F] =	sst s0  }
0x9: {  	[smem:$0x3F90] =	sst s1  }
0xa: {  	[smem:$0x3F91] =	sst s2  }
0xb: {  	[smem:$0x3F92] =	sst s3  }
0xc: {  	[smem:$0x3F93] =	sst s4  }
0xd: {  	[smem:$0x3F94] =	sst s5  }
0xe: {  	[smem:$0x3F95] =	sst s6  }
0xf: {  	[smem:$0x3F96] =	sst s7  }
0x10: {  	[smem:$0x3F97] =	sst s8  }
0x11: {  	[smem:$0x3F98] =	sst s9;
	s0 =	simm.s32 @!p0 $0x0  }
0x12: {  	s1 =	sld [smem:$0x3F7E];
	s0 =	simm.s32 @p0 $0x1  }
0x13: {  	[smem:$0x3F99] =	sst s0;
	s0 =	simm.s32 @!p1 $0x0  }
0x14: {  	s2 =	sld [smem:$0x3F7D];
	s0 =	simm.s32 @p1 $0x1  }
0x15: {  	[smem:$0x3F9A] =	sst s0;
	s0 =	simm.s32 @!p2 $0x0  }
0x16: {  	s3 =	sld [smem:$0x3FDB];
	s0 =	simm.s32 @p2 $0x1  }
0x17: {  	s4 =	simm.s32 $0x1BF5;
	[smem:$0x3F9C] =	sst s0  }
0x18: {  	s0 =	sld [smem:$0x3F7F];
	_ =	swait.ge [sflag:s4], $0x0  }
0x19: {  	s7 =	sld [smem:$0x3F80]  }
0x1a: {  	s8 =	sadd.s32 $0xFFFFE003, lr  }
0x1b: {  	s9 =	sadd.s32 $0xFFFFFEF7, lr;
	s5 =	simm.s32 $0xFFFFFFFF;
	p2 =	slt.u32 s8, $0xFFFFF086  }
0x1c: {  	p1 =	slt.u32 s9, $0xF7A;
	s5 =	simm.s32 @!p2 $0x0  }
0x1d: {  	s5 =	simm.s32 @p1 $0x1;
	p0 =	seq.s32 s7, s2  }
0x1e: {  	s7 =	smul.u32 @!p0 $0xF7A, s2;
	p2 =	seq.s32 @!p0 s5, $0x0  }
0x1f: {  	s9 =	smul.u32 $0xF7A, s1;
	s8 =	simm.s32 @!p0 $0x1BF5;
	p2 =	por !p2, p0  }
0x20: {  	[sflag:s8] =	ssyncset.s32 @!p0 $0xFFFFF086;
	s6 =	sadd.s32 @!p0 s3, s7;
	s7 =	simm.s32 @!p0 $0x108  }
0x21: {  	s3 =	sadd.s32 s3, s9;
	s6 =	sadd.s32 @!p0 $0x88, s6;
	s7 =	simm.s32 @p2 $0x1082  }
0x22: {  	[simem:s7], [sflag:s8] =	dma.local @!p0 [hbm:s6], $0xF7A  }
0x23: {  	s9 =	sor.u32 $0xD0000000, s2;
	s6 =	simm.s32 $0x108;
	_ =	swait.ge @!p0 [sflag:s8], $0x0  }
0x24: {  	s3 =	sadd.s32 $0x88, s3;
	s6 =	simm.s32 @!p1 $0x1082;
	[sflag:s4] =	ssyncset.s32 $0xFFFFF086  }
0x25: {  	[simem:s6], [sflag:s4] =	dma.local [hbm:s3], $0xF7A  }
0x26: {  	[smem:$0x3F80] =	sst s1;
	(tag) =	ssettag s2;
	_ =	strace s9  }
0x27: {  	s1 =	sld [smem:$0x3F90]  }
0x28: {  	s2 =	sld [smem:$0x3F91]  }
0x29: {  	s4 =	sld [smem:$0x3F93]  }
0x2a: {  	p0 =	seq.s32 s5, $0x0;
	s5 =	sld [smem:$0x3F94]  }
0x2b: {  	s6 =	sld [smem:$0x3F95]  }
0x2c: {  	s7 =	sld [smem:$0x3F96]  }
0x2d: {  	s3 =	simm.s32 $0x108;
	s8 =	sld [smem:$0x3F97]  }
0x2e: {  	s3 =	simm.s32 @!p0 $0x1082;
	s9 =	sld [smem:$0x3F98]  }
0x2f: {  	lr =	sadd.s32 s0, s3;
	s0 =	sld [smem:$0x3F8F]  }
0x30: {  	s3 =	sld [smem:$0x3F92]  }
0x31: {  	[smem:$0x3F9B] =	sst s10  }
0x32: {  	s10 =	sld [smem:$0x3F99];
	_ =	sdelay $0x3  }
0x33: {  	p0 =	seq.s32 s10, $0x1;
	s10 =	sld [smem:$0x3F9B];
	_ =	sdelay $0x3  }
0x34: {  	[smem:$0x3F9B] =	sst s10  }
0x35: {  	s10 =	sld [smem:$0x3F9A];
	_ =	sdelay $0x3  }
0x36: {  	p1 =	seq.s32 s10, $0x1;
	s10 =	sld [smem:$0x3F9B];
	_ =	sdelay $0x3  }
0x37: {  	[smem:$0x3F9B] =	sst s10  }
0x38: {  	s10 =	sld [smem:$0x3F9C]  }
0x39: {  	_ = 	snop;
	(pc) =	sbr.ind lr, $3  }
0x3a: {  	_ = 	snop  }
0x3b: {  	_ = 	snop  }
0x3c: {  	p2 =	seq.s32 s10, $0x1;
	s10 =	sld [smem:$0x3F9B]  }
0x3d: {  	_ =	shalt  }
0x3e: {  	_ =	shalt  }
0x3f: {  	_ =	shalt  }
0x40: {  	_ =	shalt  }
0x41: {  	_ =	shalt  }
0x42: {  	_ =	shalt  }
0x43: {  	_ =	shalt  }
0x44: {  	_ =	shalt  }
0x45: {  	_ =	shalt  }
0x46: {  	_ =	shalt  }
0x47: {  	_ =	shalt  }
0x48: {  	_ =	shalt  }
0x49: {  	_ =	shalt  }
0x4a: {  	_ =	shalt  }
0x4b: {  	_ =	shalt  }
0x4c: {  	_ =	shalt  }
0x4d: {  	_ =	shalt  }
0x4e: {  	_ =	shalt  }
0x4f: {  	_ =	shalt  }
0x50: {  	_ =	shalt  }
0x51: {  	_ =	shalt  }
0x52: {  	_ =	shalt  }
0x53: {  	_ =	shalt  }
0x54: {  	_ =	shalt  }
0x55: {  	_ =	shalt  }
0x56: {  	_ =	shalt  }
0x57: {  	_ =	shalt  }
0x58: {  	_ =	shalt  }
0x59: {  	_ =	shalt  }
0x5a: {  	_ =	shalt  }
0x5b: {  	_ =	shalt  }
0x5c: {  	_ =	shalt  }
0x5d: {  	_ =	shalt  }
0x5e: {  	_ =	shalt  }
0x5f: {  	_ =	shalt  }
0x60: {  	_ =	shalt  }
0x61: {  	_ =	shalt  }
0x62: {  	_ =	shalt  }
0x63: {  	_ =	shalt  }
0x64: {  	_ =	shalt  }
0x65: {  	_ =	shalt  }
0x66: {  	_ =	shalt  }
0x67: {  	_ =	shalt  }
0x68: {  	_ =	shalt  }
0x69: {  	_ =	shalt  }
0x6a: {  	_ =	shalt  }
0x6b: {  	_ =	shalt  }
0x6c: {  	_ =	shalt  }
0x6d: {  	_ =	shalt  }
0x6e: {  	_ =	shalt  }
0x6f: {  	_ =	shalt  }
0x70: {  	_ =	shalt  }
0x71: {  	_ =	shalt  }
0x72: {  	_ =	shalt  }
0x73: {  	_ =	shalt  }
0x74: {  	_ =	shalt  }
0x75: {  	_ =	shalt  }
0x76: {  	_ =	shalt  }
0x77: {  	_ =	shalt  }
0x78: {  	_ =	shalt  }
0x79: {  	_ =	shalt  }
0x7a: {  	_ =	shalt  }
0x7b: {  	_ =	shalt  }
0x7c: {  	_ =	shalt  }
0x7d: {  	_ =	shalt  }
0x7e: {  	_ =	shalt  }
0x7f: {  	_ =	shalt  }
0x80: {  	_ =	shalt  }
0x81: {  	_ =	shalt  }
0x82: {  	_ =	shalt  }
0x83: {  	_ =	shalt  }
0x84: {  	_ =	shalt  }
0x85: {  	_ =	shalt  }
0x86: {  	_ =	shalt  }
0x87: {  	_ =	shalt  }
.Lfunc_end0:
.L_simem_size_0:
called_computation.2_lowered:
.L_overlay_start_0:
0x88: {  	s2 =	sld [smem:$0x3FD9]  }
0x89: {  	s3 =	sld [smem:$0x3FFE];
	_ =	sdelay $0x1  }
0x8a: {  	s1 =	srdreg.scid  }
0x8b: {  	s0 =	sand.u32 $0x1, s1  }
0x8c: {  	s14 =	sshll.u32 s0, $0xA;
	s2 =	sadd.s32 s3, s2  }
0x8d: {  	s2 =	sadd.s32 s2, s14  }
0x8e: {  	[smem:$0x3FA7] =	sst s2  }
0x8f: {  	_ = 	snop  }
0x90: {  	s2 =	sld [smem:$0x3FD0];
	_ =	sdelay $0x2  }
0x91: {  	s15 =	simm.s32 $0xA;
	s4 =	simm.s32 $0x10  }
0x92: {  	[smem:s4], [sflag:s15] =	dma.local [hbm:s2], $0x1  }
0x93: {  	_ =	swait.eq [sflag:s15], $0x1  }
0x94: {  	[sflag:s15] =	ssyncset.done $0x0  }
0x95: {  	[sflag:s15] =	ssyncadd.s32 $0xFFFFFFFF  }
0x96: {  	s16 =	sld [smem:$0x13];
	(tm) =	ssettm $0x1  }
0x97: {  	s17 =	sld [smem:$0x3FFB];
	_ =	sdelay $0x3  }
0x98: {  	_ =	strace s17  }
0x99: {  	s3 =	sld [smem:$0x3FFC];
	_ =	sdelay $0x3  }
0x9a: {  	_ =	strace s3  }
0x9b: {  	s3 =	sld [smem:$0x3FFD];
	_ =	sdelay $0x3  }
0x9c: {  	_ =	strace s3  }
0x9d: {  	_ =	strace $0x8FFFFFFF  }
0x9e: {  	s18 =	sld [smem:$0x3FDB];
	_ =	sdelay $0x1  }
0x9f: {  	s19 =	simm.s32 $_scs_section_size  }
0xa0: {  	s5 =	simm.s32 $_size__tile_overlayer_lowered;
	s6 =	simm.s32 $_tile_overlayer_lowered  }
0xa1: {  	s22 =	simm.s32 $0x1BFF;
	s21 =	sshll.u32 s6, $0x1;
	s3 =	sadd.s32 s19, s18  }
0xa2: {  	s7 =	simm.s32 $0x0;
	s20 =	sshll.u32 s5, $0x1;
	s5 =	sadd.s32 s21, s3  }
0xa3: {  	[timem:s7], [sflag:s22] =	dma.local [hbm:s5], s20  }
0xa4: {  	_ =	swait.ge [sflag:s22], s20  }
0xa5: {  	s4 =	ssub.s32 $0x0, s20;
	[sflag:s22] =	ssyncset.done $0x0  }
0xa6: {  	[sflag:s22] =	ssyncadd.s32 s4;
	_ =	sdelay $0x1  }
0xa7: {  	s23 =	simm.s32 $0x1B8B  }
0xa8: {  	_ =	swait.ge [sflag:s23], $0x1  }
0xa9: {  	[sflag:s23] =	ssyncset.done $0x0  }
0xaa: {  	s25 =	simm.s32 $0x1B8E;
	s24 =	sld [smem:$0x3FFE];
	[sflag:s23] =	ssyncadd.s32 $0xFFFFFFFF  }
0xab: {  	s26 =	simm.s32 $execute0_lowered;
	[smem:$0x3FD2] =	sst s25  }
0xac: {  	s5 =	sshll.u32 s26, $0x1;
	_ =	strace $0x8000004C;
	[dreg:$0x1] =	wrdreg $0xFFFFFFFF  }
0xad: {  	s28 =	simm.s32 $_size_execute0_lowered;
	s3 =	sadd.s32 s3, s5;
	[dreg:$0x0] =	wrdreg $0x0  }
0xae: {  	s5 =	sshll.u32 s28, $0x1;
	[dreg:$0x2] =	wrdreg s3  }
0xaf: {  	[dreg:$0x3] =	wrdreg s5  }
0xb0: {  	[dreg:$0x4] =	wrdreg $0xC0  }
0xb1: {  	_ =	task [dreg:s7], $0x5FFFF  }
0xb2: {  	[dreg:$0x1] =	wrdreg $0xFFFFFFFF  }
0xb3: {  	[dreg:$0x0] =	wrdreg $0x60  }
0xb4: {  	[dreg:$0x2] =	wrdreg s24  }
0xb5: {  	[dreg:$0x3] =	wrdreg s16  }
0xb6: {  	[dreg:$0x4] =	wrdreg $0x9  }
0xb7: {  	_ =	task.clear_ibuf [dreg:s7], $0x5FFFF;
	_ =	strace $0x9000004C  }
0xb8: {  	s29 =	simm.s32 $0x9;
	_ =	strace $0x8000004E  }
0xb9: {  	_ =	swait.ge [sflag:s29], $0x1  }
0xba: {  	[sflag:s29] =	ssyncadd.s32 $0xFFFFFFFF  }
0xbb: {  	_ =	strace $0x9000004E  }
0xbc: {  	_ =	sfence  }
0xbd: {  	s30 =	sld [smem:$0x0];
	_ =	sdelay $0x2  }
0xbe: {  	s31 =	sshll.u32 s1, $0xD;
	s1 =	sshrl.u32 s1, $0x2  }
0xbf: {  	s3 =	sand.u32 $0x4000, s31;
	s1 =	sadd.s32 s1, s30  }
0xc0: {  	s0 =	sor.u32 s3, s0;
	s1 =	sshll.u32 s1, $0x11  }
0xc1: {  	s0 =	sor.u32 s1, s0  }
0xc2: {  	s0 =	sadd.s32 $0x8F2B, s0  }
0xc3: {  	[sflag:s0] =	ssyncadd.remote.s32 $0x1  }
0xc4: {  	_ =	sfence.sel $0xFFFF  }
0xc5: {  	[dreg:$0x0] =	wrdreg $0xFFFFFFFF;
	(pc) =	sbr.abs _section_cstart, $3  }
0xc6: {  	[dreg:$0x1] =	wrdreg $0xFFFFFFFF  }
0xc7: {  	_ =	task.clear_ibuf [dreg:s7], $0x2FFFF;
	_ =	strace $0x9FFFFFFF  }
0xc8: {  	(tm) =	ssettm $0x7FFFFFFF  }
0xc9: {  	_ =	shalt  }
tec
execute0_lowered:
.L_overlay_start_1:
0x0: {  	(tag) =	ssettag $0x1  }
0x1: {  	s5 =	rddreg [dreg:$0x0]  }
0x2: {  	s7 =	rddreg [dreg:$0x1]  }
0x3: {  	s0 =	rddreg [dreg:$0x2]  }
0x4: {  	s2 =	simm.s32 $0x0;
	s3 =	srdreg.scid;
	s1 =	stileid.u32  }
0x5: {  	s11 =	simm.s32 $0x5000;
	s12 =	simm.s32 $0x5080;
	s13 =	simm.s32 $0x5100  }
0x6: {  	[smem:$0x7FF] =	sst s2;
	s3 =	sand.u32 $0x1, s3;
	s4 =	sshll.u32 s1, $0x5  }
0x7: {  	_ =	strace $0x8000004D;
	s6 =	sshll.u32 s3, $0x4;
	s8 =	ssub.s32 $0x2, s3  }
0x8: {  	s3 =	sadd.s32 $0x4C00, s5;
	s9 =	sor.u32 s6, s4;
	s31 =	sshrl.u32 s8, $0x1  }
0x9: {  	s4 =	sadd.s32 $0x5C00, s5;
	s10 =	sadd.s32 s9, s5;
	s8 =	ssub.s32 s8, s31  }
0xa: {  	s7 =	sadd.s32 s7, s9;
	s9 =	simm.s32 $0x1;
	s5 =	sadd.s32 $0x5A00, s10  }
0xb: {  	s6 =	sadd.s32 $0x5800, s10;
	s8 =	smax.u32 s8, $0x1;
	s10 =	simm.s32 $0x2800  }
.LBB2_1:
0xc: {  	[tilespmem:s2], [sflag:$0x1] =	stream.linear.gather [hbm4b:s3+s2], $0x2800, $0x38;
	[tilespmem:$0x5180] =	vst v63  }
0xd: {  	_ =	swait.ge [sflag:s9], $0x2800  }
0xe: {  	[sflag:s9] =	ssyncset.done $0x0  }
0xf: {  	[sflag:s9] =	ssyncadd.s32 $0xFFFFD800  }
0x10: {  	[tilespmem:s10], [sflag:$0x1] =	stream.linear.gather [hbm4b:s4+s2], $0x2800, $0x38;
	[tilespmem:$0x5180] =	vst v63  }
0x11: {  	_ =	swait.ge [sflag:s9], $0x2800  }
0x12: {  	[sflag:s9] =	ssyncset.done $0x0  }
0x13: {  	[sflag:s9] =	ssyncadd.s32 $0xFFFFD800  }
0x14: {  	[tilespmem:s11], [sflag:$0x1] =	stream.linear.gather [hbm4b:s5+s2], $0x80, $0x38;
	[tilespmem:$0x5180] =	vst v63  }
0x15: {  	_ =	swait.ge [sflag:s9], $0x80  }
0x16: {  	[sflag:s9] =	ssyncset.done $0x0  }
0x17: {  	[sflag:s9] =	ssyncadd.s32 $0xFFFFFF80  }
0x18: {  	[tilespmem:s12], [sflag:$0x1] =	stream.linear.gather [hbm4b:s6+s2], $0x80, $0x38;
	[tilespmem:$0x5180] =	vst v63  }
0x19: {  	_ =	swait.ge [sflag:s9], $0x80  }
0x1a: {  	[sflag:s9] =	ssyncset.done $0x0  }
0x1b: {  	[sflag:s9] =	ssyncadd.s32 $0xFFFFFF80  }
0x1c: {  	v0 =	vld [tilespmem:$0x5000]  }
0x1d: {  	v1 =	vld [tilespmem:$0x5080];
	_ =	sdelay $0x6  }
0x1e: {  	v0 =	vld.idx.msk [tilespmem:v0+s2+$0x0], $0xffff  }
0x1f: {  	v1 =	vld.idx.msk [tilespmem:v1+s10+$0x0], $0xffff;
	_ =	sdelay $0x4  }
0x20: {  	v0 =	vadd.f32 v1, v0;
	_ =	sdelay $0x1  }
0x21: {  	v0 =	vsub.f32 $0.0e+00, v0;
	_ =	sdelay $0x1  }
0x22: {  	v0 =	vmul.f32 $1.442695020e+00, v0;
	_ =	sdelay $0x1  }
0x23: {  	(erf) = vpow2.f32 v0;
	_ =	sdelay $0x8  }
0x24: {  	v0 =	vpop (erf)  }
0x25: {  	v0 =	vadd.f32 $1.000000000e+00, v0;
	_ =	sdelay $0x1  }
0x26: {  	(erf) = vrcp.f32 v0;
	_ =	sdelay $0x2  }
0x27: {  	v44 =	vld [tilespmem:$0x5010]  }
0x28: {  	v45 =	vld [tilespmem:$0x5090];
	_ =	sdelay $0x4  }
0x29: {  	v2 =	vpop (erf)  }
0x2a: {  	[tilespmem:$0x5100] =	vst v2  }
0x2b: {  	v0 =	vld.idx.msk [tilespmem:v44+s2+$0x0], $0xffff  }
0x2c: {  	v1 =	vld.idx.msk [tilespmem:v45+s10+$0x0], $0xffff;
	_ =	sdelay $0x4  }
0x2d: {  	v0 =	vadd.f32 v1, v0;
	_ =	sdelay $0x1  }
0x2e: {  	v0 =	vsub.f32 $0.0e+00, v0;
	_ =	sdelay $0x1  }
0x2f: {  	v0 =	vmul.f32 $1.442695020e+00, v0;
	_ =	sdelay $0x1  }
0x30: {  	(erf) = vpow2.f32 v0;
	_ =	sdelay $0x8  }
0x31: {  	v0 =	vpop (erf)  }
0x32: {  	v0 =	vadd.f32 $1.000000000e+00, v0;
	_ =	sdelay $0x1  }
0x33: {  	(erf) = vrcp.f32 v0;
	_ =	sdelay $0x2  }
0x34: {  	v46 =	vld [tilespmem:$0x5020]  }
0x35: {  	v47 =	vld [tilespmem:$0x50A0];
	_ =	sdelay $0x4  }
0x36: {  	v48 =	vpop (erf)  }
0x37: {  	[tilespmem:$0x5110] =	vst v48  }
0x38: {  	v0 =	vld.idx.msk [tilespmem:v46+s2+$0x0], $0xffff  }
0x39: {  	v1 =	vld.idx.msk [tilespmem:v47+s10+$0x0], $0xffff;
	_ =	sdelay $0x4  }
0x3a: {  	v0 =	vadd.f32 v1, v0;
	_ =	sdelay $0x1  }
0x3b: {  	v0 =	vsub.f32 $0.0e+00, v0;
	_ =	sdelay $0x1  }
0x3c: {  	v0 =	vmul.f32 $1.442695020e+00, v0;
	_ =	sdelay $0x1  }
0x3d: {  	(erf) = vpow2.f32 v0;
	_ =	sdelay $0x8  }
0x3e: {  	v0 =	vpop (erf)  }
0x3f: {  	v0 =	vadd.f32 $1.000000000e+00, v0;
	_ =	sdelay $0x1  }
0x40: {  	(erf) = vrcp.f32 v0;
	_ =	sdelay $0x2  }
0x41: {  	v49 =	vld [tilespmem:$0x5030]  }
0x42: {  	v50 =	vld [tilespmem:$0x50B0];
	_ =	sdelay $0x4  }
0x43: {  	v51 =	vpop (erf)  }
0x44: {  	[tilespmem:$0x5120] =	vst v51  }
0x45: {  	v0 =	vld.idx.msk [tilespmem:v49+s2+$0x0], $0xffff  }
0x46: {  	v1 =	vld.idx.msk [tilespmem:v50+s10+$0x0], $0xffff;
	_ =	sdelay $0x4  }
0x47: {  	v0 =	vadd.f32 v1, v0;
	_ =	sdelay $0x1  }
0x48: {  	v0 =	vsub.f32 $0.0e+00, v0;
	_ =	sdelay $0x1  }
0x49: {  	v0 =	vmul.f32 $1.442695020e+00, v0;
	_ =	sdelay $0x1  }
0x4a: {  	(erf) = vpow2.f32 v0;
	_ =	sdelay $0x8  }
0x4b: {  	v0 =	vpop (erf)  }
0x4c: {  	v0 =	vadd.f32 $1.000000000e+00, v0;
	_ =	sdelay $0x1  }
0x4d: {  	(erf) = vrcp.f32 v0;
	_ =	sdelay $0x2  }
0x4e: {  	v52 =	vld [tilespmem:$0x5040]  }
0x4f: {  	v53 =	vld [tilespmem:$0x50C0];
	_ =	sdelay $0x4  }
0x50: {  	v54 =	vpop (erf)  }
0x51: {  	[tilespmem:$0x5130] =	vst v54  }
0x52: {  	v0 =	vld.idx.msk [tilespmem:v52+s2+$0x0], $0xffff  }
0x53: {  	v1 =	vld.idx.msk [tilespmem:v53+s10+$0x0], $0xffff;
	_ =	sdelay $0x4  }
0x54: {  	v0 =	vadd.f32 v1, v0;
	_ =	sdelay $0x1  }
0x55: {  	v0 =	vsub.f32 $0.0e+00, v0;
	_ =	sdelay $0x1  }
0x56: {  	v0 =	vmul.f32 $1.442695020e+00, v0;
	_ =	sdelay $0x1  }
0x57: {  	(erf) = vpow2.f32 v0;
	_ =	sdelay $0x8  }
0x58: {  	v0 =	vpop (erf)  }
0x59: {  	v0 =	vadd.f32 $1.000000000e+00, v0;
	_ =	sdelay $0x1  }
0x5a: {  	(erf) = vrcp.f32 v0;
	_ =	sdelay $0x2  }
0x5b: {  	v55 =	vld [tilespmem:$0x5050]  }
0x5c: {  	v56 =	vld [tilespmem:$0x50D0];
	_ =	sdelay $0x4  }
0x5d: {  	v57 =	vpop (erf)  }
0x5e: {  	[tilespmem:$0x5140] =	vst v57  }
0x5f: {  	v0 =	vld.idx.msk [tilespmem:v55+s2+$0x0], $0xffff  }
0x60: {  	v1 =	vld.idx.msk [tilespmem:v56+s10+$0x0], $0xffff;
	_ =	sdelay $0x4  }
0x61: {  	v0 =	vadd.f32 v1, v0;
	_ =	sdelay $0x1  }
0x62: {  	v0 =	vsub.f32 $0.0e+00, v0;
	_ =	sdelay $0x1  }
0x63: {  	v0 =	vmul.f32 $1.442695020e+00, v0;
	_ =	sdelay $0x1  }
0x64: {  	(erf) = vpow2.f32 v0;
	_ =	sdelay $0x8  }
0x65: {  	v0 =	vpop (erf)  }
0x66: {  	v0 =	vadd.f32 $1.000000000e+00, v0;
	_ =	sdelay $0x1  }
0x67: {  	(erf) = vrcp.f32 v0;
	_ =	sdelay $0x2  }
0x68: {  	v58 =	vld [tilespmem:$0x5060]  }
0x69: {  	v59 =	vld [tilespmem:$0x50E0];
	_ =	sdelay $0x4  }
0x6a: {  	v60 =	vpop (erf)  }
0x6b: {  	[tilespmem:$0x5150] =	vst v60  }
0x6c: {  	v0 =	vld.idx.msk [tilespmem:v58+s2+$0x0], $0xffff  }
0x6d: {  	v1 =	vld.idx.msk [tilespmem:v59+s10+$0x0], $0xffff;
	_ =	sdelay $0x4  }
0x6e: {  	v0 =	vadd.f32 v1, v0;
	_ =	sdelay $0x1  }
0x6f: {  	v0 =	vsub.f32 $0.0e+00, v0;
	_ =	sdelay $0x1  }
0x70: {  	v0 =	vmul.f32 $1.442695020e+00, v0;
	_ =	sdelay $0x1  }
0x71: {  	(erf) = vpow2.f32 v0;
	_ =	sdelay $0x8  }
0x72: {  	v0 =	vpop (erf)  }
0x73: {  	v0 =	vadd.f32 $1.000000000e+00, v0;
	_ =	sdelay $0x1  }
0x74: {  	(erf) = vrcp.f32 v0;
	_ =	sdelay $0x2  }
0x75: {  	v61 =	vld [tilespmem:$0x5070]  }
0x76: {  	v62 =	vld [tilespmem:$0x50F0];
	_ =	sdelay $0x4  }
0x77: {  	v63 =	vpop (erf)  }
0x78: {  	[tilespmem:$0x5160] =	vst v63  }
0x79: {  	v0 =	vld.idx.msk [tilespmem:v61+s2+$0x0], $0xffff  }
0x7a: {  	v1 =	vld.idx.msk [tilespmem:v62+s10+$0x0], $0xffff;
	_ =	sdelay $0x4  }
0x7b: {  	v0 =	vadd.f32 v1, v0;
	_ =	sdelay $0x1  }
0x7c: {  	v0 =	vsub.f32 $0.0e+00, v0;
	_ =	sdelay $0x1  }
0x7d: {  	v0 =	vmul.f32 $1.442695020e+00, v0;
	_ =	sdelay $0x1  }
0x7e: {  	(erf) = vpow2.f32 v0;
	_ =	sdelay $0x8  }
0x7f: {  	v0 =	vpop (erf)  }
0x80: {  	v0 =	vadd.f32 $1.000000000e+00, v0;
	_ =	sdelay $0x1  }
0x81: {  	(erf) = vrcp.f32 v0;
	_ =	sdelay $0x8  }
0x82: {  	p0 =	sne.s32 s8, $0x1;
	v0 =	vpop (erf)  }
.Ltmp0:
0x83: {  	[tilespmem:$0x5170] =	vst v0;
	(pc) =	sbr.rel @p0 .LBB2_1-.Ltmp0, $4  }
0x84: {  	[hbm4b:s7+s2] =	stream.linear.scatter [tilespmem:s13], [sflag:$0x1], $0x80, $0x38;
	[tilespmem:$0x5180] =	vst v63  }
0x85: {  	_ =	swait.ge [sflag:s9], $0x80  }
0x86: {  	[sflag:s9] =	ssyncset.done $0x0  }
0x87: {  	s8 =	sadd.s32 $0xFFFFFFFF, s8;
	[sflag:s9] =	ssyncadd.s32 $0xFFFFFF80  }
0x88: {  	_ =	sfence.sel $0x180000  }
0x89: {  	[bflag:$0x0] =	sbarrier.arrive $0xFFFF  }
0x8a: {  	p0 =	sne.s32 s1, $0x0;
	_ =	strace $0x9000004D  }
0x8b: {  	s0 =	sadd.s32 @!p0 $0x100000, s0;
	[bflag:$0x2] =	sbarrier.arrive $0xFFFF  }
0x8c: {  	[sflag:s0] =	ssyncadd.tile.s32 @!p0 $0x1;
	_ =	shalt  }
.Lfunc_end2:
_tile_overlayer_lowered:
.L_overlay_start_2:
0x8d: {  	(tag) =	ssettag $0x2  }
0x8e: {  	s0 =	rddreg [dreg:$0x0];
	s2 =	stileid.u32  }
0x8f: {  	s1 =	rddreg [dreg:$0x1];
	p0 =	sne.s32 s2, $0x0  }
0x90: {  	s3 =	rddreg [dreg:$0x2];
	[bflag:$0x3] =	sbarrier.arrive $0xFFFF;
	s2 =	simm.s32 @!p0 $0x1C01  }
0x91: {  	[timem:s3], [sflag:s2] =	dma.local @!p0 [hbm:s0], s1  }
0x92: {  	s0 =	simm.s32 @!p0 $0x1  }
0x93: {  	_ =	swait.ge @!p0 [sflag:s0], s1  }
0x94: {  	s1 =	ssub.s32 @!p0 $0x0, s1;
	[sflag:s0] =	ssyncset.done @!p0 $0x0  }
0x95: {  	[sflag:s0] =	ssyncadd.s32 @!p0 s1  }
0x96: {  	[bflag:$0x3] =	sbarrier.arrive $0xFFFF  }
0x97: {  	_ =	shalt  }

// kernel: kernel.6.cloned.1.call-start
scs
__scs_entry_jumppad:
0x0: {  	(pc) =	sbr.rel $0x88, $3  }
0x1: {  	(tag) =	ssettag $0x0;
	lr =	simm.s32 $0x1  }
0x2: {  	[smem:$0x3F80] =	sst lr;
	_ =	strace $0xD0000000  }
0x3: {  	_ = 	snop  }
0x4: {  	_ = 	snop  }
0x5: {  	_ = 	snop  }
0x6: {  	_ = 	snop  }
0x7: {  	_ = 	snop  }
__scs_overlays_trampoline_lowered:
0x8: {  	[smem:$0x3F8F] =	sst s0  }
0x9: {  	[smem:$0x3F90] =	sst s1  }
0xa: {  	[smem:$0x3F91] =	sst s2  }
0xb: {  	[smem:$0x3F92] =	sst s3  }
0xc: {  	[smem:$0x3F93] =	sst s4  }
0xd: {  	[smem:$0x3F94] =	sst s5  }
0xe: {  	[smem:$0x3F95] =	sst s6  }
0xf: {  	[smem:$0x3F96] =	sst s7  }
0x10: {  	[smem:$0x3F97] =	sst s8  }
0x11: {  	[smem:$0x3F98] =	sst s9;
	s0 =	simm.s32 @!p0 $0x0  }
0x12: {  	s1 =	sld [smem:$0x3F7E];
	s0 =	simm.s32 @p0 $0x1  }
0x13: {  	[smem:$0x3F99] =	sst s0;
	s0 =	simm.s32 @!p1 $0x0  }
0x14: {  	s2 =	sld [smem:$0x3F7D];
	s0 =	simm.s32 @p1 $0x1  }
0x15: {  	[smem:$0x3F9A] =	sst s0;
	s0 =	simm.s32 @!p2 $0x0  }
0x16: {  	s3 =	sld [smem:$0x3FDB];
	s0 =	simm.s32 @p2 $0x1  }
0x17: {  	s4 =	simm.s32 $0x1BF5;
	[smem:$0x3F9C] =	sst s0  }
0x18: {  	s0 =	sld [smem:$0x3F7F];
	_ =	swait.ge [sflag:s4], $0x0  }
0x19: {  	s7 =	sld [smem:$0x3F80]  }
0x1a: {  	s8 =	sadd.s32 $0xFFFFE003, lr  }
0x1b: {  	s9 =	sadd.s32 $0xFFFFFEF7, lr;
	s5 =	simm.s32 $0xFFFFFFFF;
	p2 =	slt.u32 s8, $0xFFFFF086  }
0x1c: {  	p1 =	slt.u32 s9, $0xF7A;
	s5 =	simm.s32 @!p2 $0x0  }
0x1d: {  	s5 =	simm.s32 @p1 $0x1;
	p0 =	seq.s32 s7, s2  }
0x1e: {  	s7 =	smul.u32 @!p0 $0xF7A, s2;
	p2 =	seq.s32 @!p0 s5, $0x0  }
0x1f: {  	s9 =	smul.u32 $0xF7A, s1;
	s8 =	simm.s32 @!p0 $0x1BF5;
	p2 =	por !p2, p0  }
0x20: {  	[sflag:s8] =	ssyncset.s32 @!p0 $0xFFFFF086;
	s6 =	sadd.s32 @!p0 s3, s7;
	s7 =	simm.s32 @!p0 $0x108  }
0x21: {  	s3 =	sadd.s32 s3, s9;
	s6 =	sadd.s32 @!p0 $0x88, s6;
	s7 =	simm.s32 @p2 $0x1082  }
0x22: {  	[simem:s7], [sflag:s8] =	dma.local @!p0 [hbm:s6], $0xF7A  }
0x23: {  	s9 =	sor.u32 $0xD0000000, s2;
	s6 =	simm.s32 $0x108;
	_ =	swait.ge @!p0 [sflag:s8], $0x0  }
0x24: {  	s3 =	sadd.s32 $0x88, s3;
	s6 =	simm.s32 @!p1 $0x1082;
	[sflag:s4] =	ssyncset.s32 $0xFFFFF086  }
0x25: {  	[simem:s6], [sflag:s4] =	dma.local [hbm:s3], $0xF7A  }
0x26: {  	[smem:$0x3F80] =	sst s1;
	(tag) =	ssettag s2;
	_ =	strace s9  }
0x27: {  	s1 =	sld [smem:$0x3F90]  }
0x28: {  	s2 =	sld [smem:$0x3F91]  }
0x29: {  	s4 =	sld [smem:$0x3F93]  }
0x2a: {  	p0 =	seq.s32 s5, $0x0;
	s5 =	sld [smem:$0x3F94]  }
0x2b: {  	s6 =	sld [smem:$0x3F95]  }
0x2c: {  	s7 =	sld [smem:$0x3F96]  }
0x2d: {  	s3 =	simm.s32 $0x108;
	s8 =	sld [smem:$0x3F97]  }
0x2e: {  	s3 =	simm.s32 @!p0 $0x1082;
	s9 =	sld [smem:$0x3F98]  }
0x2f: {  	lr =	sadd.s32 s0, s3;
	s0 =	sld [smem:$0x3F8F]  }
0x30: {  	s3 =	sld [smem:$0x3F92]  }
0x31: {  	[smem:$0x3F9B] =	sst s10  }
0x32: {  	s10 =	sld [smem:$0x3F99];
	_ =	sdelay $0x3  }
0x33: {  	p0 =	seq.s32 s10, $0x1;
	s10 =	sld [smem:$0x3F9B];
	_ =	sdelay $0x3  }
0x34: {  	[smem:$0x3F9B] =	sst s10  }
0x35: {  	s10 =	sld [smem:$0x3F9A];
	_ =	sdelay $0x3  }
0x36: {  	p1 =	seq.s32 s10, $0x1;
	s10 =	sld [smem:$0x3F9B];
	_ =	sdelay $0x3  }
0x37: {  	[smem:$0x3F9B] =	sst s10  }
0x38: {  	s10 =	sld [smem:$0x3F9C]  }
0x39: {  	_ = 	snop;
	(pc) =	sbr.ind lr, $3  }
0x3a: {  	_ = 	snop  }
0x3b: {  	_ = 	snop  }
0x3c: {  	p2 =	seq.s32 s10, $0x1;
	s10 =	sld [smem:$0x3F9B]  }
0x3d: {  	_ =	shalt  }
0x3e: {  	_ =	shalt  }
0x3f: {  	_ =	shalt  }
0x40: {  	_ =	shalt  }
0x41: {  	_ =	shalt  }
0x42: {  	_ =	shalt  }
0x43: {  	_ =	shalt  }
0x44: {  	_ =	shalt  }
0x45: {  	_ =	shalt  }
0x46: {  	_ =	shalt  }
0x47: {  	_ =	shalt  }
0x48: {  	_ =	shalt  }
0x49: {  	_ =	shalt  }
0x4a: {  	_ =	shalt  }
0x4b: {  	_ =	shalt  }
0x4c: {  	_ =	shalt  }
0x4d: {  	_ =	shalt  }
0x4e: {  	_ =	shalt  }
0x4f: {  	_ =	shalt  }
0x50: {  	_ =	shalt  }
0x51: {  	_ =	shalt  }
0x52: {  	_ =	shalt  }
0x53: {  	_ =	shalt  }
0x54: {  	_ =	shalt  }
0x55: {  	_ =	shalt  }
0x56: {  	_ =	shalt  }
0x57: {  	_ =	shalt  }
0x58: {  	_ =	shalt  }
0x59: {  	_ =	shalt  }
0x5a: {  	_ =	shalt  }
0x5b: {  	_ =	shalt  }
0x5c: {  	_ =	shalt  }
0x5d: {  	_ =	shalt  }
0x5e: {  	_ =	shalt  }
0x5f: {  	_ =	shalt  }
0x60: {  	_ =	shalt  }
0x61: {  	_ =	shalt  }
0x62: {  	_ =	shalt  }
0x63: {  	_ =	shalt  }
0x64: {  	_ =	shalt  }
0x65: {  	_ =	shalt  }
0x66: {  	_ =	shalt  }
0x67: {  	_ =	shalt  }
0x68: {  	_ =	shalt  }
0x69: {  	_ =	shalt  }
0x6a: {  	_ =	shalt  }
0x6b: {  	_ =	shalt  }
0x6c: {  	_ =	shalt  }
0x6d: {  	_ =	shalt  }
0x6e: {  	_ =	shalt  }
0x6f: {  	_ =	shalt  }
0x70: {  	_ =	shalt  }
0x71: {  	_ =	shalt  }
0x72: {  	_ =	shalt  }
0x73: {  	_ =	shalt  }
0x74: {  	_ =	shalt  }
0x75: {  	_ =	shalt  }
0x76: {  	_ =	shalt  }
0x77: {  	_ =	shalt  }
0x78: {  	_ =	shalt  }
0x79: {  	_ =	shalt  }
0x7a: {  	_ =	shalt  }
0x7b: {  	_ =	shalt  }
0x7c: {  	_ =	shalt  }
0x7d: {  	_ =	shalt  }
0x7e: {  	_ =	shalt  }
0x7f: {  	_ =	shalt  }
0x80: {  	_ =	shalt  }
0x81: {  	_ =	shalt  }
0x82: {  	_ =	shalt  }
0x83: {  	_ =	shalt  }
0x84: {  	_ =	shalt  }
0x85: {  	_ =	shalt  }
0x86: {  	_ =	shalt  }
0x87: {  	_ =	shalt  }
.Lfunc_end0:
.L_simem_size_0:
called_computation_lowered:
.L_overlay_start_0:
0x88: {  	s2 =	sld [smem:$0x3FD9]  }
0x89: {  	s3 =	sld [smem:$0x3FFE];
	_ =	sdelay $0x1  }
0x8a: {  	s1 =	srdreg.scid  }
0x8b: {  	s0 =	sand.u32 $0x1, s1  }
0x8c: {  	s14 =	sshll.u32 s0, $0xA;
	s2 =	sadd.s32 s3, s2  }
0x8d: {  	s2 =	sadd.s32 s2, s14  }
0x8e: {  	[smem:$0x3FA7] =	sst s2  }
0x8f: {  	_ = 	snop  }
0x90: {  	s2 =	sld [smem:$0x3FD0];
	_ =	sdelay $0x1  }
0x91: {  	s15 =	sld [smem:$0x3FC7]  }
0x92: {  	s5 =	simm.s32 $0xA;
	s6 =	simm.s32 $0x10;
	s4 =	sld [smem:$0x3FC6]  }
0x93: {  	[smem:s6], [sflag:s5] =	dma.local [hbm:s2], $0x1  }
0x94: {  	_ =	swait.eq [sflag:s5], $0x1  }
0x95: {  	s16 =	sld [smem:$0x10];
	[sflag:s5] =	ssyncset.done $0x0  }
0x96: {  	s17 =	sld [smem:$0x11];
	[sflag:s5] =	ssyncadd.s32 $0xFFFFFFFF  }
0x97: {  	s18 =	sld [smem:$0x13];
	(tm) =	ssettm $0x1  }
0x98: {  	s7 =	sld [smem:$0x3FFB];
	_ =	sdelay $0x3  }
0x99: {  	_ =	strace s7  }
0x9a: {  	s7 =	sld [smem:$0x3FFC];
	_ =	sdelay $0x3  }
0x9b: {  	_ =	strace s7  }
0x9c: {  	s7 =	sld [smem:$0x3FFD];
	_ =	sdelay $0x3  }
0x9d: {  	_ =	strace s7  }
0x9e: {  	_ =	strace $0x8FFFFFFF  }
0x9f: {  	s19 =	sld [smem:$0x3FDB];
	_ =	sdelay $0x1  }
0xa0: {  	s8 =	simm.s32 $_scs_section_size  }
0xa1: {  	s9 =	simm.s32 $_size__tile_overlayer_lowered;
	s10 =	simm.s32 $_tile_overlayer_lowered  }
0xa2: {  	s22 =	simm.s32 $0x1BFF;
	s21 =	sshll.u32 s10, $0x1;
	s7 =	sadd.s32 s8, s19  }
0xa3: {  	s11 =	simm.s32 $0x0;
	s20 =	sshll.u32 s9, $0x1;
	s9 =	sadd.s32 s21, s7  }
0xa4: {  	[timem:s11], [sflag:s22] =	dma.local [hbm:s9], s20  }
0xa5: {  	_ =	swait.ge [sflag:s22], s20  }
0xa6: {  	s8 =	ssub.s32 $0x0, s20;
	[sflag:s22] =	ssyncset.done $0x0  }
0xa7: {  	[sflag:s22] =	ssyncadd.s32 s8;
	_ =	sdelay $0x1  }
0xa8: {  	s23 =	simm.s32 $0x1B8B  }
0xa9: {  	_ =	swait.ge [sflag:s23], $0x1  }
0xaa: {  	[sflag:s23] =	ssyncset.done $0x0  }
0xab: {  	s25 =	simm.s32 $0x1B8E;
	s24 =	sld [smem:$0x3FFE];
	[sflag:s23] =	ssyncadd.s32 $0xFFFFFFFF  }
0xac: {  	s26 =	simm.s32 $execute0_lowered;
	[smem:$0x3FD2] =	sst s25  }
0xad: {  	s9 =	sshll.u32 s26, $0x1;
	_ =	strace $0x80000046;
	[dreg:$0x1] =	wrdreg $0xFFFFFFFF  }
0xae: {  	s28 =	simm.s32 $_size_execute0_lowered;
	s7 =	sadd.s32 s7, s9;
	[dreg:$0x0] =	wrdreg $0x0  }
0xaf: {  	s9 =	sshll.u32 s28, $0x1;
	[dreg:$0x2] =	wrdreg s7  }
0xb0: {  	[dreg:$0x3] =	wrdreg s9  }
0xb1: {  	[dreg:$0x4] =	wrdreg $0xC0  }
0xb2: {  	_ =	task [dreg:s11], $0x5FFFF  }
0xb3: {  	[dreg:$0x1] =	wrdreg $0xFFFFFFFF  }
0xb4: {  	[dreg:$0x0] =	wrdreg $0x60  }
0xb5: {  	[dreg:$0x2] =	wrdreg s15  }
0xb6: {  	[dreg:$0x3] =	wrdreg s4  }
0xb7: {  	[dreg:$0x4] =	wrdreg s16  }
0xb8: {  	[dreg:$0x5] =	wrdreg s17  }
0xb9: {  	[dreg:$0x6] =	wrdreg s24  }
0xba: {  	[dreg:$0x7] =	wrdreg s18  }
0xbb: {  	[dreg:$0x8] =	wrdreg $0x18E800  }
0xbc: {  	[dreg:$0x9] =	wrdreg $0x191000  }
0xbd: {  	[dreg:$0xa] =	wrdreg $0x9  }
0xbe: {  	_ =	task.clear_ibuf [dreg:s11], $0xBFFFF;
	_ =	strace $0x90000046  }
0xbf: {  	s29 =	simm.s32 $0x9;
	_ =	strace $0x80000048  }
0xc0: {  	_ =	swait.ge [sflag:s29], $0x1  }
0xc1: {  	[sflag:s29] =	ssyncadd.s32 $0xFFFFFFFF  }
0xc2: {  	_ =	strace $0x90000048  }
0xc3: {  	_ =	sfence  }
0xc4: {  	s30 =	sld [smem:$0x0];
	_ =	sdelay $0x2  }
0xc5: {  	s31 =	sshll.u32 s1, $0xD;
	s1 =	sshrl.u32 s1, $0x2  }
0xc6: {  	s3 =	sand.u32 $0x4000, s31;
	s1 =	sadd.s32 s1, s30  }
0xc7: {  	s0 =	sor.u32 s3, s0;
	s1 =	sshll.u32 s1, $0x11  }
0xc8: {  	s0 =	sor.u32 s1, s0  }
0xc9: {  	s0 =	sadd.s32 $0x8F2B, s0  }
0xca: {  	[sflag:s0] =	ssyncadd.remote.s32 $0x1  }
0xcb: {  	_ =	sfence.sel $0xFFFF  }
0xcc: {  	[dreg:$0x0] =	wrdreg $0xFFFFFFFF;
	(pc) =	sbr.abs _section_cstart, $3  }
0xcd: {  	[dreg:$0x1] =	wrdreg $0xFFFFFFFF  }
0xce: {  	_ =	task.clear_ibuf [dreg:s11], $0x2FFFF;
	_ =	strace $0x9FFFFFFF  }
0xcf: {  	(tm) =	ssettm $0x7FFFFFFF  }
tec
execute0_lowered:
.L_overlay_start_1:
0x0: {  	(tag) =	ssettag $0x1  }
0x1: {  	s0 =	rddreg [dreg:$0x0]  }
0x2: {  	s1 =	rddreg [dreg:$0x1]  }
0x3: {  	s6 =	rddreg [dreg:$0x2]  }
0x4: {  	s7 =	rddreg [dreg:$0x3]  }
0x5: {  	s8 =	rddreg [dreg:$0x4]  }
0x6: {  	s10 =	rddreg [dreg:$0x5]  }
0x7: {  	s3 =	rddreg [dreg:$0x6]  }
0x8: {  	s4 =	rddreg [dreg:$0x7]  }
0x9: {  	s5 =	srdreg.scid;
	s23 =	stileid.u32  }
0xa: {  	s2 =	rddreg [dreg:$0x8];
	s16 =	simm.s32 $0x7680;
	s17 =	simm.s32 $0x9E00  }
0xb: {  	s18 =	simm.s32 $0x4F00;
	s19 =	simm.s32 $0xC580;
	s20 =	simm.s32 $0xED80  }
0xc: {  	s21 =	simm.s32 $0x11580;
	s22 =	simm.s32 $0x13D80;
	s24 =	simm.s32 $0x0  }
0xd: {  	s9 =	sand.u32 $0x1, s5;
	s11 =	sshll.u32 s23, $0x1;
	s5 =	simm.s32 $0x0  }
0xe: {  	p0 =	sne.s32 s23, $0x0;
	s23 =	simm.s32 $0x18E00;
	s12 =	smul.u32 $0x500, s9  }
0xf: {  	s11 =	sor.u32 s9, s11;
	[smem:$0x7FF] =	sst s5;
	s9 =	ssub.s32 $0x2, s9  }
0x10: {  	s13 =	smul.u32 $0x500, s11;
	_ =	strace $0x80000047;
	s14 =	sshrl.u32 s9, $0x1  }
0x11: {  	s15 =	smul.u32 $0x4E2, s11;
	s11 =	sshll.u32 s11, $0x4;
	s12 =	sadd.s32 s12, s8  }
0x12: {  	s14 =	ssub.s32 s9, s14;
	s10 =	sadd.s32 s10, s11;
	s13 =	sadd.s32 s13, s8  }
0x13: {  	v0 =	vimm.f32 $0.0e+00;
	v1 =	vimm.s32 $0x0;
	v2 =	vlaneseq.u32;
	s6 =	sadd.s32 s6, s15;
	s7 =	sadd.s32 s7, s15;
	s11 =	sadd.s32 $0x4C00, s12  }
0x14: {  	v3 =	vimm.s32 $0x2710;
	v4 =	vimm.f32 $1.000000000e+00;
	v5 =	vor.u32 $0x10, v2;
	s12 =	sadd.s32 $0x19600, s12;
	s15 =	simm.s32 $0x2780;
	s8 =	sadd.s32 $0x5600, s13  }
0x15: {  	v6 =	vor.u32 $0x20, v2;
	v7 =	vor.u32 $0x30, v2;
	v8 =	vor.u32 $0x40, v2;
	s9 =	sadd.s32 $0xF600, s13;
	s13 =	smax.u32 s14, $0x1;
	s14 =	simm.s32 $0x1  }
.LBB2_1:
0x16: {  	[tilespmem:s5], [sflag:$0x1] =	stream.linear.gather [hbm4b:s0+s5], $0x2780, $0x38;
	[tilespmem:$0x19380] =	vst v63  }
0x17: {  	_ =	swait.ge [sflag:s14], $0x2780  }
0x18: {  	[sflag:s14] =	ssyncset.done $0x0  }
0x19: {  	[sflag:s14] =	ssyncadd.s32 $0xFFFFD880  }
0x1a: {  	[tilespmem:s15], [sflag:$0x1] =	stream.linear.gather [hbm4b:s1+s5], $0x2780, $0x38;
	[tilespmem:$0x19380] =	vst v63  }
0x1b: {  	_ =	swait.ge [sflag:s14], $0x2780  }
0x1c: {  	[sflag:s14] =	ssyncset.done $0x0  }
0x1d: {  	[sflag:s14] =	ssyncadd.s32 $0xFFFFD880  }
0x1e: {  	[tilespmem:s16], [sflag:$0x1] =	stream.linear.gather [hbm4b:s6+s5], $0x2710, $0x38;
	[tilespmem:$0x19380] =	vst v63  }
0x1f: {  	_ =	swait.ge [sflag:s14], $0x2710  }
0x20: {  	[sflag:s14] =	ssyncset.done $0x0  }
0x21: {  	[sflag:s14] =	ssyncadd.s32 $0xFFFFD8F0  }
0x22: {  	[tilespmem:s17], [sflag:$0x1] =	stream.linear.gather [hbm4b:s7+s5], $0x2710, $0x38;
	[tilespmem:$0x19380] =	vst v63  }
0x23: {  	_ =	swait.ge [sflag:s14], $0x2710  }
0x24: {  	[sflag:s14] =	ssyncset.done $0x0  }
0x25: {  	s25 =	simm.s32 $0x0;
	[sflag:s14] =	ssyncadd.s32 $0xFFFFD8F0  }
0x26: {  	v9 =	vld [tilespmem:s25+$0x0]  }
0x27: {  	v10 =	vld [tilespmem:s25+$0x2780];
	_ =	sdelay $0x2  }
0x28: {  	s26 =	simm.s32 $0x40  }
.LBB2_2:
0x29: {  	s28 =	sshra.s32 s26, $0x2;
	v11 =	vmov v9;
	p1 =	sne.s32 s26, $0x9C00  }
.Ltmp0:
0x2a: {  	s26 =	sadd.s32 $0x40, s26;
	v9 =	vld [tilespmem:s28+$0x0];
	v12 =	vadd.s32 $0xFFFFFFFF, v11;
	v13 =	vadd.s32 $0xFFFFFFFF, v10;
	v14 =	vmov v10;
	(pc) =	sbr.rel @p1 .LBB2_2-.Ltmp0, $4  }
0x2b: {  	v11 =	vshll.u32 v11, $0x2;
	v10 =	vld [tilespmem:s28+$0x2780];
	vm0 =	vlt.u32 v12, $0x7;
	vm1 =	vlt.u32 v13, $0x2  }
0x2c: {  	v11 =	vadd.s32 v14, v11;
	vm0 =	vmand vm0, vm1  }
0x2d: {  	v11 =	vnsel vm0, $0xFFFFFFFF, v11  }
0x2e: {  	[tilespmem:s25+$0x4F00] =	vst v11;
	s25 =	smov.u32 s28  }
0x2f: {  	_ = 	snop  }
0x30: {  	v11 =	vadd.s32 $0xFFFFFFFF, v9;
	v12 =	vadd.s32 $0xFFFFFFFF, v10  }
0x31: {  	v9 =	vshll.u32 v9, $0x2;
	vm0 =	vlt.u32 v11, $0x7;
	vm1 =	vlt.u32 v12, $0x2  }
0x32: {  	v9 =	vadd.s32 v10, v9;
	vm0 =	vmand vm0, vm1  }
0x33: {  	v9 =	vnsel vm0, $0xFFFFFFFF, v9  }
0x34: {  	s28 =	simm.s32 $0x40;
	s26 =	simm.s32 $0x0;
	[tilespmem:s25+$0x4F00] =	vst v9;
	s25 =	simm.s32 $0x0  }
.LBB2_4:
0x35: {  	p1 =	sne.s32 s28, $0x9FC0;
	[tilespmem:s26+$0x13D80] =	vst v3;
	s29 =	smov.u32 s28;
	s28 =	sadd.s32 $0x40, s28  }
.Ltmp1:
0x36: {  	[tilespmem:s26+$0x11580] =	vst v1;
	(pc) =	sbr.rel @p1 .LBB2_4-.Ltmp1, $4  }
0x37: {  	[tilespmem:s26+$0x16580] =	vst v0  }
0x38: {  	[tilespmem:s26+$0xC580] =	vst v0  }
0x39: {  	[tilespmem:s26+$0xED80] =	vst v0  }
0x3a: {  	s26 =	sshra.s32 s29, $0x2  }
0x3b: {  	[tilespmem:s26+$0x13D80] =	vst v3  }
0x3c: {  	[tilespmem:s26+$0x11580] =	vst v1  }
0x3d: {  	[tilespmem:s26+$0x16580] =	vst v0  }
0x3e: {  	[tilespmem:s26+$0xC580] =	vst v0  }
0x3f: {  	[tilespmem:s26+$0xED80] =	vst v0;
	s31 =	simm.s32 $0x0  }
0x40: {  	v9 =	vld [tilespmem:s31+$0x7680]  }
0x41: {  	v10 =	vld [tilespmem:s31+$0x9E00];
	_ =	sdelay $0x6  }
0x42: {  	v11 =	vld.idx.msk [tilespmem:v9+s18+$0x0], $0xffff  }
0x43: {  	v12 =	vld.idx.msk [tilespmem:v10+s18+$0x0], $0xffff;
	_ =	sdelay $0x4  }
0x44: {  	vm0 =	veq.s32 v11, v12;
	vm1 =	vgt.s32 v11, $0xFFFFFFFF  }
0x45: {  	vm0 =	vmand vm1, vm0  }
0x46: {  	v11 =	vsel vm0, $0x1, v1  }
0x47: {  	(xrf0) =	vadd.scan.msk.s32 $0xffff, v11;
	_ =	sdelay $0x2  }
0x48: {  	v11 =	vmov s25  }
0x49: {  	v11 =	vadd.s32 $0xFFFFFFFF, v11  }
0x4a: {  	v11 =	vbroadcast v11, $0x0  }
0x4b: {  	v63, _, _ =	vpop (xrf0)  }
0x4c: {  	v11 =	vadd.s32 v63, v11;
	(v2sf) =	vpush v63, $0xF;
	_ =	sdelay $0x2  }
0x4d: {  	[tilespmem:v9+s19+$0x0] =	vst.idx.add.f32.msk vm0, v4  }
0x4e: {  	[tilespmem:v10+s20+$0x0] =	vst.idx.add.f32.msk vm0, v4  }
0x4f: {  	[tilespmem:v11+s21+$0x0] =	vst.idx.msk vm0, v9  }
0x50: {  	s28 =	simm.s32 $0x10;
	[tilespmem:v11+s22+$0x0] =	vst.idx.msk vm0, v10  }
0x51: {  	s26 =	simm.s32 $0x80;
	v9 =	vld [tilespmem:s28+$0x7680]  }
.LBB2_6:
0x52: {  	p1 =	sne.s32 s26, $0x9C00;
	v10 =	vld [tilespmem:s28+$0x9E00];
	_ =	sdelay $0x6  }
0x53: {  	v11 =	vld.idx.msk [tilespmem:v9+s18+$0x0], $0xffff;
	s28 =	spop (v2sf)  }
0x54: {  	v12 =	vld.idx.msk [tilespmem:v10+s18+$0x0], $0xffff;
	s25 =	sadd.s32 s25, s28  }
0x55: {  	v13 =	vmov s25  }
0x56: {  	v13 =	vadd.s32 $0xFFFFFFFF, v13  }
0x57: {  	v13 =	vbroadcast v13, $0x0;
	_ =	sdelay $0x2  }
0x58: {  	vm1 =	vgt.s32 v11, $0xFFFFFFFF;
	vm0 =	veq.s32 v11, v12  }
0x59: {  	vm0 =	vmand vm1, vm0  }
0x5a: {  	v11 =	vsel vm0, $0x1, v1  }
0x5b: {  	(xrf0) =	vadd.scan.msk.s32 $0xffff, v11;
	_ =	sdelay $0x3  }
0x5c: {  	[tilespmem:v9+s19+$0x0] =	vst.idx.add.f32.msk vm0, v4  }
0x5d: {  	[tilespmem:v10+s20+$0x0] =	vst.idx.add.f32.msk vm0, v4  }
0x5e: {  	v11, _, _ =	vpop (xrf0)  }
0x5f: {  	v12 =	vadd.s32 v11, v13;
	(v2sf) =	vpush v11, $0xF;
	_ =	sdelay $0x2  }
.Ltmp2:
0x60: {  	(pc) =	sbr.rel @p1 .LBB2_6-.Ltmp2, $4  }
0x61: {  	_ = 	snop  }
0x62: {  	[tilespmem:v12+s21+$0x0] =	vst.idx.msk vm0, v9  }
0x63: {  	s28 =	sshra.s32 s26, $0x2;
	[tilespmem:v12+s22+$0x0] =	vst.idx.msk vm0, v10  }
0x64: {  	s26 =	sadd.s32 $0x40, s26;
	v9 =	vld [tilespmem:s28+$0x7680]  }
0x65: {  	_ = 	snop  }
0x66: {  	v10 =	vld [tilespmem:s28+$0x9E00];
	_ =	sdelay $0x6  }
0x67: {  	v11 =	vld.idx.msk [tilespmem:v9+s18+$0x0], $0xffff  }
0x68: {  	v12 =	vld.idx.msk [tilespmem:v10+s18+$0x0], $0xffff;
	_ =	sdelay $0x4  }
0x69: {  	vm1 =	vgt.s32 v11, $0xFFFFFFFF;
	vm0 =	veq.s32 v11, v12  }
0x6a: {  	vm0 =	vmand vm1, vm0  }
0x6b: {  	v11 =	vsel vm0, $0x1, v1  }
0x6c: {  	(xrf0) =	vadd.scan.msk.s32 $0xffff, v11;
	_ =	sdelay $0x5  }
0x6d: {  	v11, _, _ =	vpop (xrf0)  }
0x6e: {  	(v2sf) =	vpush v11, $0xF  }
0x6f: {  	s26 =	spop (v2sf)  }
0x70: {  	s25 =	sadd.s32 s25, s26  }
0x71: {  	v63 =	vmov s25  }
0x72: {  	v12 =	vadd.s32 $0xFFFFFFFF, v63  }
0x73: {  	v12 =	vbroadcast v12, $0x0;
	_ =	sdelay $0x1  }
0x74: {  	v11 =	vadd.s32 v11, v12;
	_ =	sdelay $0x2  }
0x75: {  	[tilespmem:v9+s19+$0x0] =	vst.idx.add.f32.msk vm0, v4  }
0x76: {  	[tilespmem:v10+s20+$0x0] =	vst.idx.add.f32.msk vm0, v4  }
0x77: {  	[tilespmem:v11+s21+$0x0] =	vst.idx.msk vm0, v9  }
0x78: {  	[tilespmem:v11+s22+$0x0] =	vst.idx.msk vm0, v10  }
0x79: {  	[hbm4b:s8+s5] =	stream.linear.scatter [tilespmem:s21], [sflag:$0x1], $0x2800, $0x38;
	[tilespmem:$0x19380] =	vst v63  }
0x7a: {  	s31 =	spop (v2sf)  }
0x7b: {  	_ =	swait.ge [sflag:s14], $0x2800  }
0x7c: {  	[sflag:s14] =	ssyncset.done $0x0  }
0x7d: {  	[sflag:s14] =	ssyncadd.s32 $0xFFFFD800  }
0x7e: {  	[hbm4b:s9+s5] =	stream.linear.scatter [tilespmem:s22], [sflag:$0x1], $0x2800, $0x38;
	[tilespmem:$0x19380] =	vst v63  }
0x7f: {  	_ =	swait.ge [sflag:s14], $0x2800  }
0x80: {  	s25 =	sadd.s32 s25, s31;
	[sflag:s14] =	ssyncset.done $0x0  }
0x81: {  	v9 =	vmov s25;
	[sflag:s14] =	ssyncadd.s32 $0xFFFFD800  }
0x82: {  	[tilespmem:$0x18E00] =	vst v9  }
0x83: {  	[hbm4b:s10+s5] =	stream.linear.scatter [tilespmem:s23], [sflag:$0x1], $0x80, $0x38;
	[tilespmem:$0x19380] =	vst v63  }
0x84: {  	_ =	swait.ge [sflag:s14], $0x80  }
0x85: {  	[sflag:s14] =	ssyncset.done $0x0  }
0x86: {  	[sflag:s14] =	ssyncadd.s32 $0xFFFFFF80  }
0x87: {  	[tilespmem:$0x18D80] =	vst v2  }
0x88: {  	[tilespmem:$0x18D90] =	vst v5  }
0x89: {  	[tilespmem:$0x18DA0] =	vst v6  }
0x8a: {  	[tilespmem:$0x18DB0] =	vst v7  }
0x8b: {  	s28 =	simm.s32 @p0 $0xC580;
	[tilespmem:$0x18DC0] =	vst v8  }
0x8c: {  	s26 =	simm.s32 @p0 $0x18D80;
	s25 =	simm.s32 @p0 $0x50;
	[bflag:$0x0] =	sbarrier.arrive @p0 $0xFFFF  }
0x8d: {  	[spmem:s3] =	stream.indirect.scatter.add.f32 @p0 [tilespmem:s28], [sflag:$0x1], $0x80, s26, s25, $0xb8;
	[tilespmem:$0x19380] =	vst v63  }
0x8e: {  	s28 =	simm.s32 @p0 $0x1  }
0x8f: {  	_ =	swait.ge @p0 [sflag:s28], $0x2800  }
0x90: {  	[sflag:s28] =	ssyncset.done @p0 $0x0  }
0x91: {  	s29 =	simm.s32 @p0 $0xED80;
	[sflag:s28] =	ssyncadd.s32 @p0 $0xFFFFD800  }
0x92: {  	[spmem:s4] =	stream.indirect.scatter.add.f32 @p0 [tilespmem:s29], [sflag:$0x1], $0x80, s26, s25, $0xb8;
	[tilespmem:$0x19380] =	vst v63  }
0x93: {  	_ =	swait.ge @p0 [sflag:s28], $0x2800  }
0x94: {  	[sflag:s28] =	ssyncset.done @p0 $0x0  }
0x95: {  	[sflag:s28] =	ssyncadd.s32 @p0 $0xFFFFD800  }
0x96: {  	s25 =	simm.s32 @!p0 $0x16580;
	s26 =	simm.s32 @!p0 $0x1;
	[bflag:$0x0] =	sbarrier.arrive @p0 $0xFFFF  }
0x97: {  	[spmem:s3] =	stream.linear.scatter @!p0 [tilespmem:s25], [sflag:$0x1], $0x2800, $0x38;
	[tilespmem:$0x19380] =	vst v63  }
0x98: {  	_ =	swait.ge @!p0 [sflag:s26], $0x2800  }
0x99: {  	[sflag:s26] =	ssyncset.done @!p0 $0x0  }
0x9a: {  	[sflag:s26] =	ssyncadd.s32 @!p0 $0xFFFFD800  }
0x9b: {  	[spmem:s4] =	stream.linear.scatter @!p0 [tilespmem:s25], [sflag:$0x1], $0x2800, $0x38;
	[tilespmem:$0x19380] =	vst v63  }
0x9c: {  	_ =	swait.ge @!p0 [sflag:s26], $0x2800  }
0x9d: {  	[sflag:s26] =	ssyncset.done @!p0 $0x0  }
0x9e: {  	s29 =	simm.s32 @!p0 $0xC580;
	[sflag:s26] =	ssyncadd.s32 @!p0 $0xFFFFD800  }
0x9f: {  	s28 =	simm.s32 @!p0 $0x18D80;
	s25 =	simm.s32 @!p0 $0x50;
	[bflag:$0x0] =	sbarrier.arrive @!p0 $0xFFFF  }
0xa0: {  	[spmem:s3] =	stream.indirect.scatter.add.f32 @!p0 [tilespmem:s29], [sflag:$0x1], $0x80, s28, s25, $0xb8;
	[tilespmem:$0x19380] =	vst v63  }
0xa1: {  	_ =	swait.ge @!p0 [sflag:s26], $0x2800  }
0xa2: {  	[sflag:s26] =	ssyncset.done @!p0 $0x0  }
0xa3: {  	s29 =	simm.s32 @!p0 $0xED80;
	[sflag:s26] =	ssyncadd.s32 @!p0 $0xFFFFD800  }
0xa4: {  	[spmem:s4] =	stream.indirect.scatter.add.f32 @!p0 [tilespmem:s29], [sflag:$0x1], $0x80, s28, s25, $0xb8;
	[tilespmem:$0x19380] =	vst v63  }
0xa5: {  	_ =	swait.ge @!p0 [sflag:s26], $0x2800  }
0xa6: {  	[sflag:s26] =	ssyncset.done @!p0 $0x0  }
0xa7: {  	[sflag:s26] =	ssyncadd.s32 @!p0 $0xFFFFD800  }
0xa8: {  	s25 =	sshrl.u32 @!p0 s3, $0x3;
	s28 =	simm.s32 @!p0 $0x1C01;
	[bflag:$0x0] =	sbarrier.arrive @!p0 $0xFFFF  }
0xa9: {  	[hbm:s11], [sflag:s28] =	dma.local @!p0 [spmem:s25], $0x500  }
0xaa: {  	s24 =	sadd.s32 $0x1, s24;
	_ =	swait.ge @!p0 [sflag:s26], $0x500  }
0xab: {  	p1 =	sne.s32 s24, s13;
	[sflag:s26] =	ssyncset.done @!p0 $0x0  }
.Ltmp3:
0xac: {  	s25 =	sshrl.u32 @!p0 s4, $0x3;
	[sflag:s26] =	ssyncadd.s32 @!p0 $0xFFFFFB00;
	(pc) =	sbr.rel @p1 .LBB2_1-.Ltmp3, $4  }
0xad: {  	[hbm:s12], [sflag:s28] =	dma.local @!p0 [spmem:s25], $0x500  }
0xae: {  	_ =	swait.ge @!p0 [sflag:s26], $0x500  }
0xaf: {  	[sflag:s26] =	ssyncset.done @!p0 $0x0  }
0xb0: {  	[sflag:s26] =	ssyncadd.s32 @!p0 $0xFFFFFB00  }
0xb1: {  	_ =	sfence.sel $0x180000  }
0xb2: {  	[bflag:$0x0] =	sbarrier.arrive $0xFFFF  }
0xb3: {  	_ =	strace $0x90000047  }
0xb4: {  	s0 =	sadd.s32 @!p0 $0x100000, s2;
	[bflag:$0x2] =	sbarrier.arrive $0xFFFF  }
0xb5: {  	[sflag:s0] =	ssyncadd.tile.s32 @!p0 $0x1;
	_ =	shalt  }
.Lfunc_end2:
_tile_overlayer_lowered:
.L_overlay_start_2:
0xb6: {  	(tag) =	ssettag $0x2  }
0xb7: {  	s0 =	rddreg [dreg:$0x0];
	s2 =	stileid.u32  }
0xb8: {  	s1 =	rddreg [dreg:$0x1];
	p0 =	sne.s32 s2, $0x0  }
0xb9: {  	s3 =	rddreg [dreg:$0x2];
	[bflag:$0x3] =	sbarrier.arrive $0xFFFF;
	s2 =	simm.s32 @!p0 $0x1C01  }
0xba: {  	[timem:s3], [sflag:s2] =	dma.local @!p0 [hbm:s0], s1  }
0xbb: {  	s0 =	simm.s32 @!p0 $0x1  }
0xbc: {  	_ =	swait.ge @!p0 [sflag:s0], s1  }
0xbd: {  	s1 =	ssub.s32 @!p0 $0x0, s1;
	[sflag:s0] =	ssyncset.done @!p0 $0x0  }
0xbe: {  	[sflag:s0] =	ssyncadd.s32 @!p0 s1  }
0xbf: {  	[bflag:$0x3] =	sbarrier.arrive $0xFFFF  }
0xc0: {  	_ =	shalt  }

// kernel: kernel.9.cloned.1.call-start
scs
__scs_entry_jumppad:
0x0: {  	(pc) =	sbr.rel $0x88, $3  }
0x1: {  	(tag) =	ssettag $0x0;
	lr =	simm.s32 $0x1  }
0x2: {  	[smem:$0x3F80] =	sst lr;
	_ =	strace $0xD0000000  }
0x3: {  	_ = 	snop  }
0x4: {  	_ = 	snop  }
0x5: {  	_ = 	snop  }
0x6: {  	_ = 	snop  }
0x7: {  	_ = 	snop  }
__scs_overlays_trampoline_lowered:
0x8: {  	[smem:$0x3F8F] =	sst s0  }
0x9: {  	[smem:$0x3F90] =	sst s1  }
0xa: {  	[smem:$0x3F91] =	sst s2  }
0xb: {  	[smem:$0x3F92] =	sst s3  }
0xc: {  	[smem:$0x3F93] =	sst s4  }
0xd: {  	[smem:$0x3F94] =	sst s5  }
0xe: {  	[smem:$0x3F95] =	sst s6  }
0xf: {  	[smem:$0x3F96] =	sst s7  }
0x10: {  	[smem:$0x3F97] =	sst s8  }
0x11: {  	[smem:$0x3F98] =	sst s9;
	s0 =	simm.s32 @!p0 $0x0  }
0x12: {  	s1 =	sld [smem:$0x3F7E];
	s0 =	simm.s32 @p0 $0x1  }
0x13: {  	[smem:$0x3F99] =	sst s0;
	s0 =	simm.s32 @!p1 $0x0  }
0x14: {  	s2 =	sld [smem:$0x3F7D];
	s0 =	simm.s32 @p1 $0x1  }
0x15: {  	[smem:$0x3F9A] =	sst s0;
	s0 =	simm.s32 @!p2 $0x0  }
0x16: {  	s3 =	sld [smem:$0x3FDB];
	s0 =	simm.s32 @p2 $0x1  }
0x17: {  	s4 =	simm.s32 $0x1BF5;
	[smem:$0x3F9C] =	sst s0  }
0x18: {  	s0 =	sld [smem:$0x3F7F];
	_ =	swait.ge [sflag:s4], $0x0  }
0x19: {  	s7 =	sld [smem:$0x3F80]  }
0x1a: {  	s8 =	sadd.s32 $0xFFFFE003, lr  }
0x1b: {  	s9 =	sadd.s32 $0xFFFFFEF7, lr;
	s5 =	simm.s32 $0xFFFFFFFF;
	p2 =	slt.u32 s8, $0xFFFFF086  }
0x1c: {  	p1 =	slt.u32 s9, $0xF7A;
	s5 =	simm.s32 @!p2 $0x0  }
0x1d: {  	s5 =	simm.s32 @p1 $0x1;
	p0 =	seq.s32 s7, s2  }
0x1e: {  	s7 =	smul.u32 @!p0 $0xF7A, s2;
	p2 =	seq.s32 @!p0 s5, $0x0  }
0x1f: {  	s9 =	smul.u32 $0xF7A, s1;
	s8 =	simm.s32 @!p0 $0x1BF5;
	p2 =	por !p2, p0  }
0x20: {  	[sflag:s8] =	ssyncset.s32 @!p0 $0xFFFFF086;
	s6 =	sadd.s32 @!p0 s3, s7;
	s7 =	simm.s32 @!p0 $0x108  }
0x21: {  	s3 =	sadd.s32 s3, s9;
	s6 =	sadd.s32 @!p0 $0x88, s6;
	s7 =	simm.s32 @p2 $0x1082  }
0x22: {  	[simem:s7], [sflag:s8] =	dma.local @!p0 [hbm:s6], $0xF7A  }
0x23: {  	s9 =	sor.u32 $0xD0000000, s2;
	s6 =	simm.s32 $0x108;
	_ =	swait.ge @!p0 [sflag:s8], $0x0  }
0x24: {  	s3 =	sadd.s32 $0x88, s3;
	s6 =	simm.s32 @!p1 $0x1082;
	[sflag:s4] =	ssyncset.s32 $0xFFFFF086  }
0x25: {  	[simem:s6], [sflag:s4] =	dma.local [hbm:s3], $0xF7A  }
0x26: {  	[smem:$0x3F80] =	sst s1;
	(tag) =	ssettag s2;
	_ =	strace s9  }
0x27: {  	s1 =	sld [smem:$0x3F90]  }
0x28: {  	s2 =	sld [smem:$0x3F91]  }
0x29: {  	s4 =	sld [smem:$0x3F93]  }
0x2a: {  	p0 =	seq.s32 s5, $0x0;
	s5 =	sld [smem:$0x3F94]  }
0x2b: {  	s6 =	sld [smem:$0x3F95]  }
0x2c: {  	s7 =	sld [smem:$0x3F96]  }
0x2d: {  	s3 =	simm.s32 $0x108;
	s8 =	sld [smem:$0x3F97]  }
0x2e: {  	s3 =	simm.s32 @!p0 $0x1082;
	s9 =	sld [smem:$0x3F98]  }
0x2f: {  	lr =	sadd.s32 s0, s3;
	s0 =	sld [smem:$0x3F8F]  }
0x30: {  	s3 =	sld [smem:$0x3F92]  }
0x31: {  	[smem:$0x3F9B] =	sst s10  }
0x32: {  	s10 =	sld [smem:$0x3F99];
	_ =	sdelay $0x3  }
0x33: {  	p0 =	seq.s32 s10, $0x1;
	s10 =	sld [smem:$0x3F9B];
	_ =	sdelay $0x3  }
0x34: {  	[smem:$0x3F9B] =	sst s10  }
0x35: {  	s10 =	sld [smem:$0x3F9A];
	_ =	sdelay $0x3  }
0x36: {  	p1 =	seq.s32 s10, $0x1;
	s10 =	sld [smem:$0x3F9B];
	_ =	sdelay $0x3  }
0x37: {  	[smem:$0x3F9B] =	sst s10  }
0x38: {  	s10 =	sld [smem:$0x3F9C]  }
0x39: {  	_ = 	snop;
	(pc) =	sbr.ind lr, $3  }
0x3a: {  	_ = 	snop  }
0x3b: {  	_ = 	snop  }
0x3c: {  	p2 =	seq.s32 s10, $0x1;
	s10 =	sld [smem:$0x3F9B]  }
0x3d: {  	_ =	shalt  }
0x3e: {  	_ =	shalt  }
0x3f: {  	_ =	shalt  }
0x40: {  	_ =	shalt  }
0x41: {  	_ =	shalt  }
0x42: {  	_ =	shalt  }
0x43: {  	_ =	shalt  }
0x44: {  	_ =	shalt  }
0x45: {  	_ =	shalt  }
0x46: {  	_ =	shalt  }
0x47: {  	_ =	shalt  }
0x48: {  	_ =	shalt  }
0x49: {  	_ =	shalt  }
0x4a: {  	_ =	shalt  }
0x4b: {  	_ =	shalt  }
0x4c: {  	_ =	shalt  }
0x4d: {  	_ =	shalt  }
0x4e: {  	_ =	shalt  }
0x4f: {  	_ =	shalt  }
0x50: {  	_ =	shalt  }
0x51: {  	_ =	shalt  }
0x52: {  	_ =	shalt  }
0x53: {  	_ =	shalt  }
0x54: {  	_ =	shalt  }
0x55: {  	_ =	shalt  }
0x56: {  	_ =	shalt  }
0x57: {  	_ =	shalt  }
0x58: {  	_ =	shalt  }
0x59: {  	_ =	shalt  }
0x5a: {  	_ =	shalt  }
0x5b: {  	_ =	shalt  }
0x5c: {  	_ =	shalt  }
0x5d: {  	_ =	shalt  }
0x5e: {  	_ =	shalt  }
0x5f: {  	_ =	shalt  }
0x60: {  	_ =	shalt  }
0x61: {  	_ =	shalt  }
0x62: {  	_ =	shalt  }
0x63: {  	_ =	shalt  }
0x64: {  	_ =	shalt  }
0x65: {  	_ =	shalt  }
0x66: {  	_ =	shalt  }
0x67: {  	_ =	shalt  }
0x68: {  	_ =	shalt  }
0x69: {  	_ =	shalt  }
0x6a: {  	_ =	shalt  }
0x6b: {  	_ =	shalt  }
0x6c: {  	_ =	shalt  }
0x6d: {  	_ =	shalt  }
0x6e: {  	_ =	shalt  }
0x6f: {  	_ =	shalt  }
0x70: {  	_ =	shalt  }
0x71: {  	_ =	shalt  }
0x72: {  	_ =	shalt  }
0x73: {  	_ =	shalt  }
0x74: {  	_ =	shalt  }
0x75: {  	_ =	shalt  }
0x76: {  	_ =	shalt  }
0x77: {  	_ =	shalt  }
0x78: {  	_ =	shalt  }
0x79: {  	_ =	shalt  }
0x7a: {  	_ =	shalt  }
0x7b: {  	_ =	shalt  }
0x7c: {  	_ =	shalt  }
0x7d: {  	_ =	shalt  }
0x7e: {  	_ =	shalt  }
0x7f: {  	_ =	shalt  }
0x80: {  	_ =	shalt  }
0x81: {  	_ =	shalt  }
0x82: {  	_ =	shalt  }
0x83: {  	_ =	shalt  }
0x84: {  	_ =	shalt  }
0x85: {  	_ =	shalt  }
0x86: {  	_ =	shalt  }
0x87: {  	_ =	shalt  }
.Lfunc_end0:
.L_simem_size_0:
called_computation.1_lowered:
.L_overlay_start_0:
0x88: {  	s2 =	sld [smem:$0x3FD9]  }
0x89: {  	s3 =	sld [smem:$0x3FFE];
	_ =	sdelay $0x1  }
0x8a: {  	s1 =	srdreg.scid  }
0x8b: {  	s0 =	sand.u32 $0x1, s1  }
0x8c: {  	s14 =	sshll.u32 s0, $0xA;
	s2 =	sadd.s32 s3, s2  }
0x8d: {  	s2 =	sadd.s32 s2, s14  }
0x8e: {  	[smem:$0x3FA7] =	sst s2  }
0x8f: {  	_ = 	snop  }
0x90: {  	s2 =	sld [smem:$0x3FD0];
	_ =	sdelay $0x2  }
0x91: {  	s4 =	simm.s32 $0xA;
	s5 =	simm.s32 $0x10;
	s15 =	sld [smem:$0x3FC9]  }
0x92: {  	[smem:s5], [sflag:s4] =	dma.local [hbm:s2], $0x1  }
0x93: {  	_ =	swait.eq [sflag:s4], $0x1  }
0x94: {  	s16 =	sld [smem:$0x10];
	[sflag:s4] =	ssyncset.done $0x0  }
0x95: {  	s17 =	sld [smem:$0x11];
	[sflag:s4] =	ssyncadd.s32 $0xFFFFFFFF  }
0x96: {  	s18 =	sld [smem:$0x13];
	(tm) =	ssettm $0x1  }
0x97: {  	s6 =	sld [smem:$0x3FFB];
	_ =	sdelay $0x3  }
0x98: {  	_ =	strace s6  }
0x99: {  	s6 =	sld [smem:$0x3FFC];
	_ =	sdelay $0x3  }
0x9a: {  	_ =	strace s6  }
0x9b: {  	s6 =	sld [smem:$0x3FFD];
	_ =	sdelay $0x3  }
0x9c: {  	_ =	strace s6  }
0x9d: {  	_ =	strace $0x8FFFFFFF  }
0x9e: {  	s19 =	sld [smem:$0x3FDB];
	_ =	sdelay $0x1  }
0x9f: {  	s7 =	simm.s32 $_scs_section_size  }
0xa0: {  	s8 =	simm.s32 $_size__tile_overlayer_lowered;
	s9 =	simm.s32 $_tile_overlayer_lowered  }
0xa1: {  	s22 =	simm.s32 $0x1BFF;
	s21 =	sshll.u32 s9, $0x1;
	s6 =	sadd.s32 s7, s19  }
0xa2: {  	s10 =	simm.s32 $0x0;
	s20 =	sshll.u32 s8, $0x1;
	s8 =	sadd.s32 s21, s6  }
0xa3: {  	[timem:s10], [sflag:s22] =	dma.local [hbm:s8], s20  }
0xa4: {  	_ =	swait.ge [sflag:s22], s20  }
0xa5: {  	s7 =	ssub.s32 $0x0, s20;
	[sflag:s22] =	ssyncset.done $0x0  }
0xa6: {  	[sflag:s22] =	ssyncadd.s32 s7;
	_ =	sdelay $0x1  }
0xa7: {  	s23 =	simm.s32 $0x1B8B  }
0xa8: {  	_ =	swait.ge [sflag:s23], $0x1  }
0xa9: {  	[sflag:s23] =	ssyncset.done $0x0  }
0xaa: {  	s25 =	simm.s32 $0x1B8E;
	s24 =	sld [smem:$0x3FFE];
	[sflag:s23] =	ssyncadd.s32 $0xFFFFFFFF  }
0xab: {  	s26 =	simm.s32 $execute0_lowered;
	[smem:$0x3FD2] =	sst s25  }
0xac: {  	s8 =	sshll.u32 s26, $0x1;
	_ =	strace $0x80000049;
	[dreg:$0x1] =	wrdreg $0xFFFFFFFF  }
0xad: {  	s28 =	simm.s32 $_size_execute0_lowered;
	s6 =	sadd.s32 s6, s8;
	[dreg:$0x0] =	wrdreg $0x0  }
0xae: {  	s8 =	sshll.u32 s28, $0x1;
	[dreg:$0x2] =	wrdreg s6  }
0xaf: {  	[dreg:$0x3] =	wrdreg s8  }
0xb0: {  	[dreg:$0x4] =	wrdreg $0xC0  }
0xb1: {  	_ =	task [dreg:s10], $0x5FFFF  }
0xb2: {  	[dreg:$0x1] =	wrdreg $0xFFFFFFFF  }
0xb3: {  	[dreg:$0x0] =	wrdreg $0x60  }
0xb4: {  	[dreg:$0x2] =	wrdreg s15  }
0xb5: {  	[dreg:$0x3] =	wrdreg s24  }
0xb6: {  	[dreg:$0x4] =	wrdreg s16  }
0xb7: {  	[dreg:$0x5] =	wrdreg s17  }
0xb8: {  	[dreg:$0x6] =	wrdreg s18  }
0xb9: {  	[dreg:$0x7] =	wrdreg $0x9A800  }
0xba: {  	[dreg:$0x8] =	wrdreg $0x1DA800  }
0xbb: {  	[dreg:$0x9] =	wrdreg $0x9  }
0xbc: {  	_ =	task.clear_ibuf [dreg:s10], $0xAFFFF;
	_ =	strace $0x90000049  }
0xbd: {  	s29 =	simm.s32 $0x9;
	_ =	strace $0x8000004B  }
0xbe: {  	_ =	swait.ge [sflag:s29], $0x1  }
0xbf: {  	[sflag:s29] =	ssyncadd.s32 $0xFFFFFFFF  }
0xc0: {  	_ =	strace $0x9000004B  }
0xc1: {  	_ =	sfence  }
0xc2: {  	s30 =	sld [smem:$0x0];
	_ =	sdelay $0x2  }
0xc3: {  	s31 =	sshll.u32 s1, $0xD;
	s1 =	sshrl.u32 s1, $0x2  }
0xc4: {  	s3 =	sand.u32 $0x4000, s31;
	s1 =	sadd.s32 s1, s30  }
0xc5: {  	s0 =	sor.u32 s3, s0;
	s1 =	sshll.u32 s1, $0x11  }
0xc6: {  	s0 =	sor.u32 s1, s0  }
0xc7: {  	s0 =	sadd.s32 $0x8F2B, s0  }
0xc8: {  	[sflag:s0] =	ssyncadd.remote.s32 $0x1  }
0xc9: {  	_ =	sfence.sel $0xFFFF  }
0xca: {  	[dreg:$0x0] =	wrdreg $0xFFFFFFFF;
	(pc) =	sbr.abs _section_cstart, $3  }
0xcb: {  	[dreg:$0x1] =	wrdreg $0xFFFFFFFF  }
0xcc: {  	_ =	task.clear_ibuf [dreg:s10], $0x2FFFF;
	_ =	strace $0x9FFFFFFF  }
0xcd: {  	(tm) =	ssettm $0x7FFFFFFF  }
tec
execute0_lowered:
.L_overlay_start_1:
0x0: {  	(tag) =	ssettag $0x1  }
0x1: {  	s0 =	rddreg [dreg:$0x0]  }
0x2: {  	s1 =	rddreg [dreg:$0x1]  }
0x3: {  	s2 =	rddreg [dreg:$0x2]  }
0x4: {  	s3 =	rddreg [dreg:$0x3]  }
0x5: {  	s7 =	rddreg [dreg:$0x4]  }
0x6: {  	s4 =	rddreg [dreg:$0x5]  }
0x7: {  	s5 =	rddreg [dreg:$0x6]  }
0x8: {  	s6 =	simm.s32 $0x0;
	s8 =	srdreg.scid;
	s10 =	stileid.u32  }
0x9: {  	s28 =	simm.s32 $0x80;
	s29 =	simm.s32 $0x100;
	s30 =	simm.s32 $0x5080  }
0xa: {  	s31 =	simm.s32 $0x40;
	[smem:$0x7FF] =	sst s6;
	s9 =	sand.u32 $0x1, s8  }
0xb: {  	s11 =	smul.u32 $0x50000, s10;
	s12 =	sadd.s32 $0x1A000, s1;
	s19 =	sshll.u32 s10, $0x8  }
0xc: {  	p0 =	sne.s32 s10, $0x0;
	p1 =	seq.s32 s10, $0x0;
	s8 =	smul.u32 $0x28000, s9  }
0xd: {  	_ =	strace $0x8000004A;
	[dreg:$0x8] =	wrdreg s12;
	s11 =	sshrl.u32 s11, $0x2  }
0xe: {  	s16 =	smul.u32 $0x500, s9;
	s14 =	sadd.s32 s8, s1;
	s8 =	sadd.s32 s11, s4  }
0xf: {  	s13 =	ssub.s32 $0x2, s9;
	s9 =	sshll.u32 s9, $0x7;
	s11 =	sadd.s32 $0x2000, s8  }
0x10: {  	s17 =	sshrl.u32 s13, $0x1;
	s18 =	sadd.s32 $0x4000, s8;
	[dreg:$0x9] =	wrdreg s11  }
0x11: {  	s15 =	sadd.s32 s16, s1;
	s20 =	sadd.s32 $0x6000, s8;
	[dreg:$0xa] =	wrdreg s18  }
0x12: {  	s13 =	ssub.s32 s13, s17;
	s22 =	sadd.s32 $0x8000, s8;
	[dreg:$0xb] =	wrdreg s20  }
0x13: {  	s16 =	sshrl.u32 s10, $0x2;
	s23 =	sadd.s32 $0xA000, s8;
	[dreg:$0xc] =	wrdreg s22  }
0x14: {  	s10 =	simm.s32 $0x9900;
	s24 =	sadd.s32 $0xC000, s8;
	[dreg:$0xd] =	wrdreg s23  }
0x15: {  	s21 =	sshll.u32 s16, $0xA;
	s25 =	sadd.s32 $0xE000, s8;
	[dreg:$0xe] =	wrdreg s24  }
0x16: {  	s26 =	sadd.s32 $0x10000, s8;
	s11 =	sand.u32 $0x300, s19;
	[dreg:$0xf] =	wrdreg s25  }
0x17: {  	[dreg:$0x10] =	wrdreg s26;
	s19 =	sadd.s32 $0x12000, s8;
	s20 =	sadd.s32 $0x1A010, s1  }
.Ltmp0:
0x18: {  	s22 =	sadd.s32 $0x1AA00, s14;
	s12 =	sor.u32 s9, s11;
	(pc) =	sbr.rel .LBB2_1-.Ltmp0, $4  }
0x19: {  	s23 =	sadd.s32 $0x4C00, s15;
	s24 =	smax.u32 s13, $0x1;
	s9 =	sor.u32 s21, s12  }
0x1a: {  	v0 =	vlaneseq.u32;
	s25 =	simm.s32 $0x5100;
	s26 =	simm.s32 $0x2;
	s9 =	sshrl.u32 s9, $0x3  }
0x1b: {  	v1 =	vimm.f32 $0.0e+00;
	v2 =	vor.u32 $0x10, v0;
	s1 =	simm.s32 $0x5000;
	s21 =	smul.u32 $0x14000, s16;
	s7 =	sadd.s32 s7, s9  }
0x1c: {  	v3 =	vor.u32 $0x20, v0;
	v4 =	vor.u32 $0x30, v0;
	v5 =	vor.u32 $0x40, v0;
	s9 =	simm.s32 $0x7100;
	[dreg:$0x11] =	wrdreg s7;
	s7 =	simm.s32 $0x1  }
.LBB2_8:
0x1d: {  	[tilespmem:$0x9980] =	vst v0  }
0x1e: {  	[tilespmem:$0x9990] =	vst v2  }
0x1f: {  	[tilespmem:$0x99A0] =	vst v3  }
0x20: {  	[tilespmem:$0x99B0] =	vst v4  }
0x21: {  	[tilespmem:$0x99C0] =	vst v5;
	s11 =	simm.s32 $0x50;
	s13 =	simm.s32 $0x9980  }
0x22: {  	[spmem:s5] =	stream.indirect.scatter.add.f32 [tilespmem:s9], [sflag:$0x2], $0x80, s13, s11, $0xb8;
	[tilespmem:$0x1DD00] =	vst v63  }
0x23: {  	_ =	swait.ge [sflag:s26], $0x2800  }
0x24: {  	[sflag:s26] =	ssyncset.done $0x0  }
0x25: {  	[sflag:s26] =	ssyncadd.s32 $0xFFFFD800  }
0x26: {  	s11 =	sshrl.u32 @p1 s4, $0x3;
	s13 =	simm.s32 @p1 $0x1C02;
	[bflag:$0x0] =	sbarrier.arrive $0xFFFF  }
0x27: {  	[hbm:s22], [sflag:s13] =	dma.local @p1 [spmem:s11], $0x28000  }
0x28: {  	s11 =	simm.s32 @p1 $0x2  }
0x29: {  	s6 =	sadd.s32 $0x1, s6;
	_ =	swait.ge @p1 [sflag:s11], $0x28000  }
0x2a: {  	p2 =	sne.s32 s6, s24;
	[sflag:s11] =	ssyncset.done @p1 $0x0  }
.Ltmp1:
0x2b: {  	s14 =	sshrl.u32 @p1 s5, $0x3;
	[sflag:s11] =	ssyncadd.s32 @p1 $0xFFFD8000;
	(pc) =	sbr.rel @!p2 .LBB2_9-.Ltmp1, $4  }
0x2c: {  	[hbm:s23], [sflag:s13] =	dma.local @p1 [spmem:s14], $0x500  }
0x2d: {  	_ =	swait.ge @p1 [sflag:s11], $0x500  }
0x2e: {  	[sflag:s11] =	ssyncset.done @p1 $0x0  }
0x2f: {  	[sflag:s11] =	ssyncadd.s32 @p1 $0xFFFFFB00  }
.LBB2_1:
0x30: {  	s11 =	simm.s32 $0x0  }
.LBB2_2:
0x31: {  	p2 =	sne.s32 s11, $0x1FF0  }
.Ltmp2:
0x32: {  	_ = 	snop;
	(pc) =	sbr.rel @p2 .LBB2_2-.Ltmp2, $3  }
0x33: {  	_ =	sdelay $0x1  }
0x34: {  	s13 =	sand.u32 $0x1FF0, s11  }
0x35: {  	s11 =	sadd.s32 $0x10, s11;
	[tilespmem:s13+$0x5100] =	vst v1  }
0x36: {  	s13 =	simm.s32 $0x0  }
0x37: {  	s11 =	simm.s32 $0x10;
	s13 =	sand.u32 $0x3FF0, s13  }
.LBB2_4:
0x38: {  	p2 =	sne.s32 s11, $0x27F0;
	[tilespmem:s13+$0x7100] =	vst v1;
	s13 =	smov.u32 s11;
	s11 =	sadd.s32 $0x10, s11  }
.Ltmp3:
0x39: {  	(pc) =	sbr.rel @p2 .LBB2_4-.Ltmp3, $2  }
0x3a: {  	_ =	sdelay $0x2  }
0x3b: {  	s13 =	sand.u32 $0x3FF0, s13  }
0x3c: {  	[tilespmem:s13+$0x7100] =	vst v1  }
0x3d: {  	[spmem:s8] =	stream.linear.scatter [tilespmem:s25], [sflag:$0x2], $0x2000, $0x38;
	[tilespmem:$0x1DD00] =	vst v63  }
0x3e: {  	_ =	swait.ge [sflag:s26], $0x2000  }
0x3f: {  	[sflag:s26] =	ssyncset.done $0x0  }
0x40: {  	s11 =	rddreg [dreg:$0x9];
	[sflag:s26] =	ssyncadd.s32 $0xFFFFE000  }
0x41: {  	[spmem:s11] =	stream.linear.scatter [tilespmem:s25], [sflag:$0x2], $0x2000, $0x38;
	[tilespmem:$0x1DD00] =	vst v63  }
0x42: {  	_ =	swait.ge [sflag:s26], $0x2000  }
0x43: {  	[sflag:s26] =	ssyncset.done $0x0  }
0x44: {  	s15 =	rddreg [dreg:$0xa];
	[sflag:s26] =	ssyncadd.s32 $0xFFFFE000  }
0x45: {  	[spmem:s15] =	stream.linear.scatter [tilespmem:s25], [sflag:$0x2], $0x2000, $0x38;
	[tilespmem:$0x1DD00] =	vst v63  }
0x46: {  	_ =	swait.ge [sflag:s26], $0x2000  }
0x47: {  	[sflag:s26] =	ssyncset.done $0x0  }
0x48: {  	s16 =	rddreg [dreg:$0xb];
	[sflag:s26] =	ssyncadd.s32 $0xFFFFE000  }
0x49: {  	[spmem:s16] =	stream.linear.scatter [tilespmem:s25], [sflag:$0x2], $0x2000, $0x38;
	[tilespmem:$0x1DD00] =	vst v63  }
0x4a: {  	_ =	swait.ge [sflag:s26], $0x2000  }
0x4b: {  	[sflag:s26] =	ssyncset.done $0x0  }
0x4c: {  	s17 =	rddreg [dreg:$0xc];
	[sflag:s26] =	ssyncadd.s32 $0xFFFFE000  }
0x4d: {  	[spmem:s17] =	stream.linear.scatter [tilespmem:s25], [sflag:$0x2], $0x2000, $0x38;
	[tilespmem:$0x1DD00] =	vst v63  }
0x4e: {  	_ =	swait.ge [sflag:s26], $0x2000  }
0x4f: {  	[sflag:s26] =	ssyncset.done $0x0  }
0x50: {  	s18 =	rddreg [dreg:$0xd];
	[sflag:s26] =	ssyncadd.s32 $0xFFFFE000  }
0x51: {  	[spmem:s18] =	stream.linear.scatter [tilespmem:s25], [sflag:$0x2], $0x2000, $0x38;
	[tilespmem:$0x1DD00] =	vst v63  }
0x52: {  	_ =	swait.ge [sflag:s26], $0x2000  }
0x53: {  	[sflag:s26] =	ssyncset.done $0x0  }
0x54: {  	s13 =	rddreg [dreg:$0xe];
	[sflag:s26] =	ssyncadd.s32 $0xFFFFE000  }
0x55: {  	[spmem:s13] =	stream.linear.scatter [tilespmem:s25], [sflag:$0x2], $0x2000, $0x38;
	[tilespmem:$0x1DD00] =	vst v63  }
0x56: {  	_ =	swait.ge [sflag:s26], $0x2000  }
0x57: {  	[sflag:s26] =	ssyncset.done $0x0  }
0x58: {  	s14 =	rddreg [dreg:$0xf];
	[sflag:s26] =	ssyncadd.s32 $0xFFFFE000  }
0x59: {  	[spmem:s14] =	stream.linear.scatter [tilespmem:s25], [sflag:$0x2], $0x2000, $0x38;
	[tilespmem:$0x1DD00] =	vst v63  }
0x5a: {  	_ =	swait.ge [sflag:s26], $0x2000  }
0x5b: {  	[sflag:s26] =	ssyncset.done $0x0  }
0x5c: {  	s15 =	rddreg [dreg:$0x10];
	[sflag:s26] =	ssyncadd.s32 $0xFFFFE000  }
0x5d: {  	[spmem:s15] =	stream.linear.scatter [tilespmem:s25], [sflag:$0x2], $0x2000, $0x38;
	[tilespmem:$0x1DD00] =	vst v63  }
0x5e: {  	_ =	swait.ge [sflag:s26], $0x2000  }
0x5f: {  	[sflag:s26] =	ssyncset.done $0x0  }
0x60: {  	[sflag:s26] =	ssyncadd.s32 $0xFFFFE000  }
0x61: {  	[spmem:s19] =	stream.linear.scatter [tilespmem:s25], [sflag:$0x2], $0x2000, $0x38;
	[tilespmem:$0x1DD00] =	vst v63  }
0x62: {  	_ =	swait.ge [sflag:s26], $0x2000  }
0x63: {  	[sflag:s26] =	ssyncset.done $0x0  }
0x64: {  	s11 =	simm.s32 @!p0 $0x7100;
	[sflag:s26] =	ssyncadd.s32 $0xFFFFE000  }
0x65: {  	[spmem:s5] =	stream.linear.scatter @!p0 [tilespmem:s11], [sflag:$0x2], $0x2800, $0x38;
	[tilespmem:$0x1DD00] =	vst v63  }
0x66: {  	s11 =	simm.s32 @!p0 $0x2  }
0x67: {  	_ =	swait.ge @!p0 [sflag:s11], $0x2800  }
0x68: {  	[sflag:s11] =	ssyncset.done @!p0 $0x0  }
0x69: {  	s16 =	simm.s32 $0x0;
	s17 =	rddreg [dreg:$0x8];
	[sflag:s11] =	ssyncadd.s32 @!p0 $0xFFFFD800  }
0x6a: {  	[tilespmem:s16], [sflag:$0x2] =	stream.strided.gather [hbm4b:s17+s28], $0x2800, s29, s28, $0x38;
	[tilespmem:$0x1DD00] =	vst v63  }
0x6b: {  	_ =	swait.ge [sflag:s26], $0x2800  }
0x6c: {  	[sflag:s26] =	ssyncset.done $0x0  }
0x6d: {  	s18 =	simm.s32 $0x2800;
	[sflag:s26] =	ssyncadd.s32 $0xFFFFD800  }
0x6e: {  	[tilespmem:s18], [sflag:$0x2] =	stream.strided.gather [hbm4b:s20+s28], $0x2800, s29, s28, $0x38;
	[tilespmem:$0x1DD00] =	vst v63  }
0x6f: {  	_ =	swait.ge [sflag:s26], $0x2800  }
0x70: {  	[sflag:s26] =	ssyncset.done $0x0  }
0x71: {  	s11 =	simm.s32 $0x0;
	[sflag:s26] =	ssyncadd.s32 $0xFFFFD800  }
0x72: {  	s13 =	simm.s32 $0x40;
	v6 =	vld [tilespmem:s11+$0x2800]  }
.LBB2_6:
0x73: {  	p2 =	sne.s32 s13, $0x9FC0;
	v7 =	vld [tilespmem:s11+$0x0];
	_ =	sdelay $0x2  }
.Ltmp4:
0x74: {  	(pc) =	sbr.rel @p2 .LBB2_6-.Ltmp4, $4  }
0x75: {  	_ = 	snop  }
0x76: {  	v7 =	vadd.f32 v6, v7  }
0x77: {  	s14 =	sshra.s32 s13, $0x2  }
0x78: {  	s13 =	sadd.s32 $0x40, s13;
	v6 =	vld [tilespmem:s14+$0x2800];
	[tilespmem:s11+$0x0] =	vst v7;
	s11 =	smov.u32 s14  }
0x79: {  	v7 =	vld [tilespmem:s11+$0x0];
	_ =	sdelay $0x4  }
0x7a: {  	v6 =	vadd.f32 v6, v7;
	_ =	sdelay $0x1  }
0x7b: {  	s13 =	rddreg [dreg:$0x11];
	s14 =	simm.s32 $0x9A00;
	[tilespmem:s11+$0x0] =	vst v6;
	s11 =	simm.s32 $0x0  }
0x7c: {  	[tilespmem:s14], [sflag:$0x2] =	stream.linear.gather [hbm4b:s13+s11], $0x80, $0x38;
	[tilespmem:$0x1DD00] =	vst v63  }
0x7d: {  	_ =	swait.ge [sflag:s26], $0x80  }
0x7e: {  	[sflag:s26] =	ssyncset.done $0x0  }
0x7f: {  	[sflag:s26] =	ssyncadd.s32 $0xFFFFFF80  }
0x80: {  	v6 =	vld [tilespmem:$0x9A00];
	_ =	sdelay $0x4  }
0x81: {  	(v2sf) =	vpush v6, $0x0;
	_ =	sdelay $0xe  }
0x82: {  	s18 =	spop (v2sf)  }
0x83: {  	s13 =	sadd.s32 $0x3F, s18  }
0x84: {  	s13 =	sshra.s32 s13, $0x6  }
0x85: {  	p2 =	sgt.s32 s13, $0x0  }
.Ltmp5:
0x86: {  	_ = 	snop;
	(pc) =	sbr.rel @!p2 .LBB2_8-.Ltmp5, $3  }
0x87: {  	_ =	sdelay $0x1  }
0x88: {  	[bflag:$0x0] =	sbarrier.arrive $0xFFFF  }
0x89: {  	s14 =	simm.s32 $0x0  }
.LBB2_10:
0x8a: {  	s15 =	sshll.u32 s14, $0x9  }
0x8b: {  	s16 =	sshll.u32 s14, $0x6;
	s15 =	sand.u32 $0xFFFFFC00, s15  }
0x8c: {  	s16 =	sand.u32 $0x40, s16;
	s15 =	sadd.s32 s21, s15  }
0x8d: {  	s15 =	sor.u32 s16, s15  }
0x8e: {  	s15 =	sor.u32 s12, s15  }
0x8f: {  	s15 =	sshrl.u32 s15, $0x3  }
0x90: {  	s18 =	sadd.s32 s2, s15  }
0x91: {  	[tilespmem:s1], [sflag:$0x2] =	stream.linear.gather [hbm4b:s18+s11], $0x40, $0x38;
	[tilespmem:$0x1DD00] =	vst v63  }
0x92: {  	_ =	swait.ge [sflag:s26], $0x40  }
0x93: {  	[sflag:s26] =	ssyncset.done $0x0  }
0x94: {  	s15 =	sadd.s32 s3, s15;
	[sflag:s26] =	ssyncadd.s32 $0xFFFFFFC0  }
0x95: {  	[tilespmem:s30], [sflag:$0x2] =	stream.linear.gather [hbm4b:s15+s11], $0x40, $0x38;
	[tilespmem:$0x1DD00] =	vst v63  }
0x96: {  	_ =	swait.ge [sflag:s26], $0x40  }
0x97: {  	[sflag:s26] =	ssyncset.done $0x0  }
0x98: {  	[sflag:s26] =	ssyncadd.s32 $0xFFFFFFC0  }
0x99: {  	[tilespmem:s25], [sflag:$0x1] =	stream.indirect.gather [hbm4b:s0+s31], $0x80, s1, s31, $0xb8;
	[tilespmem:$0x1DD00] =	vst v63  }
0x9a: {  	_ =	swait.ge [sflag:s7], $0x2000  }
0x9b: {  	[sflag:s7] =	ssyncset.done $0x0  }
0x9c: {  	[sflag:s7] =	ssyncadd.s32 $0xFFFFE000  }
0x9d: {  	v6 =	vld [tilespmem:$0x5000];
	_ =	sdelay $0x7  }
0x9e: {  	v6 =	vld.idx.msk [tilespmem:v6+s11+$0x0], $0xffff;
	_ =	sdelay $0x4  }
0x9f: {  	v6 =	vmax.f32 v6, $1.000000000e+00  }
0xa0: {  	v7 =	vshra.s32 v6, $0x1;
	v6 =	vmul.f32 $5.000000000e-01, v6  }
0xa1: {  	v7 =	vsub.s32 $0x5F3759DF, v7  }
0xa2: {  	v8 =	vmul.f32 v7, v6;
	_ =	sdelay $0x1  }
0xa3: {  	v8 =	vmul.f32 v7, v8;
	_ =	sdelay $0x1  }
0xa4: {  	v8 =	vsub.f32 $1.500000000e+00, v8;
	_ =	sdelay $0x1  }
0xa5: {  	v7 =	vmul.f32 v7, v8;
	_ =	sdelay $0x1  }
0xa6: {  	v8 =	vmul.f32 v7, v6;
	_ =	sdelay $0x1  }
0xa7: {  	v8 =	vmul.f32 v8, v7;
	_ =	sdelay $0x1  }
0xa8: {  	v8 =	vsub.f32 $1.500000000e+00, v8;
	_ =	sdelay $0x1  }
0xa9: {  	v7 =	vmul.f32 v8, v7;
	_ =	sdelay $0x1  }
0xaa: {  	v8 =	vld [tilespmem:$0x5080];
	v6 =	vmul.f32 v7, v6;
	_ =	sdelay $0x1  }
0xab: {  	v6 =	vmul.f32 v6, v7;
	_ =	sdelay $0x1  }
0xac: {  	v6 =	vsub.f32 $1.500000000e+00, v6;
	_ =	sdelay $0x1  }
0xad: {  	v6 =	vmul.f32 v6, v7;
	_ =	sdelay $0x1  }
0xae: {  	[tilespmem:v8+s9+$0x0] =	vst.idx.add.f32.msk $0xffff, v6  }
0xaf: {  	v7 =	vld [tilespmem:$0x5010];
	_ =	sdelay $0x6  }
0xb0: {  	[tilespmem:$0x9900] =	vst v6  }
0xb1: {  	v6 =	vld.idx.msk [tilespmem:v7+s11+$0x0], $0xffff;
	_ =	sdelay $0x4  }
0xb2: {  	v6 =	vmax.f32 v6, $1.000000000e+00  }
0xb3: {  	v7 =	vshra.s32 v6, $0x1;
	v6 =	vmul.f32 $5.000000000e-01, v6  }
0xb4: {  	v7 =	vsub.s32 $0x5F3759DF, v7  }
0xb5: {  	v8 =	vmul.f32 v7, v6;
	_ =	sdelay $0x1  }
0xb6: {  	v8 =	vmul.f32 v7, v8;
	_ =	sdelay $0x1  }
0xb7: {  	v8 =	vsub.f32 $1.500000000e+00, v8;
	_ =	sdelay $0x1  }
0xb8: {  	v7 =	vmul.f32 v7, v8;
	_ =	sdelay $0x1  }
0xb9: {  	v8 =	vmul.f32 v7, v6;
	_ =	sdelay $0x1  }
0xba: {  	v8 =	vmul.f32 v8, v7;
	_ =	sdelay $0x1  }
0xbb: {  	v8 =	vsub.f32 $1.500000000e+00, v8;
	_ =	sdelay $0x1  }
0xbc: {  	v7 =	vmul.f32 v8, v7;
	_ =	sdelay $0x1  }
0xbd: {  	v8 =	vld [tilespmem:$0x5090];
	v6 =	vmul.f32 v7, v6;
	_ =	sdelay $0x1  }
0xbe: {  	v6 =	vmul.f32 v6, v7;
	_ =	sdelay $0x1  }
0xbf: {  	v6 =	vsub.f32 $1.500000000e+00, v6;
	_ =	sdelay $0x1  }
0xc0: {  	v6 =	vmul.f32 v6, v7;
	_ =	sdelay $0x1  }
0xc1: {  	[tilespmem:v8+s9+$0x0] =	vst.idx.add.f32.msk $0xffff, v6  }
0xc2: {  	v7 =	vld [tilespmem:$0x5020];
	_ =	sdelay $0x6  }
0xc3: {  	[tilespmem:$0x9910] =	vst v6  }
0xc4: {  	v6 =	vld.idx.msk [tilespmem:v7+s11+$0x0], $0xffff;
	_ =	sdelay $0x4  }
0xc5: {  	v6 =	vmax.f32 v6, $1.000000000e+00  }
0xc6: {  	v7 =	vshra.s32 v6, $0x1;
	v6 =	vmul.f32 $5.000000000e-01, v6  }
0xc7: {  	v7 =	vsub.s32 $0x5F3759DF, v7  }
0xc8: {  	v8 =	vmul.f32 v7, v6;
	_ =	sdelay $0x1  }
0xc9: {  	v8 =	vmul.f32 v7, v8;
	_ =	sdelay $0x1  }
0xca: {  	v8 =	vsub.f32 $1.500000000e+00, v8;
	_ =	sdelay $0x1  }
0xcb: {  	v7 =	vmul.f32 v7, v8;
	_ =	sdelay $0x1  }
0xcc: {  	v8 =	vmul.f32 v7, v6;
	_ =	sdelay $0x1  }
0xcd: {  	v8 =	vmul.f32 v8, v7;
	_ =	sdelay $0x1  }
0xce: {  	v8 =	vsub.f32 $1.500000000e+00, v8;
	_ =	sdelay $0x1  }
0xcf: {  	v7 =	vmul.f32 v8, v7;
	_ =	sdelay $0x1  }
0xd0: {  	v8 =	vld [tilespmem:$0x50A0];
	v6 =	vmul.f32 v7, v6;
	_ =	sdelay $0x1  }
0xd1: {  	v6 =	vmul.f32 v6, v7;
	_ =	sdelay $0x1  }
0xd2: {  	v6 =	vsub.f32 $1.500000000e+00, v6;
	_ =	sdelay $0x1  }
0xd3: {  	v6 =	vmul.f32 v6, v7;
	_ =	sdelay $0x1  }
0xd4: {  	[tilespmem:v8+s9+$0x0] =	vst.idx.add.f32.msk $0xffff, v6  }
0xd5: {  	v7 =	vld [tilespmem:$0x5030];
	_ =	sdelay $0x6  }
0xd6: {  	[tilespmem:$0x9920] =	vst v6  }
0xd7: {  	v6 =	vld.idx.msk [tilespmem:v7+s11+$0x0], $0xffff;
	_ =	sdelay $0x4  }
0xd8: {  	v6 =	vmax.f32 v6, $1.000000000e+00  }
0xd9: {  	v7 =	vshra.s32 v6, $0x1;
	v6 =	vmul.f32 $5.000000000e-01, v6  }
0xda: {  	v7 =	vsub.s32 $0x5F3759DF, v7  }
0xdb: {  	v8 =	vmul.f32 v7, v6;
	_ =	sdelay $0x1  }
0xdc: {  	v8 =	vmul.f32 v7, v8;
	_ =	sdelay $0x1  }
0xdd: {  	v8 =	vsub.f32 $1.500000000e+00, v8;
	_ =	sdelay $0x1  }
0xde: {  	v7 =	vmul.f32 v7, v8;
	_ =	sdelay $0x1  }
0xdf: {  	v8 =	vmul.f32 v7, v6;
	_ =	sdelay $0x1  }
0xe0: {  	v8 =	vmul.f32 v8, v7;
	_ =	sdelay $0x1  }
0xe1: {  	v8 =	vsub.f32 $1.500000000e+00, v8;
	_ =	sdelay $0x1  }
0xe2: {  	v7 =	vmul.f32 v8, v7;
	_ =	sdelay $0x1  }
0xe3: {  	v8 =	vld [tilespmem:$0x50B0];
	v6 =	vmul.f32 v7, v6;
	_ =	sdelay $0x1  }
0xe4: {  	v6 =	vmul.f32 v6, v7;
	_ =	sdelay $0x1  }
0xe5: {  	v6 =	vsub.f32 $1.500000000e+00, v6;
	_ =	sdelay $0x1  }
0xe6: {  	v6 =	vmul.f32 v6, v7;
	_ =	sdelay $0x1  }
0xe7: {  	v7 =	vmov s11;
	[tilespmem:v8+s9+$0x0] =	vst.idx.add.f32.msk $0xffff, v6  }
0xe8: {  	s15 =	simm.s32 $0x5140;
	[tilespmem:$0x9930] =	vst v6  }
0xe9: {  	v10 =	vld [tilespmem:s15+$0x30]  }
0xea: {  	v13 =	vld [tilespmem:s15+$0x10]  }
0xeb: {  	v11 =	vld [tilespmem:s15+$0xFFFFFFC0]  }
0xec: {  	v7 =	vld.idx.msk [tilespmem:v7+s10+$0x0], $0xffff  }
0xed: {  	v15 =	vld [tilespmem:s15+$0xFFFFFFE0]  }
0xee: {  	v6 =	vld [tilespmem:s15+$0xFFFFFFF0]  }
0xef: {  	v8 =	vld [tilespmem:s15+$0x20]  }
0xf0: {  	v9 =	vld [tilespmem:s15+$0xFFFFFFD0]  }
0xf1: {  	v14 =	vmul.f32 v10, v7;
	v10 =	vld [tilespmem:s15+$0x0]  }
0xf2: {  	v12 =	vmul.f32 v11, v7  }
0xf3: {  	s17 =	simm.s32 $0x5140;
	s16 =	simm.s32 $0x1;
	v11 =	vmul.f32 v15, v7;
	v13 =	vmul.f32 v13, v7  }
.LBB2_11:
0xf4: {  	p2 =	sne.s32 s16, $0x3F  }
0xf5: {  	v9 =	vmul.f32 v9, v7;
	v8 =	vmul.f32 v8, v7;
	[tilespmem:s15+$0x30] =	vst v14;
	s17 =	sadd.s32 $0x80, s17;
	s18 =	smov.u32 s16;
	s16 =	sadd.s32 $0x1, s16  }
0xf6: {  	[tilespmem:s15+$0xFFFFFFC0] =	vst v12;
	v12 =	vmul.f32 v6, v7;
	v7 =	vmul.f32 v10, v7  }
0xf7: {  	[tilespmem:s15+$0x10] =	vst v13  }
0xf8: {  	v10 =	vmov s18;
	[tilespmem:s15+$0xFFFFFFE0] =	vst v11  }
0xf9: {  	v6 =	vld [tilespmem:s17+$0xFFFFFFF0];
	[tilespmem:s15+$0xFFFFFFF0] =	vst v12  }
0xfa: {  	v11 =	vld [tilespmem:s17+$0x30];
	[tilespmem:s15+$0x0] =	vst v7  }
0xfb: {  	v13 =	vld [tilespmem:s17+$0x10];
	[tilespmem:s15+$0x20] =	vst v8  }
0xfc: {  	v12 =	vld [tilespmem:s17+$0xFFFFFFC0];
	[tilespmem:s15+$0xFFFFFFD0] =	vst v9;
	s15 =	smov.u32 s17  }
0xfd: {  	v7 =	vld.idx.msk [tilespmem:v10+s10+$0x0], $0xffff  }
0xfe: {  	v15 =	vld [tilespmem:s17+$0xFFFFFFE0]  }
0xff: {  	v8 =	vld [tilespmem:s17+$0x20]  }
.Ltmp6:
0x100: {  	v9 =	vld [tilespmem:s17+$0xFFFFFFD0];
	(pc) =	sbr.rel @p2 .LBB2_11-.Ltmp6, $3  }
0x101: {  	v10 =	vld [tilespmem:s17+$0x0];
	_ =	sdelay $0x1  }
0x102: {  	v12 =	vmul.f32 v12, v7;
	v14 =	vmul.f32 v11, v7  }
0x103: {  	v13 =	vmul.f32 v13, v7;
	v11 =	vmul.f32 v15, v7  }
0x104: {  	[tilespmem:s15+$0x30] =	vst v14  }
0x105: {  	[tilespmem:s15+$0xFFFFFFC0] =	vst v12  }
0x106: {  	v6 =	vmul.f32 v6, v7;
	[tilespmem:s15+$0x10] =	vst v13  }
0x107: {  	v8 =	vmul.f32 v8, v7;
	[tilespmem:s15+$0xFFFFFFE0] =	vst v11  }
0x108: {  	v10 =	vmul.f32 v10, v7;
	[tilespmem:s15+$0xFFFFFFF0] =	vst v6  }
0x109: {  	v6 =	vmul.f32 v9, v7;
	[tilespmem:s15+$0x20] =	vst v8  }
0x10a: {  	s14 =	sadd.s32 $0x1, s14;
	[tilespmem:s15+$0x0] =	vst v10  }
0x10b: {  	p2 =	seq.s32 s14, s13;
	[tilespmem:s15+$0xFFFFFFD0] =	vst v6  }
0x10c: {  	[spmem:s4] =	stream.indirect.scatter.add.f32 [tilespmem:s25], [sflag:$0x2], $0x80, s30, s31, $0xb8;
	[tilespmem:$0x1DD00] =	vst v63  }
.Ltmp7:
0x10d: {  	_ = 	snop;
	(pc) =	sbr.rel @!p2 .LBB2_10-.Ltmp7, $4  }
.Ltmp8:
0x10e: {  	_ = 	snop;
	(pc) =	sbr.rel @p2 .LBB2_8-.Ltmp8, $4  }
0x10f: {  	_ =	swait.ge [sflag:s26], $0x2000  }
0x110: {  	[sflag:s26] =	ssyncset.done $0x0  }
0x111: {  	[sflag:s26] =	ssyncadd.s32 $0xFFFFE000  }
0x112: {  	_ = 	snop  }
.LBB2_9:
0x113: {  	_ =	sfence.sel $0x180000  }
0x114: {  	[bflag:$0x0] =	sbarrier.arrive $0xFFFF  }
0x115: {  	_ =	strace $0x9000004A  }
0x116: {  	[bflag:$0x2] =	sbarrier.arrive $0xFFFF  }
0x117: {  	s0 =	rddreg [dreg:$0x7]  }
0x118: {  	s0 =	sadd.s32 @!p0 $0x100000, s0  }
0x119: {  	[sflag:s0] =	ssyncadd.tile.s32 @!p0 $0x1;
	_ =	shalt  }
.Lfunc_end2:
_tile_overlayer_lowered:
.L_overlay_start_2:
0x11a: {  	(tag) =	ssettag $0x2  }
0x11b: {  	s0 =	rddreg [dreg:$0x0];
	s2 =	stileid.u32  }
0x11c: {  	s1 =	rddreg [dreg:$0x1];
	p0 =	sne.s32 s2, $0x0  }
0x11d: {  	s3 =	rddreg [dreg:$0x2];
	[bflag:$0x3] =	sbarrier.arrive $0xFFFF;
	s2 =	simm.s32 @!p0 $0x1C02  }
0x11e: {  	[timem:s3], [sflag:s2] =	dma.local @!p0 [hbm:s0], s1  }
0x11f: {  	s0 =	simm.s32 @!p0 $0x2  }
0x120: {  	_ =	swait.ge @!p0 [sflag:s0], s1  }
0x121: {  	s1 =	ssub.s32 @!p0 $0x0, s1;
	[sflag:s0] =	ssyncset.done @!p0 $0x0  }
0x122: {  	[sflag:s0] =	ssyncadd.s32 @!p0 s1  }
0x123: {  	[bflag:$0x3] =	sbarrier.arrive $0xFFFF  }
0x124: {  	_ =	shalt  }

</sc_bundles>
